<compile_context>
chip_gen: v7x
topology: tpu7x:2x2x1
jax: 0.10.2.dev20260603
libtpu: 0.0.44.dev20260713+nightly
codegen_flags: <defaults>
</compile_context>

<pallas_src>
import dataclasses

import jax
import jax.numpy as jnp
from jax import lax
from jax.experimental import pallas as pl
from jax.experimental.pallas import tpu as pltpu
from jax.experimental.pallas import tpu_sc as plsc

_SC_PARAMS = pltpu.CompilerParams()
if "needs_layout_passes" in pltpu.CompilerParams.__dataclass_fields__:
    _SC_PARAMS = dataclasses.replace(_SC_PARAMS, needs_layout_passes=False)

_NPIX = 262144
_NF = 128
_NSP = 10000
_NSPP = 10240
_NE = 60000
_NEP = 61440
_NCLS = 21
_NCORES = 2
_NSUB = 16
_NW = _NCORES * _NSUB
_PIXW = _NPIX // _NW
_CHUNK = 64
_NCHUNK = _PIXW // _CHUNK
_CNTW = 16
_NSB = 4
_SBCH = _NCHUNK // _NSB
_ROWS_W = _NSPP // _NSUB
_NEW = 30
_EW = _NE // _NEW
_ECHUNK = 80
_NECH = _EW // _ECHUNK
_EPAD = 32


def _seg_body(feat_hbm, sp_hbm, sums_hbm, cnts_hbm,
              idx_v, buf_v, hist_v, tab_sh,
              sem0, sem1):
    cid = lax.axis_index("c")
    sid = lax.axis_index("s")
    wid = cid * _NSUB + sid

    z16 = jnp.zeros((16,), jnp.float32)
    o16 = jnp.ones((16,), jnp.float32)

    @pl.loop(0, _CHUNK)
    def _(i):
        for k in range(_NF // 16):
            buf_v[0, i, pl.ds(k * 16, 16)] = z16

    @pl.loop(0, _NSPP // 16)
    def _(i):
        hist_v[pl.ds(i * 16, 16)] = z16

    base_r = sid * _ROWS_W
    for r in range(_ROWS_W // _CHUNK):
        pltpu.sync_copy(buf_v.at[0], tab_sh.at[pl.ds(base_r + r * _CHUNK, _CHUNK)])

    plsc.subcore_barrier()

    pix0 = wid * _PIXW

    def rows(c):
        return feat_hbm.at[pl.ds(pix0 + c * _CHUNK, _CHUNK)]

    for sb in range(_NSB):
        ch0 = sb * _SBCH
        pltpu.sync_copy(sp_hbm.at[pl.ds(wid * _NCHUNK + ch0, _SBCH)], idx_v)
        pltpu.async_copy(rows(ch0), buf_v.at[0], sem0)
        pltpu.async_copy(rows(ch0 + 1), buf_v.at[1], sem1)

        @pl.loop(0, _SBCH, step=2)
        def _(c):
            g = ch0 + c
            pltpu.make_async_copy(rows(g), buf_v.at[0], sem0).wait()
            pltpu.sync_copy(buf_v.at[0], tab_sh.at[idx_v.at[c]], add=True)
            for k in range(_CHUNK // 16):
                plsc.addupdate_scatter(hist_v, [idx_v[c, pl.ds(k * 16, 16)]], o16)

            @pl.when(c + 2 < _SBCH)
            def _():
                pltpu.async_copy(rows(g + 2), buf_v.at[0], sem0)

            pltpu.make_async_copy(rows(g + 1), buf_v.at[1], sem1).wait()
            pltpu.sync_copy(buf_v.at[1], tab_sh.at[idx_v.at[c + 1]], add=True)
            for k in range(_CHUNK // 16):
                plsc.addupdate_scatter(hist_v, [idx_v[c + 1, pl.ds(k * 16, 16)]], o16)

            @pl.when(c + 3 < _SBCH)
            def _():
                pltpu.async_copy(rows(g + 3), buf_v.at[1], sem1)

    plsc.subcore_barrier()

    pltpu.sync_copy(tab_sh.at[pl.ds(base_r, _ROWS_W)],
                    sums_hbm.at[cid].at[pl.ds(base_r, _ROWS_W)])
    pltpu.sync_copy(hist_v, cnts_hbm.at[wid])


def _phase1(feat, sp2d):
    f = pl.kernel(
        _seg_body,
        out_type=(jax.ShapeDtypeStruct((_NCORES, _NSPP, _NF), jnp.float32),
                  jax.ShapeDtypeStruct((_NW, _NSPP), jnp.float32)),
        mesh=plsc.VectorSubcoreMesh(core_axis_name="c", subcore_axis_name="s"),
        compiler_params=_SC_PARAMS,
        scratch_types=[
            pltpu.VMEM((_SBCH, _CHUNK), jnp.int32),
            pltpu.VMEM((2, _CHUNK, _NF), jnp.float32),
            pltpu.VMEM((_NSPP,), jnp.float32),
            pltpu.VMEM_SHARED((_NSPP, _NF), jnp.float32),
            pltpu.SemaphoreType.DMA,
            pltpu.SemaphoreType.DMA,
        ],
    )
    return f(feat, sp2d)


def _proj_body(ps_ref, pc_ref, wn_ref, we_ref, npot_ref, tab_ref):
    sums = ps_ref[0] + ps_ref[1]
    cnts = jnp.sum(pc_ref[...], axis=0)
    inv = 1.0 / jnp.clip(cnts, 1e-12, None)
    nf = sums * inv[:, None]

    def dot_t(a, b):
        return lax.dot_general(a, b, (((1,), (1,)), ((), ())),
                               preferred_element_type=jnp.float32,
                               precision=lax.Precision.HIGHEST)

    npot_ref[...] = dot_t(nf, wn_ref[...])
    zpad = jnp.zeros((64 - _NCLS, _NF), jnp.float32)
    wab = jnp.concatenate([we_ref[:, :_NF], zpad, we_ref[:, _NF:], zpad], axis=0)
    tab_ref[...] = dot_t(nf, wab)


_BLK = 1280


def _phase2(psums, pcnts, W_node, W_edge):
    nblk = _NSPP // _BLK
    return pl.pallas_call(
        _proj_body,
        grid=(nblk,),
        in_specs=[
            pl.BlockSpec((2, _BLK, _NF), lambda i: (0, i, 0)),
            pl.BlockSpec((_NW, _BLK), lambda i: (0, i)),
            pl.BlockSpec((_NCLS, _NF), lambda i: (0, 0)),
            pl.BlockSpec((_NCLS, 2 * _NF), lambda i: (0, 0)),
        ],
        out_specs=[
            pl.BlockSpec((_BLK, _NCLS), lambda i: (i, 0)),
            pl.BlockSpec((_BLK, _NF), lambda i: (i, 0)),
        ],
        out_shape=(jax.ShapeDtypeStruct((_NSP, _NCLS), jnp.float32),
                   jax.ShapeDtypeStruct((_NSPP, _NF), jnp.float32)),
    )(psums, pcnts, W_node, W_edge)




def _edge_body(tab_hbm, i0_hbm, i1_hbm, out_hbm,
               i0_v, i1_v, ba_v, bb_v, out_v, tab_sh, sga, sgb):
    cid = lax.axis_index("c")
    sid = lax.axis_index("s")
    wid = cid * _NSUB + sid

    seg = _NSPP // _NSUB
    pltpu.sync_copy(tab_hbm.at[pl.ds(sid * seg, seg)],
                    tab_sh.at[pl.ds(sid * seg, seg)])
    plsc.subcore_barrier()
    ebase = wid * _EW

    @pl.when(wid < _NEW)
    def _():
        pltpu.sync_copy(i0_hbm.at[wid], i0_v)
        pltpu.sync_copy(i1_hbm.at[wid], i1_v)

        @pl.loop(0, _NECH)
        def _(j):
            ca = pltpu.async_copy(tab_sh.at[i0_v.at[j]], ba_v, sga)
            cb = pltpu.async_copy(tab_sh.at[i1_v.at[j]], bb_v, sgb)
            ca.wait()
            cb.wait()

            @pl.loop(0, _ECHUNK)
            def _(i):
                out_v[i, pl.ds(0, 16)] = ba_v[i, pl.ds(0, 16)] + bb_v[i, pl.ds(64, 16)]
                out_v[i, pl.ds(5, 16)] = ba_v[i, pl.ds(5, 16)] + bb_v[i, pl.ds(69, 16)]

            pltpu.sync_copy(out_v, out_hbm.at[pl.ds(ebase + j * _ECHUNK, _ECHUNK)])


def _phase3(tab, e0, e1):
    f = pl.kernel(
        _edge_body,
        out_type=jax.ShapeDtypeStruct((_NE, _NCLS), jnp.float32),
        mesh=plsc.VectorSubcoreMesh(core_axis_name="c", subcore_axis_name="s"),
        compiler_params=_SC_PARAMS,
        scratch_types=[
            pltpu.VMEM((_NECH, _ECHUNK), jnp.int32),
            pltpu.VMEM((_NECH, _ECHUNK), jnp.int32),
            pltpu.VMEM((_ECHUNK, _NF), jnp.float32),
            pltpu.VMEM((_ECHUNK, _NF), jnp.float32),
            pltpu.VMEM((_ECHUNK, _NCLS), jnp.float32),
            pltpu.VMEM_SHARED((_NSPP, _NF), jnp.float32),
            pltpu.SemaphoreType.DMA,
            pltpu.SemaphoreType.DMA,
        ],
    )
    return f(tab, e0, e1)


def kernel(image, superpixel, edge_indexes, W_node, W_edge):
    feat = image.reshape(_NPIX, _NF)
    sp2d = superpixel.reshape(_NPIX // _CHUNK, _CHUNK)
    e0 = jnp.reshape(edge_indexes[:, 0], (_NEW, _NECH, _ECHUNK))
    e1 = jnp.reshape(edge_indexes[:, 1], (_NEW, _NECH, _ECHUNK))

    psums, pcnts = _phase1(feat, sp2d)
    npot, tab = _phase2(psums, pcnts, W_node, W_edge)
    ep = _phase3(tab, e0, e1)
    return (npot, ep)

# --- scband reference (transcript-rebuilt; emitter-appended) ---
"""Pipeline reference for scband-struct-svmmodel-70119636074682 (READ-ONLY COPY).

The authoritative reference and input builder live on the scoring server;
editing this copy changes nothing except your own understanding.
"""

import jax, jax.numpy as jnp
import numpy as np

H = 512
W = 512
N_FEAT = 128
N_CLASSES = 21
NUM_SP = 10000
N_EDGES = 60000


def setup_inputs(seed: int = 0) -> dict:
    key = jax.random.key(seed)
    k1, k2, k3, k4, k5 = jax.random.split(key, 5)
    image = jax.random.normal(k1, (1, H, W, N_FEAT), dtype=jnp.float32)
    superpixel = jax.random.randint(k2, (1, H, W), 0, NUM_SP, dtype=jnp.int32)
    edge_indexes = jax.random.randint(k3, (N_EDGES, 2), 0, NUM_SP, dtype=jnp.int32)
    # nn.Linear weights (out_features, in_features), no bias
    W_node = jax.random.normal(k4, (N_CLASSES, N_FEAT), dtype=jnp.float32) * (1.0 / np.sqrt(N_FEAT))
    W_edge = jax.random.normal(k5, (N_CLASSES, 2 * N_FEAT), dtype=jnp.float32) * (1.0 / np.sqrt(2 * N_FEAT))
    return {"image": image, "superpixel": superpixel, "edge_indexes": edge_indexes, "W_node": W_node, "W_edge": W_edge}


def reference(image, superpixel, edge_indexes, W_node, W_edge):
    # backbone is identity: image is already the (1, H, W, n_feat) feature map
    features = image
    sp_flat = superpixel.reshape(-1)
    features_flat = features.reshape(-1, N_FEAT)
    # M is a row-L1-normalized one-hot assignment matrix; M @ features == per-superpixel mean
    sums = jax.ops.segment_sum(features_flat, sp_flat, num_segments=NUM_SP)
    counts = jax.ops.segment_sum(jnp.ones((sp_flat.shape[0],), jnp.float32), sp_flat, num_segments=NUM_SP)
    node_features = sums / jnp.clip(counts, 1e-12, None)[:, None]
    # edge feature aggregation: gather endpoint node features and concat
    nodes_in_edges = node_features[edge_indexes, :]  # (E, 2, n_feat)
    edge_features = nodes_in_edges.reshape(-1, 2 * N_FEAT)
    node_potentials = node_features @ W_node.T
    edge_potentials = edge_features @ W_edge.T
    return (node_potentials, edge_potentials)

if __name__ == "__main__":
    import jax
    _d = setup_inputs()
    print(jax.jit(kernel)(*tuple(_d.values())))

</pallas_src>

<mosaic_0001>
#map = affine_map<(d0, d1) -> (0, 0)>
#map1 = affine_map<(d0, d1) -> (0, 0, 0)>
module attributes {stable_mosaic.version = 14 : i64} {
  func.func @_edge_body(%arg0: i32, %arg1: i32, %arg2: memref<10240x128xf32, #tpu.memory_space<hbm>>, %arg3: memref<30x25x80xi32, #tpu.memory_space<hbm>>, %arg4: memref<30x25x80xi32, #tpu.memory_space<hbm>>, %arg5: memref<60000x21xf32, #tpu.memory_space<hbm>>, %arg6: memref<25x80xi32, #tpu.memory_space<vmem>>, %arg7: memref<25x80xi32, #tpu.memory_space<vmem>>, %arg8: memref<80x128xf32, #tpu.memory_space<vmem>>, %arg9: memref<80x128xf32, #tpu.memory_space<vmem>>, %arg10: memref<80x21xf32, #tpu.memory_space<vmem>>, %arg11: memref<10240x128xf32, #tpu.memory_space<vmem_shared>>, %arg12: memref<!tpu.dma_semaphore, #tpu.memory_space<semaphore_mem>>, %arg13: memref<!tpu.dma_semaphore, #tpu.memory_space<semaphore_mem>>) attributes {dimension_semantics = [#tpu.dimension_semantics<core_parallel>, #tpu.dimension_semantics<subcore_parallel>], iteration_bounds = array<i64: 2, 16>, scalar_prefetch = 0 : i64, scratch_operands = 8 : i64, tpu.core_type = #tpu.core_type<sc_vector_subcore>, window_params = [{transform_indices = #map}, {transform_indices = #map1}, {transform_indices = #map1}, {transform_indices = #map}]} {
    %mul3A = arith.constant 16 : i32
    %mul3A_0 = arith.muli %arg0, %mul3A : i32
    %add3A = arith.addi %mul3A_0, %arg1 : i32
    %mul3A_1 = arith.constant 640 : i32
    %mul3A_2 = arith.muli %arg1, %mul3A_1 : i32
    %mul3A_3 = arith.constant 640 : i32
    %mul3A_4 = arith.muli %arg1, %mul3A_3 : i32
    "tpu.region"() ({
      %run_scoped3A = tpu.sem_alloc : memref<!tpu.dma_semaphore, #tpu.memory_space<semaphore_mem>>
      %dma_start3A = arith.constant 0 : i32
      %dma_start3A_9 = tpu.memref_slice %arg11[%mul3A_4, %dma_start3A] : memref<10240x128xf32, #tpu.memory_space<vmem_shared>> -> memref<640x128xf32, #tpu.memory_space<vmem_shared>>
      %dma_start3A_10 = arith.constant 0 : i32
      %dma_start3A_11 = tpu.memref_slice %arg2[%mul3A_2, %dma_start3A_10] : memref<10240x128xf32, #tpu.memory_space<hbm>> -> memref<640x128xf32, #tpu.memory_space<hbm>>
      tpu.enqueue_dma source(%dma_start3A_11 : memref<640x128xf32, #tpu.memory_space<hbm>>) target(%dma_start3A_9 : memref<640x128xf32, #tpu.memory_space<vmem_shared>>) target_semaphore(%run_scoped3A : memref<!tpu.dma_semaphore, #tpu.memory_space<semaphore_mem>>)
      %dma_wait3A = arith.constant 0 : i32
      %dma_wait3A_12 = tpu.memref_slice %arg11[%mul3A_4, %dma_wait3A] : memref<10240x128xf32, #tpu.memory_space<vmem_shared>> -> memref<640x128xf32, #tpu.memory_space<vmem_shared>>
      %dma_wait3A_13 = arith.constant 0 : i32
      %dma_wait3A_14 = tpu.memref_slice %arg2[%mul3A_2, %dma_wait3A_13] : memref<10240x128xf32, #tpu.memory_space<hbm>> -> memref<640x128xf32, #tpu.memory_space<hbm>>
      tpu.wait_dma2 semaphore(%run_scoped3A : memref<!tpu.dma_semaphore, #tpu.memory_space<semaphore_mem>>) src(%dma_wait3A_14 : memref<640x128xf32, #tpu.memory_space<hbm>>) dst(%dma_wait3A_12 : memref<640x128xf32, #tpu.memory_space<vmem_shared>>)
      tpu.yield
    }) : () -> ()
    %barrier3A = arith.constant 0 : index
    tpu.barrier barrier_id(%barrier3A)
    %mul3A_5 = arith.constant 2000 : i32
    %mul3A_6 = arith.muli %add3A, %mul3A_5 : i32
    %lt3A = arith.constant 30 : i32
    %lt3A_7 = arith.cmpi slt, %add3A, %lt3A : i32
    %convert_element_type3A = arith.extui %lt3A_7 : i1 to i32
    %cond3A = arith.constant 0 : i32
    %cond3A_8 = arith.cmpi ne, %convert_element_type3A, %cond3A : i32
    scf.if %cond3A_8 {
      "tpu.region"() ({
        %run_scoped3A = tpu.sem_alloc : memref<!tpu.dma_semaphore, #tpu.memory_space<semaphore_mem>>
        %dma_start3A = arith.constant 0 : i32
        %dma_start3A_13 = arith.constant 0 : i32
        %dma_start3A_14 = tpu.memref_slice %arg3[%add3A, %dma_start3A, %dma_start3A_13] : memref<30x25x80xi32, #tpu.memory_space<hbm>> -> memref<1x25x80xi32, #tpu.memory_space<hbm>>
        %dma_start3A_15 = tpu.memref_squeeze %dma_start3A_14 : memref<1x25x80xi32, #tpu.memory_space<hbm>> -> memref<25x80xi32, #tpu.memory_space<hbm>>
        %dma_start3A_16 = arith.constant 0 : i32
        %dma_start3A_17 = arith.constant 0 : i32
        %dma_start3A_18 = tpu.memref_slice %arg3[%add3A, %dma_start3A_16, %dma_start3A_17] : memref<30x25x80xi32, #tpu.memory_space<hbm>> -> memref<1x25x80xi32, #tpu.memory_space<hbm>>
        %dma_start3A_19 = tpu.memref_squeeze %dma_start3A_18 : memref<1x25x80xi32, #tpu.memory_space<hbm>> -> memref<25x80xi32, #tpu.memory_space<hbm>>
        tpu.enqueue_dma source(%dma_start3A_19 : memref<25x80xi32, #tpu.memory_space<hbm>>) target(%arg6 : memref<25x80xi32, #tpu.memory_space<vmem>>) target_semaphore(%run_scoped3A : memref<!tpu.dma_semaphore, #tpu.memory_space<semaphore_mem>>)
        %dma_wait3A = arith.constant 0 : i32
        %dma_wait3A_20 = arith.constant 0 : i32
        %dma_wait3A_21 = tpu.memref_slice %arg3[%add3A, %dma_wait3A, %dma_wait3A_20] : memref<30x25x80xi32, #tpu.memory_space<hbm>> -> memref<1x25x80xi32, #tpu.memory_space<hbm>>
        %dma_wait3A_22 = tpu.memref_squeeze %dma_wait3A_21 : memref<1x25x80xi32, #tpu.memory_space<hbm>> -> memref<25x80xi32, #tpu.memory_space<hbm>>
        %dma_wait3A_23 = arith.constant 0 : i32
        %dma_wait3A_24 = arith.constant 0 : i32
        %dma_wait3A_25 = tpu.memref_slice %arg3[%add3A, %dma_wait3A_23, %dma_wait3A_24] : memref<30x25x80xi32, #tpu.memory_space<hbm>> -> memref<1x25x80xi32, #tpu.memory_space<hbm>>
        %dma_wait3A_26 = tpu.memref_squeeze %dma_wait3A_25 : memref<1x25x80xi32, #tpu.memory_space<hbm>> -> memref<25x80xi32, #tpu.memory_space<hbm>>
        tpu.wait_dma2 semaphore(%run_scoped3A : memref<!tpu.dma_semaphore, #tpu.memory_space<semaphore_mem>>) src(%dma_wait3A_26 : memref<25x80xi32, #tpu.memory_space<hbm>>) dst(%arg6 : memref<25x80xi32, #tpu.memory_space<vmem>>)
        tpu.yield
      }) : () -> ()
      "tpu.region"() ({
        %run_scoped3A = tpu.sem_alloc : memref<!tpu.dma_semaphore, #tpu.memory_space<semaphore_mem>>
        %dma_start3A = arith.constant 0 : i32
        %dma_start3A_13 = arith.constant 0 : i32
        %dma_start3A_14 = tpu.memref_slice %arg4[%add3A, %dma_start3A, %dma_start3A_13] : memref<30x25x80xi32, #tpu.memory_space<hbm>> -> memref<1x25x80xi32, #tpu.memory_space<hbm>>
        %dma_start3A_15 = tpu.memref_squeeze %dma_start3A_14 : memref<1x25x80xi32, #tpu.memory_space<hbm>> -> memref<25x80xi32, #tpu.memory_space<hbm>>
        %dma_start3A_16 = arith.constant 0 : i32
        %dma_start3A_17 = arith.constant 0 : i32
        %dma_start3A_18 = tpu.memref_slice %arg4[%add3A, %dma_start3A_16, %dma_start3A_17] : memref<30x25x80xi32, #tpu.memory_space<hbm>> -> memref<1x25x80xi32, #tpu.memory_space<hbm>>
        %dma_start3A_19 = tpu.memref_squeeze %dma_start3A_18 : memref<1x25x80xi32, #tpu.memory_space<hbm>> -> memref<25x80xi32, #tpu.memory_space<hbm>>
        tpu.enqueue_dma source(%dma_start3A_19 : memref<25x80xi32, #tpu.memory_space<hbm>>) target(%arg7 : memref<25x80xi32, #tpu.memory_space<vmem>>) target_semaphore(%run_scoped3A : memref<!tpu.dma_semaphore, #tpu.memory_space<semaphore_mem>>)
        %dma_wait3A = arith.constant 0 : i32
        %dma_wait3A_20 = arith.constant 0 : i32
        %dma_wait3A_21 = tpu.memref_slice %arg4[%add3A, %dma_wait3A, %dma_wait3A_20] : memref<30x25x80xi32, #tpu.memory_space<hbm>> -> memref<1x25x80xi32, #tpu.memory_space<hbm>>
        %dma_wait3A_22 = tpu.memref_squeeze %dma_wait3A_21 : memref<1x25x80xi32, #tpu.memory_space<hbm>> -> memref<25x80xi32, #tpu.memory_space<hbm>>
        %dma_wait3A_23 = arith.constant 0 : i32
        %dma_wait3A_24 = arith.constant 0 : i32
        %dma_wait3A_25 = tpu.memref_slice %arg4[%add3A, %dma_wait3A_23, %dma_wait3A_24] : memref<30x25x80xi32, #tpu.memory_space<hbm>> -> memref<1x25x80xi32, #tpu.memory_space<hbm>>
        %dma_wait3A_26 = tpu.memref_squeeze %dma_wait3A_25 : memref<1x25x80xi32, #tpu.memory_space<hbm>> -> memref<25x80xi32, #tpu.memory_space<hbm>>
        tpu.wait_dma2 semaphore(%run_scoped3A : memref<!tpu.dma_semaphore, #tpu.memory_space<semaphore_mem>>) src(%dma_wait3A_26 : memref<25x80xi32, #tpu.memory_space<hbm>>) dst(%arg7 : memref<25x80xi32, #tpu.memory_space<vmem>>)
        tpu.yield
      }) : () -> ()
      %scan3A = arith.constant 0 : i32
      %scan3A_9 = arith.constant 25 : i32
      %scan3A_10 = arith.addi %scan3A, %scan3A_9 : i32
      %scan3A_11 = arith.constant 1 : i32
      scf.for %scan3A_13 = %scan3A to %scan3A_10 step %scan3A_11  : i32 {
        %mul3A_14 = arith.constant 1 : i32
        %mul3A_15 = arith.muli %scan3A_13, %mul3A_14 : i32
        %add3A_16 = arith.constant 0 : i32
        %add3A_17 = arith.addi %add3A_16, %mul3A_15 : i32
        %dma_start3A = arith.constant 0 : i32
        %dma_start3A_18 = tpu.memref_slice %arg6[%add3A_17, %dma_start3A] : memref<25x80xi32, #tpu.memory_space<vmem>> -> memref<1x80xi32, #tpu.memory_space<vmem>>
        %dma_start3A_19 = tpu.memref_squeeze %dma_start3A_18 : memref<1x80xi32, #tpu.memory_space<vmem>> -> memref<80xi32, #tpu.memory_space<vmem>>
        %dma_start3A_20 = arith.constant 0 : i32
        %dma_start3A_21 = arith.constant 0 : i32
        %dma_start3A_22 = tpu.memref_slice %arg11[%dma_start3A_20, %dma_start3A_21] : memref<10240x128xf32, #tpu.memory_space<vmem_shared>> -> memref<10240x128xf32, #tpu.memory_space<vmem_shared>>
        tpu.enqueue_indirect_dma source(%dma_start3A_22 : memref<10240x128xf32, #tpu.memory_space<vmem_shared>>) target(%arg8 : memref<80x128xf32, #tpu.memory_space<vmem>>) offsets(%dma_start3A_19 : memref<80xi32, #tpu.memory_space<vmem>>) semaphore(%arg12 : memref<!tpu.dma_semaphore, #tpu.memory_space<semaphore_mem>>)
        %dma_start3A_23 = arith.constant 0 : i32
        %dma_start3A_24 = tpu.memref_slice %arg7[%add3A_17, %dma_start3A_23] : memref<25x80xi32, #tpu.memory_space<vmem>> -> memref<1x80xi32, #tpu.memory_space<vmem>>
        %dma_start3A_25 = tpu.memref_squeeze %dma_start3A_24 : memref<1x80xi32, #tpu.memory_space<vmem>> -> memref<80xi32, #tpu.memory_space<vmem>>
        %dma_start3A_26 = arith.constant 0 : i32
        %dma_start3A_27 = arith.constant 0 : i32
        %dma_start3A_28 = tpu.memref_slice %arg11[%dma_start3A_26, %dma_start3A_27] : memref<10240x128xf32, #tpu.memory_space<vmem_shared>> -> memref<10240x128xf32, #tpu.memory_space<vmem_shared>>
        tpu.enqueue_indirect_dma source(%dma_start3A_28 : memref<10240x128xf32, #tpu.memory_space<vmem_shared>>) target(%arg9 : memref<80x128xf32, #tpu.memory_space<vmem>>) offsets(%dma_start3A_25 : memref<80xi32, #tpu.memory_space<vmem>>) semaphore(%arg13 : memref<!tpu.dma_semaphore, #tpu.memory_space<semaphore_mem>>)
        %dma_wait3A = arith.constant 0 : i32
        %dma_wait3A_29 = tpu.memref_slice %arg6[%add3A_17, %dma_wait3A] : memref<25x80xi32, #tpu.memory_space<vmem>> -> memref<1x80xi32, #tpu.memory_space<vmem>>
        %dma_wait3A_30 = tpu.memref_squeeze %dma_wait3A_29 : memref<1x80xi32, #tpu.memory_space<vmem>> -> memref<80xi32, #tpu.memory_space<vmem>>
        %dma_wait3A_31 = arith.constant 0 : i32
        %dma_wait3A_32 = arith.constant 0 : i32
        %dma_wait3A_33 = tpu.memref_slice %arg11[%dma_wait3A_31, %dma_wait3A_32] : memref<10240x128xf32, #tpu.memory_space<vmem_shared>> -> memref<10240x128xf32, #tpu.memory_space<vmem_shared>>
        tpu.wait_indirect_dma semaphore(%arg12 : memref<!tpu.dma_semaphore, #tpu.memory_space<semaphore_mem>>) src(%dma_wait3A_33 : memref<10240x128xf32, #tpu.memory_space<vmem_shared>>) dst(%arg8 : memref<80x128xf32, #tpu.memory_space<vmem>>)
        %dma_wait3A_34 = arith.constant 0 : i32
        %dma_wait3A_35 = tpu.memref_slice %arg7[%add3A_17, %dma_wait3A_34] : memref<25x80xi32, #tpu.memory_space<vmem>> -> memref<1x80xi32, #tpu.memory_space<vmem>>
        %dma_wait3A_36 = tpu.memref_squeeze %dma_wait3A_35 : memref<1x80xi32, #tpu.memory_space<vmem>> -> memref<80xi32, #tpu.memory_space<vmem>>
        %dma_wait3A_37 = arith.constant 0 : i32
        %dma_wait3A_38 = arith.constant 0 : i32
        %dma_wait3A_39 = tpu.memref_slice %arg11[%dma_wait3A_37, %dma_wait3A_38] : memref<10240x128xf32, #tpu.memory_space<vmem_shared>> -> memref<10240x128xf32, #tpu.memory_space<vmem_shared>>
        tpu.wait_indirect_dma semaphore(%arg13 : memref<!tpu.dma_semaphore, #tpu.memory_space<semaphore_mem>>) src(%dma_wait3A_39 : memref<10240x128xf32, #tpu.memory_space<vmem_shared>>) dst(%arg9 : memref<80x128xf32, #tpu.memory_space<vmem>>)
        %scan3A_40 = arith.constant 0 : i32
        %scan3A_41 = arith.constant 80 : i32
        %scan3A_42 = arith.addi %scan3A_40, %scan3A_41 : i32
        %scan3A_43 = arith.constant 1 : i32
        scf.for %scan3A_48 = %scan3A_40 to %scan3A_42 step %scan3A_43  : i32 {
          %mul3A_49 = arith.constant 1 : i32
          %mul3A_50 = arith.muli %scan3A_48, %mul3A_49 : i32
          %add3A_51 = arith.constant 0 : i32
          %add3A_52 = arith.addi %add3A_51, %mul3A_50 : i32
          %get3A = arith.index_cast %add3A_52 : i32 to index
          %get3A_53 = arith.constant 0 : index
          %get3A_54 = tpu.vector_load %arg8[%get3A, %get3A_53] {strides = array<i32>} : memref<80x128xf32, #tpu.memory_space<vmem>>, vector<16xf32>,
          %get3A_55 = arith.index_cast %add3A_52 : i32 to index
          %get3A_56 = arith.constant 64 : index
          %get3A_57 = tpu.vector_load %arg9[%get3A_55, %get3A_56] {strides = array<i32>} : memref<80x128xf32, #tpu.memory_space<vmem>>, vector<16xf32>,
          %add3A_58 = arith.addf %get3A_54, %get3A_57 : vector<16xf32>
          %swap3A = arith.index_cast %add3A_52 : i32 to index
          %swap3A_59 = arith.constant 0 : index
          %swap3A_60 = tpu.vector_load %arg10[%swap3A, %swap3A_59] {strides = array<i32>} : memref<80x21xf32, #tpu.memory_space<vmem>>, vector<16xf32>,
          tpu.vector_store %arg10[%swap3A, %swap3A_59], %add3A_58 {strides = array<i32>} : memref<80x21xf32, #tpu.memory_space<vmem>>, vector<16xf32>,
          %get3A_61 = arith.index_cast %add3A_52 : i32 to index
          %get3A_62 = arith.constant 5 : index
          %get3A_63 = tpu.vector_load %arg8[%get3A_61, %get3A_62] {strides = array<i32>} : memref<80x128xf32, #tpu.memory_space<vmem>>, vector<16xf32>,
          %get3A_64 = arith.index_cast %add3A_52 : i32 to index
          %get3A_65 = arith.constant 69 : index
          %get3A_66 = tpu.vector_load %arg9[%get3A_64, %get3A_65] {strides = array<i32>} : memref<80x128xf32, #tpu.memory_space<vmem>>, vector<16xf32>,
          %add3A_67 = arith.addf %get3A_63, %get3A_66 : vector<16xf32>
          %swap3A_68 = arith.index_cast %add3A_52 : i32 to index
          %swap3A_69 = arith.constant 5 : index
          %swap3A_70 = tpu.vector_load %arg10[%swap3A_68, %swap3A_69] {strides = array<i32>} : memref<80x21xf32, #tpu.memory_space<vmem>>, vector<16xf32>,
          tpu.vector_store %arg10[%swap3A_68, %swap3A_69], %add3A_67 {strides = array<i32>} : memref<80x21xf32, #tpu.memory_space<vmem>>, vector<16xf32>,
        }
        %scan3A_44 = arith.constant 80 : i32
        %mul3A_45 = arith.constant 80 : i32
        %mul3A_46 = arith.muli %add3A_17, %mul3A_45 : i32
        %add3A_47 = arith.addi %mul3A_6, %mul3A_46 : i32
        "tpu.region"() ({
          %run_scoped3A = tpu.sem_alloc : memref<!tpu.dma_semaphore, #tpu.memory_space<semaphore_mem>>
          %dma_start3A_48 = arith.constant 0 : i32
          %dma_start3A_49 = tpu.memref_slice %arg5[%add3A_47, %dma_start3A_48] : memref<60000x21xf32, #tpu.memory_space<hbm>> -> memref<80x21xf32, #tpu.memory_space<hbm>>
          %dma_start3A_50 = arith.constant 0 : i32
          %dma_start3A_51 = tpu.memref_slice %arg5[%add3A_47, %dma_start3A_50] : memref<60000x21xf32, #tpu.memory_space<hbm>> -> memref<80x21xf32, #tpu.memory_space<hbm>>
          tpu.enqueue_dma source(%arg10 : memref<80x21xf32, #tpu.memory_space<vmem>>) target(%dma_start3A_51 : memref<80x21xf32, #tpu.memory_space<hbm>>) target_semaphore(%run_scoped3A : memref<!tpu.dma_semaphore, #tpu.memory_space<semaphore_mem>>)
          %dma_wait3A_52 = arith.constant 0 : i32
          %dma_wait3A_53 = tpu.memref_slice %arg5[%add3A_47, %dma_wait3A_52] : memref<60000x21xf32, #tpu.memory_space<hbm>> -> memref<80x21xf32, #tpu.memory_space<hbm>>
          %dma_wait3A_54 = arith.constant 0 : i32
          %dma_wait3A_55 = tpu.memref_slice %arg5[%add3A_47, %dma_wait3A_54] : memref<60000x21xf32, #tpu.memory_space<hbm>> -> memref<80x21xf32, #tpu.memory_space<hbm>>
          tpu.wait_dma2 semaphore(%run_scoped3A : memref<!tpu.dma_semaphore, #tpu.memory_space<semaphore_mem>>) src(%arg10 : memref<80x21xf32, #tpu.memory_space<vmem>>) dst(%dma_wait3A_55 : memref<80x21xf32, #tpu.memory_space<hbm>>)
          tpu.yield
        }) : () -> ()
      }
      %scan3A_12 = arith.constant 25 : i32
    } else {
    }
    return
  }
}

#map = affine_map<(d0, d1) -> (0, 0)>
#map1 = affine_map<(d0, d1) -> (0, 0, 0)>
module attributes {stable_mosaic.version = 14 : i64} {
  func.func @_seg_body(%arg0: i32, %arg1: i32, %arg2: memref<262144x128xf32, #tpu.memory_space<hbm>>, %arg3: memref<4096x64xi32, #tpu.memory_space<hbm>>, %arg4: memref<2x10240x128xf32, #tpu.memory_space<hbm>>, %arg5: memref<32x10240xf32, #tpu.memory_space<hbm>>, %arg6: memref<32x64xi32, #tpu.memory_space<vmem>>, %arg7: memref<2x64x128xf32, #tpu.memory_space<vmem>>, %arg8: memref<10240xf32, #tpu.memory_space<vmem>>, %arg9: memref<10240x128xf32, #tpu.memory_space<vmem_shared>>, %arg10: memref<!tpu.dma_semaphore, #tpu.memory_space<semaphore_mem>>, %arg11: memref<!tpu.dma_semaphore, #tpu.memory_space<semaphore_mem>>) attributes {dimension_semantics = [#tpu.dimension_semantics<core_parallel>, #tpu.dimension_semantics<subcore_parallel>], iteration_bounds = array<i64: 2, 16>, scalar_prefetch = 0 : i64, scratch_operands = 6 : i64, tpu.core_type = #tpu.core_type<sc_vector_subcore>, window_params = [{transform_indices = #map}, {transform_indices = #map}, {transform_indices = #map1}, {transform_indices = #map}]} {
    %mul3A = arith.constant 16 : i32
    %mul3A_0 = arith.muli %arg0, %mul3A : i32
    %add3A = arith.addi %mul3A_0, %arg1 : i32
    %broadcast_in_dim3A = arith.constant 0.000000e+00 : f32
    %broadcast_in_dim3A_1 = vector.broadcast %broadcast_in_dim3A : f32 to vector<16xf32>
    %broadcast_in_dim3A_2 = arith.constant 1.000000e+00 : f32
    %broadcast_in_dim3A_3 = vector.broadcast %broadcast_in_dim3A_2 : f32 to vector<16xf32>
    %scan3A = arith.constant 0 : i32
    %scan3A_4 = arith.constant 64 : i32
    %scan3A_5 = arith.addi %scan3A, %scan3A_4 : i32
    %scan3A_6 = arith.constant 1 : i32
    scf.for %scan3A_202 = %scan3A to %scan3A_5 step %scan3A_6  : i32 {
      %mul3A_203 = arith.constant 1 : i32
      %mul3A_204 = arith.muli %scan3A_202, %mul3A_203 : i32
      %add3A_205 = arith.constant 0 : i32
      %add3A_206 = arith.addi %add3A_205, %mul3A_204 : i32
      %swap3A = arith.constant 0 : i32
      %swap3A_207 = arith.index_cast %swap3A : i32 to index
      %swap3A_208 = arith.index_cast %add3A_206 : i32 to index
      %swap3A_209 = arith.constant 0 : index
      %swap3A_210 = tpu.vector_load %arg7[%swap3A_207, %swap3A_208, %swap3A_209] {strides = array<i32>} : memref<2x64x128xf32, #tpu.memory_space<vmem>>, vector<16xf32>,
      tpu.vector_store %arg7[%swap3A_207, %swap3A_208, %swap3A_209], %broadcast_in_dim3A_1 {strides = array<i32>} : memref<2x64x128xf32, #tpu.memory_space<vmem>>, vector<16xf32>,
      %swap3A_211 = arith.constant 0 : i32
      %swap3A_212 = arith.index_cast %swap3A_211 : i32 to index
      %swap3A_213 = arith.index_cast %add3A_206 : i32 to index
      %swap3A_214 = arith.constant 16 : index
      %swap3A_215 = tpu.vector_load %arg7[%swap3A_212, %swap3A_213, %swap3A_214] {strides = array<i32>} : memref<2x64x128xf32, #tpu.memory_space<vmem>>, vector<16xf32>,
      tpu.vector_store %arg7[%swap3A_212, %swap3A_213, %swap3A_214], %broadcast_in_dim3A_1 {strides = array<i32>} : memref<2x64x128xf32, #tpu.memory_space<vmem>>, vector<16xf32>,
      %swap3A_216 = arith.constant 0 : i32
      %swap3A_217 = arith.index_cast %swap3A_216 : i32 to index
      %swap3A_218 = arith.index_cast %add3A_206 : i32 to index
      %swap3A_219 = arith.constant 32 : index
      %swap3A_220 = tpu.vector_load %arg7[%swap3A_217, %swap3A_218, %swap3A_219] {strides = array<i32>} : memref<2x64x128xf32, #tpu.memory_space<vmem>>, vector<16xf32>,
      tpu.vector_store %arg7[%swap3A_217, %swap3A_218, %swap3A_219], %broadcast_in_dim3A_1 {strides = array<i32>} : memref<2x64x128xf32, #tpu.memory_space<vmem>>, vector<16xf32>,
      %swap3A_221 = arith.constant 0 : i32
      %swap3A_222 = arith.index_cast %swap3A_221 : i32 to index
      %swap3A_223 = arith.index_cast %add3A_206 : i32 to index
      %swap3A_224 = arith.constant 48 : index
      %swap3A_225 = tpu.vector_load %arg7[%swap3A_222, %swap3A_223, %swap3A_224] {strides = array<i32>} : memref<2x64x128xf32, #tpu.memory_space<vmem>>, vector<16xf32>,
      tpu.vector_store %arg7[%swap3A_222, %swap3A_223, %swap3A_224], %broadcast_in_dim3A_1 {strides = array<i32>} : memref<2x64x128xf32, #tpu.memory_space<vmem>>, vector<16xf32>,
      %swap3A_226 = arith.constant 0 : i32
      %swap3A_227 = arith.index_cast %swap3A_226 : i32 to index
      %swap3A_228 = arith.index_cast %add3A_206 : i32 to index
      %swap3A_229 = arith.constant 64 : index
      %swap3A_230 = tpu.vector_load %arg7[%swap3A_227, %swap3A_228, %swap3A_229] {strides = array<i32>} : memref<2x64x128xf32, #tpu.memory_space<vmem>>, vector<16xf32>,
      tpu.vector_store %arg7[%swap3A_227, %swap3A_228, %swap3A_229], %broadcast_in_dim3A_1 {strides = array<i32>} : memref<2x64x128xf32, #tpu.memory_space<vmem>>, vector<16xf32>,
      %swap3A_231 = arith.constant 0 : i32
      %swap3A_232 = arith.index_cast %swap3A_231 : i32 to index
      %swap3A_233 = arith.index_cast %add3A_206 : i32 to index
      %swap3A_234 = arith.constant 80 : index
      %swap3A_235 = tpu.vector_load %arg7[%swap3A_232, %swap3A_233, %swap3A_234] {strides = array<i32>} : memref<2x64x128xf32, #tpu.memory_space<vmem>>, vector<16xf32>,
      tpu.vector_store %arg7[%swap3A_232, %swap3A_233, %swap3A_234], %broadcast_in_dim3A_1 {strides = array<i32>} : memref<2x64x128xf32, #tpu.memory_space<vmem>>, vector<16xf32>,
      %swap3A_236 = arith.constant 0 : i32
      %swap3A_237 = arith.index_cast %swap3A_236 : i32 to index
      %swap3A_238 = arith.index_cast %add3A_206 : i32 to index
      %swap3A_239 = arith.constant 96 : index
      %swap3A_240 = tpu.vector_load %arg7[%swap3A_237, %swap3A_238, %swap3A_239] {strides = array<i32>} : memref<2x64x128xf32, #tpu.memory_space<vmem>>, vector<16xf32>,
      tpu.vector_store %arg7[%swap3A_237, %swap3A_238, %swap3A_239], %broadcast_in_dim3A_1 {strides = array<i32>} : memref<2x64x128xf32, #tpu.memory_space<vmem>>, vector<16xf32>,
      %swap3A_241 = arith.constant 0 : i32
      %swap3A_242 = arith.index_cast %swap3A_241 : i32 to index
      %swap3A_243 = arith.index_cast %add3A_206 : i32 to index
      %swap3A_244 = arith.constant 112 : index
      %swap3A_245 = tpu.vector_load %arg7[%swap3A_242, %swap3A_243, %swap3A_244] {strides = array<i32>} : memref<2x64x128xf32, #tpu.memory_space<vmem>>, vector<16xf32>,
      tpu.vector_store %arg7[%swap3A_242, %swap3A_243, %swap3A_244], %broadcast_in_dim3A_1 {strides = array<i32>} : memref<2x64x128xf32, #tpu.memory_space<vmem>>, vector<16xf32>,
    }
    %scan3A_7 = arith.constant 64 : i32
    %scan3A_8 = arith.constant 0 : i32
    %scan3A_9 = arith.constant 640 : i32
    %scan3A_10 = arith.addi %scan3A_8, %scan3A_9 : i32
    %scan3A_11 = arith.constant 1 : i32
    scf.for %scan3A_202 = %scan3A_8 to %scan3A_10 step %scan3A_11  : i32 {
      %mul3A_203 = arith.constant 1 : i32
      %mul3A_204 = arith.muli %scan3A_202, %mul3A_203 : i32
      %add3A_205 = arith.constant 0 : i32
      %add3A_206 = arith.addi %add3A_205, %mul3A_204 : i32
      %mul3A_207 = arith.constant 16 : i32
      %mul3A_208 = arith.muli %add3A_206, %mul3A_207 : i32
      %swap3A = arith.index_cast %mul3A_208 : i32 to index
      %swap3A_209 = tpu.vector_load %arg8[%swap3A] {strides = array<i32>} : memref<10240xf32, #tpu.memory_space<vmem>>, vector<16xf32>,
      tpu.vector_store %arg8[%swap3A], %broadcast_in_dim3A_1 {strides = array<i32>} : memref<10240xf32, #tpu.memory_space<vmem>>, vector<16xf32>,
    }
    %scan3A_12 = arith.constant 640 : i32
    %mul3A_13 = arith.constant 640 : i32
    %mul3A_14 = arith.muli %arg1, %mul3A_13 : i32
    %add3A_15 = arith.constant 0 : i32
    %add3A_16 = arith.addi %mul3A_14, %add3A_15 : i32
    %run_scoped3A = arith.constant 0 : i32
    "tpu.region"() ({
      %run_scoped3A_202 = tpu.sem_alloc : memref<!tpu.dma_semaphore, #tpu.memory_space<semaphore_mem>>
      %dma_start3A_203 = arith.constant 0 : i32
      %dma_start3A_204 = arith.constant 0 : i32
      %dma_start3A_205 = tpu.memref_slice %arg7[%run_scoped3A, %dma_start3A_203, %dma_start3A_204] : memref<2x64x128xf32, #tpu.memory_space<vmem>> -> memref<1x64x128xf32, #tpu.memory_space<vmem>>
      %dma_start3A_206 = tpu.memref_squeeze %dma_start3A_205 : memref<1x64x128xf32, #tpu.memory_space<vmem>> -> memref<64x128xf32, #tpu.memory_space<vmem>>
      %dma_start3A_207 = arith.constant 0 : i32
      %dma_start3A_208 = tpu.memref_slice %arg9[%add3A_16, %dma_start3A_207] : memref<10240x128xf32, #tpu.memory_space<vmem_shared>> -> memref<64x128xf32, #tpu.memory_space<vmem_shared>>
      %dma_start3A_209 = arith.constant 0 : i32
      %dma_start3A_210 = tpu.memref_slice %arg9[%add3A_16, %dma_start3A_209] : memref<10240x128xf32, #tpu.memory_space<vmem_shared>> -> memref<64x128xf32, #tpu.memory_space<vmem_shared>>
      %dma_start3A_211 = arith.constant 0 : i32
      %dma_start3A_212 = arith.constant 0 : i32
      %dma_start3A_213 = tpu.memref_slice %arg7[%run_scoped3A, %dma_start3A_211, %dma_start3A_212] : memref<2x64x128xf32, #tpu.memory_space<vmem>> -> memref<1x64x128xf32, #tpu.memory_space<vmem>>
      %dma_start3A_214 = tpu.memref_squeeze %dma_start3A_213 : memref<1x64x128xf32, #tpu.memory_space<vmem>> -> memref<64x128xf32, #tpu.memory_space<vmem>>
      tpu.enqueue_dma source(%dma_start3A_214 : memref<64x128xf32, #tpu.memory_space<vmem>>) target(%dma_start3A_210 : memref<64x128xf32, #tpu.memory_space<vmem_shared>>) target_semaphore(%run_scoped3A_202 : memref<!tpu.dma_semaphore, #tpu.memory_space<semaphore_mem>>)
      %dma_wait3A = arith.constant 0 : i32
      %dma_wait3A_215 = arith.constant 0 : i32
      %dma_wait3A_216 = tpu.memref_slice %arg7[%run_scoped3A, %dma_wait3A, %dma_wait3A_215] : memref<2x64x128xf32, #tpu.memory_space<vmem>> -> memref<1x64x128xf32, #tpu.memory_space<vmem>>
      %dma_wait3A_217 = tpu.memref_squeeze %dma_wait3A_216 : memref<1x64x128xf32, #tpu.memory_space<vmem>> -> memref<64x128xf32, #tpu.memory_space<vmem>>
      %dma_wait3A_218 = arith.constant 0 : i32
      %dma_wait3A_219 = tpu.memref_slice %arg9[%add3A_16, %dma_wait3A_218] : memref<10240x128xf32, #tpu.memory_space<vmem_shared>> -> memref<64x128xf32, #tpu.memory_space<vmem_shared>>
      %dma_wait3A_220 = arith.constant 0 : i32
      %dma_wait3A_221 = tpu.memref_slice %arg9[%add3A_16, %dma_wait3A_220] : memref<10240x128xf32, #tpu.memory_space<vmem_shared>> -> memref<64x128xf32, #tpu.memory_space<vmem_shared>>
      %dma_wait3A_222 = arith.constant 0 : i32
      %dma_wait3A_223 = arith.constant 0 : i32
      %dma_wait3A_224 = tpu.memref_slice %arg7[%run_scoped3A, %dma_wait3A_222, %dma_wait3A_223] : memref<2x64x128xf32, #tpu.memory_space<vmem>> -> memref<1x64x128xf32, #tpu.memory_space<vmem>>
      %dma_wait3A_225 = tpu.memref_squeeze %dma_wait3A_224 : memref<1x64x128xf32, #tpu.memory_space<vmem>> -> memref<64x128xf32, #tpu.memory_space<vmem>>
      tpu.wait_dma2 semaphore(%run_scoped3A_202 : memref<!tpu.dma_semaphore, #tpu.memory_space<semaphore_mem>>) src(%dma_wait3A_225 : memref<64x128xf32, #tpu.memory_space<vmem>>) dst(%dma_wait3A_221 : memref<64x128xf32, #tpu.memory_space<vmem_shared>>)
      tpu.yield
    }) : () -> ()
    %add3A_17 = arith.constant 64 : i32
    %add3A_18 = arith.addi %mul3A_14, %add3A_17 : i32
    %run_scoped3A_19 = arith.constant 0 : i32
    "tpu.region"() ({
      %run_scoped3A_202 = tpu.sem_alloc : memref<!tpu.dma_semaphore, #tpu.memory_space<semaphore_mem>>
      %dma_start3A_203 = arith.constant 0 : i32
      %dma_start3A_204 = arith.constant 0 : i32
      %dma_start3A_205 = tpu.memref_slice %arg7[%run_scoped3A_19, %dma_start3A_203, %dma_start3A_204] : memref<2x64x128xf32, #tpu.memory_space<vmem>> -> memref<1x64x128xf32, #tpu.memory_space<vmem>>
      %dma_start3A_206 = tpu.memref_squeeze %dma_start3A_205 : memref<1x64x128xf32, #tpu.memory_space<vmem>> -> memref<64x128xf32, #tpu.memory_space<vmem>>
      %dma_start3A_207 = arith.constant 0 : i32
      %dma_start3A_208 = tpu.memref_slice %arg9[%add3A_18, %dma_start3A_207] : memref<10240x128xf32, #tpu.memory_space<vmem_shared>> -> memref<64x128xf32, #tpu.memory_space<vmem_shared>>
      %dma_start3A_209 = arith.constant 0 : i32
      %dma_start3A_210 = tpu.memref_slice %arg9[%add3A_18, %dma_start3A_209] : memref<10240x128xf32, #tpu.memory_space<vmem_shared>> -> memref<64x128xf32, #tpu.memory_space<vmem_shared>>
      %dma_start3A_211 = arith.constant 0 : i32
      %dma_start3A_212 = arith.constant 0 : i32
      %dma_start3A_213 = tpu.memref_slice %arg7[%run_scoped3A_19, %dma_start3A_211, %dma_start3A_212] : memref<2x64x128xf32, #tpu.memory_space<vmem>> -> memref<1x64x128xf32, #tpu.memory_space<vmem>>
      %dma_start3A_214 = tpu.memref_squeeze %dma_start3A_213 : memref<1x64x128xf32, #tpu.memory_space<vmem>> -> memref<64x128xf32, #tpu.memory_space<vmem>>
      tpu.enqueue_dma source(%dma_start3A_214 : memref<64x128xf32, #tpu.memory_space<vmem>>) target(%dma_start3A_210 : memref<64x128xf32, #tpu.memory_space<vmem_shared>>) target_semaphore(%run_scoped3A_202 : memref<!tpu.dma_semaphore, #tpu.memory_space<semaphore_mem>>)
      %dma_wait3A = arith.constant 0 : i32
      %dma_wait3A_215 = arith.constant 0 : i32
      %dma_wait3A_216 = tpu.memref_slice %arg7[%run_scoped3A_19, %dma_wait3A, %dma_wait3A_215] : memref<2x64x128xf32, #tpu.memory_space<vmem>> -> memref<1x64x128xf32, #tpu.memory_space<vmem>>
      %dma_wait3A_217 = tpu.memref_squeeze %dma_wait3A_216 : memref<1x64x128xf32, #tpu.memory_space<vmem>> -> memref<64x128xf32, #tpu.memory_space<vmem>>
      %dma_wait3A_218 = arith.constant 0 : i32
      %dma_wait3A_219 = tpu.memref_slice %arg9[%add3A_18, %dma_wait3A_218] : memref<10240x128xf32, #tpu.memory_space<vmem_shared>> -> memref<64x128xf32, #tpu.memory_space<vmem_shared>>
      %dma_wait3A_220 = arith.constant 0 : i32
      %dma_wait3A_221 = tpu.memref_slice %arg9[%add3A_18, %dma_wait3A_220] : memref<10240x128xf32, #tpu.memory_space<vmem_shared>> -> memref<64x128xf32, #tpu.memory_space<vmem_shared>>
      %dma_wait3A_222 = arith.constant 0 : i32
      %dma_wait3A_223 = arith.constant 0 : i32
      %dma_wait3A_224 = tpu.memref_slice %arg7[%run_scoped3A_19, %dma_wait3A_222, %dma_wait3A_223] : memref<2x64x128xf32, #tpu.memory_space<vmem>> -> memref<1x64x128xf32, #tpu.memory_space<vmem>>
      %dma_wait3A_225 = tpu.memref_squeeze %dma_wait3A_224 : memref<1x64x128xf32, #tpu.memory_space<vmem>> -> memref<64x128xf32, #tpu.memory_space<vmem>>
      tpu.wait_dma2 semaphore(%run_scoped3A_202 : memref<!tpu.dma_semaphore, #tpu.memory_space<semaphore_mem>>) src(%dma_wait3A_225 : memref<64x128xf32, #tpu.memory_space<vmem>>) dst(%dma_wait3A_221 : memref<64x128xf32, #tpu.memory_space<vmem_shared>>)
      tpu.yield
    }) : () -> ()
    %add3A_20 = arith.constant 128 : i32
    %add3A_21 = arith.addi %mul3A_14, %add3A_20 : i32
    %run_scoped3A_22 = arith.constant 0 : i32
    "tpu.region"() ({
      %run_scoped3A_202 = tpu.sem_alloc : memref<!tpu.dma_semaphore, #tpu.memory_space<semaphore_mem>>
      %dma_start3A_203 = arith.constant 0 : i32
      %dma_start3A_204 = arith.constant 0 : i32
      %dma_start3A_205 = tpu.memref_slice %arg7[%run_scoped3A_22, %dma_start3A_203, %dma_start3A_204] : memref<2x64x128xf32, #tpu.memory_space<vmem>> -> memref<1x64x128xf32, #tpu.memory_space<vmem>>
      %dma_start3A_206 = tpu.memref_squeeze %dma_start3A_205 : memref<1x64x128xf32, #tpu.memory_space<vmem>> -> memref<64x128xf32, #tpu.memory_space<vmem>>
      %dma_start3A_207 = arith.constant 0 : i32
      %dma_start3A_208 = tpu.memref_slice %arg9[%add3A_21, %dma_start3A_207] : memref<10240x128xf32, #tpu.memory_space<vmem_shared>> -> memref<64x128xf32, #tpu.memory_space<vmem_shared>>
      %dma_start3A_209 = arith.constant 0 : i32
      %dma_start3A_210 = tpu.memref_slice %arg9[%add3A_21, %dma_start3A_209] : memref<10240x128xf32, #tpu.memory_space<vmem_shared>> -> memref<64x128xf32, #tpu.memory_space<vmem_shared>>
      %dma_start3A_211 = arith.constant 0 : i32
      %dma_start3A_212 = arith.constant 0 : i32
      %dma_start3A_213 = tpu.memref_slice %arg7[%run_scoped3A_22, %dma_start3A_211, %dma_start3A_212] : memref<2x64x128xf32, #tpu.memory_space<vmem>> -> memref<1x64x128xf32, #tpu.memory_space<vmem>>
      %dma_start3A_214 = tpu.memref_squeeze %dma_start3A_213 : memref<1x64x128xf32, #tpu.memory_space<vmem>> -> memref<64x128xf32, #tpu.memory_space<vmem>>
      tpu.enqueue_dma source(%dma_start3A_214 : memref<64x128xf32, #tpu.memory_space<vmem>>) target(%dma_start3A_210 : memref<64x128xf32, #tpu.memory_space<vmem_shared>>) target_semaphore(%run_scoped3A_202 : memref<!tpu.dma_semaphore, #tpu.memory_space<semaphore_mem>>)
      %dma_wait3A = arith.constant 0 : i32
      %dma_wait3A_215 = arith.constant 0 : i32
      %dma_wait3A_216 = tpu.memref_slice %arg7[%run_scoped3A_22, %dma_wait3A, %dma_wait3A_215] : memref<2x64x128xf32, #tpu.memory_space<vmem>> -> memref<1x64x128xf32, #tpu.memory_space<vmem>>
      %dma_wait3A_217 = tpu.memref_squeeze %dma_wait3A_216 : memref<1x64x128xf32, #tpu.memory_space<vmem>> -> memref<64x128xf32, #tpu.memory_space<vmem>>
      %dma_wait3A_218 = arith.constant 0 : i32
      %dma_wait3A_219 = tpu.memref_slice %arg9[%add3A_21, %dma_wait3A_218] : memref<10240x128xf32, #tpu.memory_space<vmem_shared>> -> memref<64x128xf32, #tpu.memory_space<vmem_shared>>
      %dma_wait3A_220 = arith.constant 0 : i32
      %dma_wait3A_221 = tpu.memref_slice %arg9[%add3A_21, %dma_wait3A_220] : memref<10240x128xf32, #tpu.memory_space<vmem_shared>> -> memref<64x128xf32, #tpu.memory_space<vmem_shared>>
      %dma_wait3A_222 = arith.constant 0 : i32
      %dma_wait3A_223 = arith.constant 0 : i32
      %dma_wait3A_224 = tpu.memref_slice %arg7[%run_scoped3A_22, %dma_wait3A_222, %dma_wait3A_223] : memref<2x64x128xf32, #tpu.memory_space<vmem>> -> memref<1x64x128xf32, #tpu.memory_space<vmem>>
      %dma_wait3A_225 = tpu.memref_squeeze %dma_wait3A_224 : memref<1x64x128xf32, #tpu.memory_space<vmem>> -> memref<64x128xf32, #tpu.memory_space<vmem>>
      tpu.wait_dma2 semaphore(%run_scoped3A_202 : memref<!tpu.dma_semaphore, #tpu.memory_space<semaphore_mem>>) src(%dma_wait3A_225 : memref<64x128xf32, #tpu.memory_space<vmem>>) dst(%dma_wait3A_221 : memref<64x128xf32, #tpu.memory_space<vmem_shared>>)
      tpu.yield
    }) : () -> ()
    %add3A_23 = arith.constant 192 : i32
    %add3A_24 = arith.addi %mul3A_14, %add3A_23 : i32
    %run_scoped3A_25 = arith.constant 0 : i32
    "tpu.region"() ({
      %run_scoped3A_202 = tpu.sem_alloc : memref<!tpu.dma_semaphore, #tpu.memory_space<semaphore_mem>>
      %dma_start3A_203 = arith.constant 0 : i32
      %dma_start3A_204 = arith.constant 0 : i32
      %dma_start3A_205 = tpu.memref_slice %arg7[%run_scoped3A_25, %dma_start3A_203, %dma_start3A_204] : memref<2x64x128xf32, #tpu.memory_space<vmem>> -> memref<1x64x128xf32, #tpu.memory_space<vmem>>
      %dma_start3A_206 = tpu.memref_squeeze %dma_start3A_205 : memref<1x64x128xf32, #tpu.memory_space<vmem>> -> memref<64x128xf32, #tpu.memory_space<vmem>>
      %dma_start3A_207 = arith.constant 0 : i32
      %dma_start3A_208 = tpu.memref_slice %arg9[%add3A_24, %dma_start3A_207] : memref<10240x128xf32, #tpu.memory_space<vmem_shared>> -> memref<64x128xf32, #tpu.memory_space<vmem_shared>>
      %dma_start3A_209 = arith.constant 0 : i32
      %dma_start3A_210 = tpu.memref_slice %arg9[%add3A_24, %dma_start3A_209] : memref<10240x128xf32, #tpu.memory_space<vmem_shared>> -> memref<64x128xf32, #tpu.memory_space<vmem_shared>>
      %dma_start3A_211 = arith.constant 0 : i32
      %dma_start3A_212 = arith.constant 0 : i32
      %dma_start3A_213 = tpu.memref_slice %arg7[%run_scoped3A_25, %dma_start3A_211, %dma_start3A_212] : memref<2x64x128xf32, #tpu.memory_space<vmem>> -> memref<1x64x128xf32, #tpu.memory_space<vmem>>
      %dma_start3A_214 = tpu.memref_squeeze %dma_start3A_213 : memref<1x64x128xf32, #tpu.memory_space<vmem>> -> memref<64x128xf32, #tpu.memory_space<vmem>>
      tpu.enqueue_dma source(%dma_start3A_214 : memref<64x128xf32, #tpu.memory_space<vmem>>) target(%dma_start3A_210 : memref<64x128xf32, #tpu.memory_space<vmem_shared>>) target_semaphore(%run_scoped3A_202 : memref<!tpu.dma_semaphore, #tpu.memory_space<semaphore_mem>>)
      %dma_wait3A = arith.constant 0 : i32
      %dma_wait3A_215 = arith.constant 0 : i32
      %dma_wait3A_216 = tpu.memref_slice %arg7[%run_scoped3A_25, %dma_wait3A, %dma_wait3A_215] : memref<2x64x128xf32, #tpu.memory_space<vmem>> -> memref<1x64x128xf32, #tpu.memory_space<vmem>>
      %dma_wait3A_217 = tpu.memref_squeeze %dma_wait3A_216 : memref<1x64x128xf32, #tpu.memory_space<vmem>> -> memref<64x128xf32, #tpu.memory_space<vmem>>
      %dma_wait3A_218 = arith.constant 0 : i32
      %dma_wait3A_219 = tpu.memref_slice %arg9[%add3A_24, %dma_wait3A_218] : memref<10240x128xf32, #tpu.memory_space<vmem_shared>> -> memref<64x128xf32, #tpu.memory_space<vmem_shared>>
      %dma_wait3A_220 = arith.constant 0 : i32
      %dma_wait3A_221 = tpu.memref_slice %arg9[%add3A_24, %dma_wait3A_220] : memref<10240x128xf32, #tpu.memory_space<vmem_shared>> -> memref<64x128xf32, #tpu.memory_space<vmem_shared>>
      %dma_wait3A_222 = arith.constant 0 : i32
      %dma_wait3A_223 = arith.constant 0 : i32
      %dma_wait3A_224 = tpu.memref_slice %arg7[%run_scoped3A_25, %dma_wait3A_222, %dma_wait3A_223] : memref<2x64x128xf32, #tpu.memory_space<vmem>> -> memref<1x64x128xf32, #tpu.memory_space<vmem>>
      %dma_wait3A_225 = tpu.memref_squeeze %dma_wait3A_224 : memref<1x64x128xf32, #tpu.memory_space<vmem>> -> memref<64x128xf32, #tpu.memory_space<vmem>>
      tpu.wait_dma2 semaphore(%run_scoped3A_202 : memref<!tpu.dma_semaphore, #tpu.memory_space<semaphore_mem>>) src(%dma_wait3A_225 : memref<64x128xf32, #tpu.memory_space<vmem>>) dst(%dma_wait3A_221 : memref<64x128xf32, #tpu.memory_space<vmem_shared>>)
      tpu.yield
    }) : () -> ()
    %add3A_26 = arith.constant 256 : i32
    %add3A_27 = arith.addi %mul3A_14, %add3A_26 : i32
    %run_scoped3A_28 = arith.constant 0 : i32
    "tpu.region"() ({
      %run_scoped3A_202 = tpu.sem_alloc : memref<!tpu.dma_semaphore, #tpu.memory_space<semaphore_mem>>
      %dma_start3A_203 = arith.constant 0 : i32
      %dma_start3A_204 = arith.constant 0 : i32
      %dma_start3A_205 = tpu.memref_slice %arg7[%run_scoped3A_28, %dma_start3A_203, %dma_start3A_204] : memref<2x64x128xf32, #tpu.memory_space<vmem>> -> memref<1x64x128xf32, #tpu.memory_space<vmem>>
      %dma_start3A_206 = tpu.memref_squeeze %dma_start3A_205 : memref<1x64x128xf32, #tpu.memory_space<vmem>> -> memref<64x128xf32, #tpu.memory_space<vmem>>
      %dma_start3A_207 = arith.constant 0 : i32
      %dma_start3A_208 = tpu.memref_slice %arg9[%add3A_27, %dma_start3A_207] : memref<10240x128xf32, #tpu.memory_space<vmem_shared>> -> memref<64x128xf32, #tpu.memory_space<vmem_shared>>
      %dma_start3A_209 = arith.constant 0 : i32
      %dma_start3A_210 = tpu.memref_slice %arg9[%add3A_27, %dma_start3A_209] : memref<10240x128xf32, #tpu.memory_space<vmem_shared>> -> memref<64x128xf32, #tpu.memory_space<vmem_shared>>
      %dma_start3A_211 = arith.constant 0 : i32
      %dma_start3A_212 = arith.constant 0 : i32
      %dma_start3A_213 = tpu.memref_slice %arg7[%run_scoped3A_28, %dma_start3A_211, %dma_start3A_212] : memref<2x64x128xf32, #tpu.memory_space<vmem>> -> memref<1x64x128xf32, #tpu.memory_space<vmem>>
      %dma_start3A_214 = tpu.memref_squeeze %dma_start3A_213 : memref<1x64x128xf32, #tpu.memory_space<vmem>> -> memref<64x128xf32, #tpu.memory_space<vmem>>
      tpu.enqueue_dma source(%dma_start3A_214 : memref<64x128xf32, #tpu.memory_space<vmem>>) target(%dma_start3A_210 : memref<64x128xf32, #tpu.memory_space<vmem_shared>>) target_semaphore(%run_scoped3A_202 : memref<!tpu.dma_semaphore, #tpu.memory_space<semaphore_mem>>)
      %dma_wait3A = arith.constant 0 : i32
      %dma_wait3A_215 = arith.constant 0 : i32
      %dma_wait3A_216 = tpu.memref_slice %arg7[%run_scoped3A_28, %dma_wait3A, %dma_wait3A_215] : memref<2x64x128xf32, #tpu.memory_space<vmem>> -> memref<1x64x128xf32, #tpu.memory_space<vmem>>
      %dma_wait3A_217 = tpu.memref_squeeze %dma_wait3A_216 : memref<1x64x128xf32, #tpu.memory_space<vmem>> -> memref<64x128xf32, #tpu.memory_space<vmem>>
      %dma_wait3A_218 = arith.constant 0 : i32
      %dma_wait3A_219 = tpu.memref_slice %arg9[%add3A_27, %dma_wait3A_218] : memref<10240x128xf32, #tpu.memory_space<vmem_shared>> -> memref<64x128xf32, #tpu.memory_space<vmem_shared>>
      %dma_wait3A_220 = arith.constant 0 : i32
      %dma_wait3A_221 = tpu.memref_slice %arg9[%add3A_27, %dma_wait3A_220] : memref<10240x128xf32, #tpu.memory_space<vmem_shared>> -> memref<64x128xf32, #tpu.memory_space<vmem_shared>>
      %dma_wait3A_222 = arith.constant 0 : i32
      %dma_wait3A_223 = arith.constant 0 : i32
      %dma_wait3A_224 = tpu.memref_slice %arg7[%run_scoped3A_28, %dma_wait3A_222, %dma_wait3A_223] : memref<2x64x128xf32, #tpu.memory_space<vmem>> -> memref<1x64x128xf32, #tpu.memory_space<vmem>>
      %dma_wait3A_225 = tpu.memref_squeeze %dma_wait3A_224 : memref<1x64x128xf32, #tpu.memory_space<vmem>> -> memref<64x128xf32, #tpu.memory_space<vmem>>
      tpu.wait_dma2 semaphore(%run_scoped3A_202 : memref<!tpu.dma_semaphore, #tpu.memory_space<semaphore_mem>>) src(%dma_wait3A_225 : memref<64x128xf32, #tpu.memory_space<vmem>>) dst(%dma_wait3A_221 : memref<64x128xf32, #tpu.memory_space<vmem_shared>>)
      tpu.yield
    }) : () -> ()
    %add3A_29 = arith.constant 320 : i32
    %add3A_30 = arith.addi %mul3A_14, %add3A_29 : i32
    %run_scoped3A_31 = arith.constant 0 : i32
    "tpu.region"() ({
      %run_scoped3A_202 = tpu.sem_alloc : memref<!tpu.dma_semaphore, #tpu.memory_space<semaphore_mem>>
      %dma_start3A_203 = arith.constant 0 : i32
      %dma_start3A_204 = arith.constant 0 : i32
      %dma_start3A_205 = tpu.memref_slice %arg7[%run_scoped3A_31, %dma_start3A_203, %dma_start3A_204] : memref<2x64x128xf32, #tpu.memory_space<vmem>> -> memref<1x64x128xf32, #tpu.memory_space<vmem>>
      %dma_start3A_206 = tpu.memref_squeeze %dma_start3A_205 : memref<1x64x128xf32, #tpu.memory_space<vmem>> -> memref<64x128xf32, #tpu.memory_space<vmem>>
      %dma_start3A_207 = arith.constant 0 : i32
      %dma_start3A_208 = tpu.memref_slice %arg9[%add3A_30, %dma_start3A_207] : memref<10240x128xf32, #tpu.memory_space<vmem_shared>> -> memref<64x128xf32, #tpu.memory_space<vmem_shared>>
      %dma_start3A_209 = arith.constant 0 : i32
      %dma_start3A_210 = tpu.memref_slice %arg9[%add3A_30, %dma_start3A_209] : memref<10240x128xf32, #tpu.memory_space<vmem_shared>> -> memref<64x128xf32, #tpu.memory_space<vmem_shared>>
      %dma_start3A_211 = arith.constant 0 : i32
      %dma_start3A_212 = arith.constant 0 : i32
      %dma_start3A_213 = tpu.memref_slice %arg7[%run_scoped3A_31, %dma_start3A_211, %dma_start3A_212] : memref<2x64x128xf32, #tpu.memory_space<vmem>> -> memref<1x64x128xf32, #tpu.memory_space<vmem>>
      %dma_start3A_214 = tpu.memref_squeeze %dma_start3A_213 : memref<1x64x128xf32, #tpu.memory_space<vmem>> -> memref<64x128xf32, #tpu.memory_space<vmem>>
      tpu.enqueue_dma source(%dma_start3A_214 : memref<64x128xf32, #tpu.memory_space<vmem>>) target(%dma_start3A_210 : memref<64x128xf32, #tpu.memory_space<vmem_shared>>) target_semaphore(%run_scoped3A_202 : memref<!tpu.dma_semaphore, #tpu.memory_space<semaphore_mem>>)
      %dma_wait3A = arith.constant 0 : i32
      %dma_wait3A_215 = arith.constant 0 : i32
      %dma_wait3A_216 = tpu.memref_slice %arg7[%run_scoped3A_31, %dma_wait3A, %dma_wait3A_215] : memref<2x64x128xf32, #tpu.memory_space<vmem>> -> memref<1x64x128xf32, #tpu.memory_space<vmem>>
      %dma_wait3A_217 = tpu.memref_squeeze %dma_wait3A_216 : memref<1x64x128xf32, #tpu.memory_space<vmem>> -> memref<64x128xf32, #tpu.memory_space<vmem>>
      %dma_wait3A_218 = arith.constant 0 : i32
      %dma_wait3A_219 = tpu.memref_slice %arg9[%add3A_30, %dma_wait3A_218] : memref<10240x128xf32, #tpu.memory_space<vmem_shared>> -> memref<64x128xf32, #tpu.memory_space<vmem_shared>>
      %dma_wait3A_220 = arith.constant 0 : i32
      %dma_wait3A_221 = tpu.memref_slice %arg9[%add3A_30, %dma_wait3A_220] : memref<10240x128xf32, #tpu.memory_space<vmem_shared>> -> memref<64x128xf32, #tpu.memory_space<vmem_shared>>
      %dma_wait3A_222 = arith.constant 0 : i32
      %dma_wait3A_223 = arith.constant 0 : i32
      %dma_wait3A_224 = tpu.memref_slice %arg7[%run_scoped3A_31, %dma_wait3A_222, %dma_wait3A_223] : memref<2x64x128xf32, #tpu.memory_space<vmem>> -> memref<1x64x128xf32, #tpu.memory_space<vmem>>
      %dma_wait3A_225 = tpu.memref_squeeze %dma_wait3A_224 : memref<1x64x128xf32, #tpu.memory_space<vmem>> -> memref<64x128xf32, #tpu.memory_space<vmem>>
      tpu.wait_dma2 semaphore(%run_scoped3A_202 : memref<!tpu.dma_semaphore, #tpu.memory_space<semaphore_mem>>) src(%dma_wait3A_225 : memref<64x128xf32, #tpu.memory_space<vmem>>) dst(%dma_wait3A_221 : memref<64x128xf32, #tpu.memory_space<vmem_shared>>)
      tpu.yield
    }) : () -> ()
    %add3A_32 = arith.constant 384 : i32
    %add3A_33 = arith.addi %mul3A_14, %add3A_32 : i32
    %run_scoped3A_34 = arith.constant 0 : i32
    "tpu.region"() ({
      %run_scoped3A_202 = tpu.sem_alloc : memref<!tpu.dma_semaphore, #tpu.memory_space<semaphore_mem>>
      %dma_start3A_203 = arith.constant 0 : i32
      %dma_start3A_204 = arith.constant 0 : i32
      %dma_start3A_205 = tpu.memref_slice %arg7[%run_scoped3A_34, %dma_start3A_203, %dma_start3A_204] : memref<2x64x128xf32, #tpu.memory_space<vmem>> -> memref<1x64x128xf32, #tpu.memory_space<vmem>>
      %dma_start3A_206 = tpu.memref_squeeze %dma_start3A_205 : memref<1x64x128xf32, #tpu.memory_space<vmem>> -> memref<64x128xf32, #tpu.memory_space<vmem>>
      %dma_start3A_207 = arith.constant 0 : i32
      %dma_start3A_208 = tpu.memref_slice %arg9[%add3A_33, %dma_start3A_207] : memref<10240x128xf32, #tpu.memory_space<vmem_shared>> -> memref<64x128xf32, #tpu.memory_space<vmem_shared>>
      %dma_start3A_209 = arith.constant 0 : i32
      %dma_start3A_210 = tpu.memref_slice %arg9[%add3A_33, %dma_start3A_209] : memref<10240x128xf32, #tpu.memory_space<vmem_shared>> -> memref<64x128xf32, #tpu.memory_space<vmem_shared>>
      %dma_start3A_211 = arith.constant 0 : i32
      %dma_start3A_212 = arith.constant 0 : i32
      %dma_start3A_213 = tpu.memref_slice %arg7[%run_scoped3A_34, %dma_start3A_211, %dma_start3A_212] : memref<2x64x128xf32, #tpu.memory_space<vmem>> -> memref<1x64x128xf32, #tpu.memory_space<vmem>>
      %dma_start3A_214 = tpu.memref_squeeze %dma_start3A_213 : memref<1x64x128xf32, #tpu.memory_space<vmem>> -> memref<64x128xf32, #tpu.memory_space<vmem>>
      tpu.enqueue_dma source(%dma_start3A_214 : memref<64x128xf32, #tpu.memory_space<vmem>>) target(%dma_start3A_210 : memref<64x128xf32, #tpu.memory_space<vmem_shared>>) target_semaphore(%run_scoped3A_202 : memref<!tpu.dma_semaphore, #tpu.memory_space<semaphore_mem>>)
      %dma_wait3A = arith.constant 0 : i32
      %dma_wait3A_215 = arith.constant 0 : i32
      %dma_wait3A_216 = tpu.memref_slice %arg7[%run_scoped3A_34, %dma_wait3A, %dma_wait3A_215] : memref<2x64x128xf32, #tpu.memory_space<vmem>> -> memref<1x64x128xf32, #tpu.memory_space<vmem>>
      %dma_wait3A_217 = tpu.memref_squeeze %dma_wait3A_216 : memref<1x64x128xf32, #tpu.memory_space<vmem>> -> memref<64x128xf32, #tpu.memory_space<vmem>>
      %dma_wait3A_218 = arith.constant 0 : i32
      %dma_wait3A_219 = tpu.memref_slice %arg9[%add3A_33, %dma_wait3A_218] : memref<10240x128xf32, #tpu.memory_space<vmem_shared>> -> memref<64x128xf32, #tpu.memory_space<vmem_shared>>
      %dma_wait3A_220 = arith.constant 0 : i32
      %dma_wait3A_221 = tpu.memref_slice %arg9[%add3A_33, %dma_wait3A_220] : memref<10240x128xf32, #tpu.memory_space<vmem_shared>> -> memref<64x128xf32, #tpu.memory_space<vmem_shared>>
      %dma_wait3A_222 = arith.constant 0 : i32
      %dma_wait3A_223 = arith.constant 0 : i32
      %dma_wait3A_224 = tpu.memref_slice %arg7[%run_scoped3A_34, %dma_wait3A_222, %dma_wait3A_223] : memref<2x64x128xf32, #tpu.memory_space<vmem>> -> memref<1x64x128xf32, #tpu.memory_space<vmem>>
      %dma_wait3A_225 = tpu.memref_squeeze %dma_wait3A_224 : memref<1x64x128xf32, #tpu.memory_space<vmem>> -> memref<64x128xf32, #tpu.memory_space<vmem>>
      tpu.wait_dma2 semaphore(%run_scoped3A_202 : memref<!tpu.dma_semaphore, #tpu.memory_space<semaphore_mem>>) src(%dma_wait3A_225 : memref<64x128xf32, #tpu.memory_space<vmem>>) dst(%dma_wait3A_221 : memref<64x128xf32, #tpu.memory_space<vmem_shared>>)
      tpu.yield
    }) : () -> ()
    %add3A_35 = arith.constant 448 : i32
    %add3A_36 = arith.addi %mul3A_14, %add3A_35 : i32
    %run_scoped3A_37 = arith.constant 0 : i32
    "tpu.region"() ({
      %run_scoped3A_202 = tpu.sem_alloc : memref<!tpu.dma_semaphore, #tpu.memory_space<semaphore_mem>>
      %dma_start3A_203 = arith.constant 0 : i32
      %dma_start3A_204 = arith.constant 0 : i32
      %dma_start3A_205 = tpu.memref_slice %arg7[%run_scoped3A_37, %dma_start3A_203, %dma_start3A_204] : memref<2x64x128xf32, #tpu.memory_space<vmem>> -> memref<1x64x128xf32, #tpu.memory_space<vmem>>
      %dma_start3A_206 = tpu.memref_squeeze %dma_start3A_205 : memref<1x64x128xf32, #tpu.memory_space<vmem>> -> memref<64x128xf32, #tpu.memory_space<vmem>>
      %dma_start3A_207 = arith.constant 0 : i32
      %dma_start3A_208 = tpu.memref_slice %arg9[%add3A_36, %dma_start3A_207] : memref<10240x128xf32, #tpu.memory_space<vmem_shared>> -> memref<64x128xf32, #tpu.memory_space<vmem_shared>>
      %dma_start3A_209 = arith.constant 0 : i32
      %dma_start3A_210 = tpu.memref_slice %arg9[%add3A_36, %dma_start3A_209] : memref<10240x128xf32, #tpu.memory_space<vmem_shared>> -> memref<64x128xf32, #tpu.memory_space<vmem_shared>>
      %dma_start3A_211 = arith.constant 0 : i32
      %dma_start3A_212 = arith.constant 0 : i32
      %dma_start3A_213 = tpu.memref_slice %arg7[%run_scoped3A_37, %dma_start3A_211, %dma_start3A_212] : memref<2x64x128xf32, #tpu.memory_space<vmem>> -> memref<1x64x128xf32, #tpu.memory_space<vmem>>
      %dma_start3A_214 = tpu.memref_squeeze %dma_start3A_213 : memref<1x64x128xf32, #tpu.memory_space<vmem>> -> memref<64x128xf32, #tpu.memory_space<vmem>>
      tpu.enqueue_dma source(%dma_start3A_214 : memref<64x128xf32, #tpu.memory_space<vmem>>) target(%dma_start3A_210 : memref<64x128xf32, #tpu.memory_space<vmem_shared>>) target_semaphore(%run_scoped3A_202 : memref<!tpu.dma_semaphore, #tpu.memory_space<semaphore_mem>>)
      %dma_wait3A = arith.constant 0 : i32
      %dma_wait3A_215 = arith.constant 0 : i32
      %dma_wait3A_216 = tpu.memref_slice %arg7[%run_scoped3A_37, %dma_wait3A, %dma_wait3A_215] : memref<2x64x128xf32, #tpu.memory_space<vmem>> -> memref<1x64x128xf32, #tpu.memory_space<vmem>>
      %dma_wait3A_217 = tpu.memref_squeeze %dma_wait3A_216 : memref<1x64x128xf32, #tpu.memory_space<vmem>> -> memref<64x128xf32, #tpu.memory_space<vmem>>
      %dma_wait3A_218 = arith.constant 0 : i32
      %dma_wait3A_219 = tpu.memref_slice %arg9[%add3A_36, %dma_wait3A_218] : memref<10240x128xf32, #tpu.memory_space<vmem_shared>> -> memref<64x128xf32, #tpu.memory_space<vmem_shared>>
      %dma_wait3A_220 = arith.constant 0 : i32
      %dma_wait3A_221 = tpu.memref_slice %arg9[%add3A_36, %dma_wait3A_220] : memref<10240x128xf32, #tpu.memory_space<vmem_shared>> -> memref<64x128xf32, #tpu.memory_space<vmem_shared>>
      %dma_wait3A_222 = arith.constant 0 : i32
      %dma_wait3A_223 = arith.constant 0 : i32
      %dma_wait3A_224 = tpu.memref_slice %arg7[%run_scoped3A_37, %dma_wait3A_222, %dma_wait3A_223] : memref<2x64x128xf32, #tpu.memory_space<vmem>> -> memref<1x64x128xf32, #tpu.memory_space<vmem>>
      %dma_wait3A_225 = tpu.memref_squeeze %dma_wait3A_224 : memref<1x64x128xf32, #tpu.memory_space<vmem>> -> memref<64x128xf32, #tpu.memory_space<vmem>>
      tpu.wait_dma2 semaphore(%run_scoped3A_202 : memref<!tpu.dma_semaphore, #tpu.memory_space<semaphore_mem>>) src(%dma_wait3A_225 : memref<64x128xf32, #tpu.memory_space<vmem>>) dst(%dma_wait3A_221 : memref<64x128xf32, #tpu.memory_space<vmem_shared>>)
      tpu.yield
    }) : () -> ()
    %add3A_38 = arith.constant 512 : i32
    %add3A_39 = arith.addi %mul3A_14, %add3A_38 : i32
    %run_scoped3A_40 = arith.constant 0 : i32
    "tpu.region"() ({
      %run_scoped3A_202 = tpu.sem_alloc : memref<!tpu.dma_semaphore, #tpu.memory_space<semaphore_mem>>
      %dma_start3A_203 = arith.constant 0 : i32
      %dma_start3A_204 = arith.constant 0 : i32
      %dma_start3A_205 = tpu.memref_slice %arg7[%run_scoped3A_40, %dma_start3A_203, %dma_start3A_204] : memref<2x64x128xf32, #tpu.memory_space<vmem>> -> memref<1x64x128xf32, #tpu.memory_space<vmem>>
      %dma_start3A_206 = tpu.memref_squeeze %dma_start3A_205 : memref<1x64x128xf32, #tpu.memory_space<vmem>> -> memref<64x128xf32, #tpu.memory_space<vmem>>
      %dma_start3A_207 = arith.constant 0 : i32
      %dma_start3A_208 = tpu.memref_slice %arg9[%add3A_39, %dma_start3A_207] : memref<10240x128xf32, #tpu.memory_space<vmem_shared>> -> memref<64x128xf32, #tpu.memory_space<vmem_shared>>
      %dma_start3A_209 = arith.constant 0 : i32
      %dma_start3A_210 = tpu.memref_slice %arg9[%add3A_39, %dma_start3A_209] : memref<10240x128xf32, #tpu.memory_space<vmem_shared>> -> memref<64x128xf32, #tpu.memory_space<vmem_shared>>
      %dma_start3A_211 = arith.constant 0 : i32
      %dma_start3A_212 = arith.constant 0 : i32
      %dma_start3A_213 = tpu.memref_slice %arg7[%run_scoped3A_40, %dma_start3A_211, %dma_start3A_212] : memref<2x64x128xf32, #tpu.memory_space<vmem>> -> memref<1x64x128xf32, #tpu.memory_space<vmem>>
      %dma_start3A_214 = tpu.memref_squeeze %dma_start3A_213 : memref<1x64x128xf32, #tpu.memory_space<vmem>> -> memref<64x128xf32, #tpu.memory_space<vmem>>
      tpu.enqueue_dma source(%dma_start3A_214 : memref<64x128xf32, #tpu.memory_space<vmem>>) target(%dma_start3A_210 : memref<64x128xf32, #tpu.memory_space<vmem_shared>>) target_semaphore(%run_scoped3A_202 : memref<!tpu.dma_semaphore, #tpu.memory_space<semaphore_mem>>)
      %dma_wait3A = arith.constant 0 : i32
      %dma_wait3A_215 = arith.constant 0 : i32
      %dma_wait3A_216 = tpu.memref_slice %arg7[%run_scoped3A_40, %dma_wait3A, %dma_wait3A_215] : memref<2x64x128xf32, #tpu.memory_space<vmem>> -> memref<1x64x128xf32, #tpu.memory_space<vmem>>
      %dma_wait3A_217 = tpu.memref_squeeze %dma_wait3A_216 : memref<1x64x128xf32, #tpu.memory_space<vmem>> -> memref<64x128xf32, #tpu.memory_space<vmem>>
      %dma_wait3A_218 = arith.constant 0 : i32
      %dma_wait3A_219 = tpu.memref_slice %arg9[%add3A_39, %dma_wait3A_218] : memref<10240x128xf32, #tpu.memory_space<vmem_shared>> -> memref<64x128xf32, #tpu.memory_space<vmem_shared>>
      %dma_wait3A_220 = arith.constant 0 : i32
      %dma_wait3A_221 = tpu.memref_slice %arg9[%add3A_39, %dma_wait3A_220] : memref<10240x128xf32, #tpu.memory_space<vmem_shared>> -> memref<64x128xf32, #tpu.memory_space<vmem_shared>>
      %dma_wait3A_222 = arith.constant 0 : i32
      %dma_wait3A_223 = arith.constant 0 : i32
      %dma_wait3A_224 = tpu.memref_slice %arg7[%run_scoped3A_40, %dma_wait3A_222, %dma_wait3A_223] : memref<2x64x128xf32, #tpu.memory_space<vmem>> -> memref<1x64x128xf32, #tpu.memory_space<vmem>>
      %dma_wait3A_225 = tpu.memref_squeeze %dma_wait3A_224 : memref<1x64x128xf32, #tpu.memory_space<vmem>> -> memref<64x128xf32, #tpu.memory_space<vmem>>
      tpu.wait_dma2 semaphore(%run_scoped3A_202 : memref<!tpu.dma_semaphore, #tpu.memory_space<semaphore_mem>>) src(%dma_wait3A_225 : memref<64x128xf32, #tpu.memory_space<vmem>>) dst(%dma_wait3A_221 : memref<64x128xf32, #tpu.memory_space<vmem_shared>>)
      tpu.yield
    }) : () -> ()
    %add3A_41 = arith.constant 576 : i32
    %add3A_42 = arith.addi %mul3A_14, %add3A_41 : i32
    %run_scoped3A_43 = arith.constant 0 : i32
    "tpu.region"() ({
      %run_scoped3A_202 = tpu.sem_alloc : memref<!tpu.dma_semaphore, #tpu.memory_space<semaphore_mem>>
      %dma_start3A_203 = arith.constant 0 : i32
      %dma_start3A_204 = arith.constant 0 : i32
      %dma_start3A_205 = tpu.memref_slice %arg7[%run_scoped3A_43, %dma_start3A_203, %dma_start3A_204] : memref<2x64x128xf32, #tpu.memory_space<vmem>> -> memref<1x64x128xf32, #tpu.memory_space<vmem>>
      %dma_start3A_206 = tpu.memref_squeeze %dma_start3A_205 : memref<1x64x128xf32, #tpu.memory_space<vmem>> -> memref<64x128xf32, #tpu.memory_space<vmem>>
      %dma_start3A_207 = arith.constant 0 : i32
      %dma_start3A_208 = tpu.memref_slice %arg9[%add3A_42, %dma_start3A_207] : memref<10240x128xf32, #tpu.memory_space<vmem_shared>> -> memref<64x128xf32, #tpu.memory_space<vmem_shared>>
      %dma_start3A_209 = arith.constant 0 : i32
      %dma_start3A_210 = tpu.memref_slice %arg9[%add3A_42, %dma_start3A_209] : memref<10240x128xf32, #tpu.memory_space<vmem_shared>> -> memref<64x128xf32, #tpu.memory_space<vmem_shared>>
      %dma_start3A_211 = arith.constant 0 : i32
      %dma_start3A_212 = arith.constant 0 : i32
      %dma_start3A_213 = tpu.memref_slice %arg7[%run_scoped3A_43, %dma_start3A_211, %dma_start3A_212] : memref<2x64x128xf32, #tpu.memory_space<vmem>> -> memref<1x64x128xf32, #tpu.memory_space<vmem>>
      %dma_start3A_214 = tpu.memref_squeeze %dma_start3A_213 : memref<1x64x128xf32, #tpu.memory_space<vmem>> -> memref<64x128xf32, #tpu.memory_space<vmem>>
      tpu.enqueue_dma source(%dma_start3A_214 : memref<64x128xf32, #tpu.memory_space<vmem>>) target(%dma_start3A_210 : memref<64x128xf32, #tpu.memory_space<vmem_shared>>) target_semaphore(%run_scoped3A_202 : memref<!tpu.dma_semaphore, #tpu.memory_space<semaphore_mem>>)
      %dma_wait3A = arith.constant 0 : i32
      %dma_wait3A_215 = arith.constant 0 : i32
      %dma_wait3A_216 = tpu.memref_slice %arg7[%run_scoped3A_43, %dma_wait3A, %dma_wait3A_215] : memref<2x64x128xf32, #tpu.memory_space<vmem>> -> memref<1x64x128xf32, #tpu.memory_space<vmem>>
      %dma_wait3A_217 = tpu.memref_squeeze %dma_wait3A_216 : memref<1x64x128xf32, #tpu.memory_space<vmem>> -> memref<64x128xf32, #tpu.memory_space<vmem>>
      %dma_wait3A_218 = arith.constant 0 : i32
      %dma_wait3A_219 = tpu.memref_slice %arg9[%add3A_42, %dma_wait3A_218] : memref<10240x128xf32, #tpu.memory_space<vmem_shared>> -> memref<64x128xf32, #tpu.memory_space<vmem_shared>>
      %dma_wait3A_220 = arith.constant 0 : i32
      %dma_wait3A_221 = tpu.memref_slice %arg9[%add3A_42, %dma_wait3A_220] : memref<10240x128xf32, #tpu.memory_space<vmem_shared>> -> memref<64x128xf32, #tpu.memory_space<vmem_shared>>
      %dma_wait3A_222 = arith.constant 0 : i32
      %dma_wait3A_223 = arith.constant 0 : i32
      %dma_wait3A_224 = tpu.memref_slice %arg7[%run_scoped3A_43, %dma_wait3A_222, %dma_wait3A_223] : memref<2x64x128xf32, #tpu.memory_space<vmem>> -> memref<1x64x128xf32, #tpu.memory_space<vmem>>
      %dma_wait3A_225 = tpu.memref_squeeze %dma_wait3A_224 : memref<1x64x128xf32, #tpu.memory_space<vmem>> -> memref<64x128xf32, #tpu.memory_space<vmem>>
      tpu.wait_dma2 semaphore(%run_scoped3A_202 : memref<!tpu.dma_semaphore, #tpu.memory_space<semaphore_mem>>) src(%dma_wait3A_225 : memref<64x128xf32, #tpu.memory_space<vmem>>) dst(%dma_wait3A_221 : memref<64x128xf32, #tpu.memory_space<vmem_shared>>)
      tpu.yield
    }) : () -> ()
    %barrier3A = arith.constant 0 : index
    tpu.barrier barrier_id(%barrier3A)
    %mul3A_44 = arith.constant 8192 : i32
    %mul3A_45 = arith.muli %add3A, %mul3A_44 : i32
    %mul3A_46 = arith.constant 128 : i32
    %mul3A_47 = arith.muli %add3A, %mul3A_46 : i32
    %add3A_48 = arith.constant 0 : i32
    %add3A_49 = arith.addi %mul3A_47, %add3A_48 : i32
    "tpu.region"() ({
      %run_scoped3A_202 = tpu.sem_alloc : memref<!tpu.dma_semaphore, #tpu.memory_space<semaphore_mem>>
      %dma_start3A_203 = arith.constant 0 : i32
      %dma_start3A_204 = tpu.memref_slice %arg3[%add3A_49, %dma_start3A_203] : memref<4096x64xi32, #tpu.memory_space<hbm>> -> memref<32x64xi32, #tpu.memory_space<hbm>>
      %dma_start3A_205 = arith.constant 0 : i32
      %dma_start3A_206 = tpu.memref_slice %arg3[%add3A_49, %dma_start3A_205] : memref<4096x64xi32, #tpu.memory_space<hbm>> -> memref<32x64xi32, #tpu.memory_space<hbm>>
      tpu.enqueue_dma source(%dma_start3A_206 : memref<32x64xi32, #tpu.memory_space<hbm>>) target(%arg6 : memref<32x64xi32, #tpu.memory_space<vmem>>) target_semaphore(%run_scoped3A_202 : memref<!tpu.dma_semaphore, #tpu.memory_space<semaphore_mem>>)
      %dma_wait3A = arith.constant 0 : i32
      %dma_wait3A_207 = tpu.memref_slice %arg3[%add3A_49, %dma_wait3A] : memref<4096x64xi32, #tpu.memory_space<hbm>> -> memref<32x64xi32, #tpu.memory_space<hbm>>
      %dma_wait3A_208 = arith.constant 0 : i32
      %dma_wait3A_209 = tpu.memref_slice %arg3[%add3A_49, %dma_wait3A_208] : memref<4096x64xi32, #tpu.memory_space<hbm>> -> memref<32x64xi32, #tpu.memory_space<hbm>>
      tpu.wait_dma2 semaphore(%run_scoped3A_202 : memref<!tpu.dma_semaphore, #tpu.memory_space<semaphore_mem>>) src(%dma_wait3A_209 : memref<32x64xi32, #tpu.memory_space<hbm>>) dst(%arg6 : memref<32x64xi32, #tpu.memory_space<vmem>>)
      tpu.yield
    }) : () -> ()
    %add3A_50 = arith.constant 0 : i32
    %add3A_51 = arith.addi %mul3A_45, %add3A_50 : i32
    %dma_start3A = arith.constant 0 : i32
    %dma_start3A_52 = arith.constant 0 : i32
    %dma_start3A_53 = arith.constant 0 : i32
    %dma_start3A_54 = tpu.memref_slice %arg7[%dma_start3A, %dma_start3A_52, %dma_start3A_53] : memref<2x64x128xf32, #tpu.memory_space<vmem>> -> memref<1x64x128xf32, #tpu.memory_space<vmem>>
    %dma_start3A_55 = tpu.memref_squeeze %dma_start3A_54 : memref<1x64x128xf32, #tpu.memory_space<vmem>> -> memref<64x128xf32, #tpu.memory_space<vmem>>
    %dma_start3A_56 = arith.constant 0 : i32
    %dma_start3A_57 = tpu.memref_slice %arg2[%add3A_51, %dma_start3A_56] : memref<262144x128xf32, #tpu.memory_space<hbm>> -> memref<64x128xf32, #tpu.memory_space<hbm>>
    %dma_start3A_58 = arith.constant 0 : i32
    %dma_start3A_59 = arith.constant 0 : i32
    %dma_start3A_60 = tpu.memref_slice %arg7[%dma_start3A, %dma_start3A_58, %dma_start3A_59] : memref<2x64x128xf32, #tpu.memory_space<vmem>> -> memref<1x64x128xf32, #tpu.memory_space<vmem>>
    %dma_start3A_61 = tpu.memref_squeeze %dma_start3A_60 : memref<1x64x128xf32, #tpu.memory_space<vmem>> -> memref<64x128xf32, #tpu.memory_space<vmem>>
    %dma_start3A_62 = arith.constant 0 : i32
    %dma_start3A_63 = tpu.memref_slice %arg2[%add3A_51, %dma_start3A_62] : memref<262144x128xf32, #tpu.memory_space<hbm>> -> memref<64x128xf32, #tpu.memory_space<hbm>>
    tpu.enqueue_dma source(%dma_start3A_63 : memref<64x128xf32, #tpu.memory_space<hbm>>) target(%dma_start3A_61 : memref<64x128xf32, #tpu.memory_space<vmem>>) target_semaphore(%arg10 : memref<!tpu.dma_semaphore, #tpu.memory_space<semaphore_mem>>)
    %add3A_64 = arith.constant 64 : i32
    %add3A_65 = arith.addi %mul3A_45, %add3A_64 : i32
    %dma_start3A_66 = arith.constant 1 : i32
    %dma_start3A_67 = arith.constant 0 : i32
    %dma_start3A_68 = arith.constant 0 : i32
    %dma_start3A_69 = tpu.memref_slice %arg7[%dma_start3A_66, %dma_start3A_67, %dma_start3A_68] : memref<2x64x128xf32, #tpu.memory_space<vmem>> -> memref<1x64x128xf32, #tpu.memory_space<vmem>>
    %dma_start3A_70 = tpu.memref_squeeze %dma_start3A_69 : memref<1x64x128xf32, #tpu.memory_space<vmem>> -> memref<64x128xf32, #tpu.memory_space<vmem>>
    %dma_start3A_71 = arith.constant 0 : i32
    %dma_start3A_72 = tpu.memref_slice %arg2[%add3A_65, %dma_start3A_71] : memref<262144x128xf32, #tpu.memory_space<hbm>> -> memref<64x128xf32, #tpu.memory_space<hbm>>
    %dma_start3A_73 = arith.constant 0 : i32
    %dma_start3A_74 = arith.constant 0 : i32
    %dma_start3A_75 = tpu.memref_slice %arg7[%dma_start3A_66, %dma_start3A_73, %dma_start3A_74] : memref<2x64x128xf32, #tpu.memory_space<vmem>> -> memref<1x64x128xf32, #tpu.memory_space<vmem>>
    %dma_start3A_76 = tpu.memref_squeeze %dma_start3A_75 : memref<1x64x128xf32, #tpu.memory_space<vmem>> -> memref<64x128xf32, #tpu.memory_space<vmem>>
    %dma_start3A_77 = arith.constant 0 : i32
    %dma_start3A_78 = tpu.memref_slice %arg2[%add3A_65, %dma_start3A_77] : memref<262144x128xf32, #tpu.memory_space<hbm>> -> memref<64x128xf32, #tpu.memory_space<hbm>>
    tpu.enqueue_dma source(%dma_start3A_78 : memref<64x128xf32, #tpu.memory_space<hbm>>) target(%dma_start3A_76 : memref<64x128xf32, #tpu.memory_space<vmem>>) target_semaphore(%arg11 : memref<!tpu.dma_semaphore, #tpu.memory_space<semaphore_mem>>)
    %scan3A_79 = arith.constant 0 : i32
    %scan3A_80 = arith.constant 16 : i32
    %scan3A_81 = arith.addi %scan3A_79, %scan3A_80 : i32
    %scan3A_82 = arith.constant 1 : i32
    scf.for %scan3A_202 = %scan3A_79 to %scan3A_81 step %scan3A_82  : i32 {
      %mul3A_203 = arith.constant 2 : i32
      %mul3A_204 = arith.muli %scan3A_202, %mul3A_203 : i32
      %add3A_205 = arith.constant 0 : i32
      %add3A_206 = arith.addi %add3A_205, %mul3A_204 : i32
      %add3A_207 = arith.constant 0 : i32
      %add3A_208 = arith.addi %add3A_207, %add3A_206 : i32
      %mul3A_209 = arith.constant 64 : i32
      %mul3A_210 = arith.muli %add3A_208, %mul3A_209 : i32
      %add3A_211 = arith.addi %mul3A_45, %mul3A_210 : i32
      %dma_wait3A = arith.constant 0 : i32
      %dma_wait3A_212 = arith.constant 0 : i32
      %dma_wait3A_213 = arith.constant 0 : i32
      %dma_wait3A_214 = tpu.memref_slice %arg7[%dma_wait3A, %dma_wait3A_212, %dma_wait3A_213] : memref<2x64x128xf32, #tpu.memory_space<vmem>> -> memref<1x64x128xf32, #tpu.memory_space<vmem>>
      %dma_wait3A_215 = tpu.memref_squeeze %dma_wait3A_214 : memref<1x64x128xf32, #tpu.memory_space<vmem>> -> memref<64x128xf32, #tpu.memory_space<vmem>>
      %dma_wait3A_216 = arith.constant 0 : i32
      %dma_wait3A_217 = tpu.memref_slice %arg2[%add3A_211, %dma_wait3A_216] : memref<262144x128xf32, #tpu.memory_space<hbm>> -> memref<64x128xf32, #tpu.memory_space<hbm>>
      %dma_wait3A_218 = arith.constant 0 : i32
      %dma_wait3A_219 = arith.constant 0 : i32
      %dma_wait3A_220 = tpu.memref_slice %arg7[%dma_wait3A, %dma_wait3A_218, %dma_wait3A_219] : memref<2x64x128xf32, #tpu.memory_space<vmem>> -> memref<1x64x128xf32, #tpu.memory_space<vmem>>
      %dma_wait3A_221 = tpu.memref_squeeze %dma_wait3A_220 : memref<1x64x128xf32, #tpu.memory_space<vmem>> -> memref<64x128xf32, #tpu.memory_space<vmem>>
      %dma_wait3A_222 = arith.constant 0 : i32
      %dma_wait3A_223 = tpu.memref_slice %arg2[%add3A_211, %dma_wait3A_222] : memref<262144x128xf32, #tpu.memory_space<hbm>> -> memref<64x128xf32, #tpu.memory_space<hbm>>
      tpu.wait_dma2 semaphore(%arg10 : memref<!tpu.dma_semaphore, #tpu.memory_space<semaphore_mem>>) src(%dma_wait3A_223 : memref<64x128xf32, #tpu.memory_space<hbm>>) dst(%dma_wait3A_221 : memref<64x128xf32, #tpu.memory_space<vmem>>)
      %run_scoped3A_224 = arith.constant 0 : i32
      "tpu.region"() ({
        %run_scoped3A_288 = tpu.sem_alloc : memref<!tpu.dma_semaphore, #tpu.memory_space<semaphore_mem>>
        %dma_start3A_289 = arith.constant 0 : i32
        %dma_start3A_290 = arith.constant 0 : i32
        %dma_start3A_291 = tpu.memref_slice %arg7[%run_scoped3A_224, %dma_start3A_289, %dma_start3A_290] : memref<2x64x128xf32, #tpu.memory_space<vmem>> -> memref<1x64x128xf32, #tpu.memory_space<vmem>>
        %dma_start3A_292 = tpu.memref_squeeze %dma_start3A_291 : memref<1x64x128xf32, #tpu.memory_space<vmem>> -> memref<64x128xf32, #tpu.memory_space<vmem>>
        %dma_start3A_293 = arith.constant 0 : i32
        %dma_start3A_294 = tpu.memref_slice %arg6[%add3A_206, %dma_start3A_293] : memref<32x64xi32, #tpu.memory_space<vmem>> -> memref<1x64xi32, #tpu.memory_space<vmem>>
        %dma_start3A_295 = tpu.memref_squeeze %dma_start3A_294 : memref<1x64xi32, #tpu.memory_space<vmem>> -> memref<64xi32, #tpu.memory_space<vmem>>
        %dma_start3A_296 = arith.constant 0 : i32
        %dma_start3A_297 = arith.constant 0 : i32
        %dma_start3A_298 = tpu.memref_slice %arg9[%dma_start3A_296, %dma_start3A_297] : memref<10240x128xf32, #tpu.memory_space<vmem_shared>> -> memref<10240x128xf32, #tpu.memory_space<vmem_shared>>
        tpu.enqueue_indirect_dma source(%dma_start3A_292 : memref<64x128xf32, #tpu.memory_space<vmem>>) target(%dma_start3A_298 : memref<10240x128xf32, #tpu.memory_space<vmem_shared>>) offsets(%dma_start3A_295 : memref<64xi32, #tpu.memory_space<vmem>>) semaphore(%run_scoped3A_288 : memref<!tpu.dma_semaphore, #tpu.memory_space<semaphore_mem>>) {add = true}
        %dma_wait3A_299 = arith.constant 0 : i32
        %dma_wait3A_300 = arith.constant 0 : i32
        %dma_wait3A_301 = tpu.memref_slice %arg7[%run_scoped3A_224, %dma_wait3A_299, %dma_wait3A_300] : memref<2x64x128xf32, #tpu.memory_space<vmem>> -> memref<1x64x128xf32, #tpu.memory_space<vmem>>
        %dma_wait3A_302 = tpu.memref_squeeze %dma_wait3A_301 : memref<1x64x128xf32, #tpu.memory_space<vmem>> -> memref<64x128xf32, #tpu.memory_space<vmem>>
        %dma_wait3A_303 = arith.constant 0 : i32
        %dma_wait3A_304 = tpu.memref_slice %arg6[%add3A_206, %dma_wait3A_303] : memref<32x64xi32, #tpu.memory_space<vmem>> -> memref<1x64xi32, #tpu.memory_space<vmem>>
        %dma_wait3A_305 = tpu.memref_squeeze %dma_wait3A_304 : memref<1x64xi32, #tpu.memory_space<vmem>> -> memref<64xi32, #tpu.memory_space<vmem>>
        %dma_wait3A_306 = arith.constant 0 : i32
        %dma_wait3A_307 = arith.constant 0 : i32
        %dma_wait3A_308 = tpu.memref_slice %arg9[%dma_wait3A_306, %dma_wait3A_307] : memref<10240x128xf32, #tpu.memory_space<vmem_shared>> -> memref<10240x128xf32, #tpu.memory_space<vmem_shared>>
        tpu.wait_indirect_dma semaphore(%run_scoped3A_288 : memref<!tpu.dma_semaphore, #tpu.memory_space<semaphore_mem>>) src(%dma_wait3A_302 : memref<64x128xf32, #tpu.memory_space<vmem>>) dst(%dma_wait3A_308 : memref<10240x128xf32, #tpu.memory_space<vmem_shared>>)
        tpu.yield
      }) : () -> ()
      %get3A = arith.index_cast %add3A_206 : i32 to index
      %get3A_225 = arith.constant 0 : index
      %get3A_226 = tpu.vector_load %arg6[%get3A, %get3A_225] {strides = array<i32>} : memref<32x64xi32, #tpu.memory_space<vmem>>, vector<16xi32>,
      tpu.vector_store_idx %arg8[%get3A_226], %broadcast_in_dim3A_3 {add = true} : memref<10240xf32, #tpu.memory_space<vmem>>[vector<16xi32>], vector<16xf32>,
      %get3A_227 = arith.index_cast %add3A_206 : i32 to index
      %get3A_228 = arith.constant 16 : index
      %get3A_229 = tpu.vector_load %arg6[%get3A_227, %get3A_228] {strides = array<i32>} : memref<32x64xi32, #tpu.memory_space<vmem>>, vector<16xi32>,
      tpu.vector_store_idx %arg8[%get3A_229], %broadcast_in_dim3A_3 {add = true} : memref<10240xf32, #tpu.memory_space<vmem>>[vector<16xi32>], vector<16xf32>,
      %get3A_230 = arith.index_cast %add3A_206 : i32 to index
      %get3A_231 = arith.constant 32 : index
      %get3A_232 = tpu.vector_load %arg6[%get3A_230, %get3A_231] {strides = array<i32>} : memref<32x64xi32, #tpu.memory_space<vmem>>, vector<16xi32>,
      tpu.vector_store_idx %arg8[%get3A_232], %broadcast_in_dim3A_3 {add = true} : memref<10240xf32, #tpu.memory_space<vmem>>[vector<16xi32>], vector<16xf32>,
      %get3A_233 = arith.index_cast %add3A_206 : i32 to index
      %get3A_234 = arith.constant 48 : index
      %get3A_235 = tpu.vector_load %arg6[%get3A_233, %get3A_234] {strides = array<i32>} : memref<32x64xi32, #tpu.memory_space<vmem>>, vector<16xi32>,
      tpu.vector_store_idx %arg8[%get3A_235], %broadcast_in_dim3A_3 {add = true} : memref<10240xf32, #tpu.memory_space<vmem>>[vector<16xi32>], vector<16xf32>,
      %add3A_236 = arith.constant 2 : i32
      %add3A_237 = arith.addi %add3A_206, %add3A_236 : i32
      %lt3A = arith.constant 32 : i32
      %lt3A_238 = arith.cmpi slt, %add3A_237, %lt3A : i32
      %convert_element_type3A = arith.extui %lt3A_238 : i1 to i32
      %cond3A = arith.constant 0 : i32
      %cond3A_239 = arith.cmpi ne, %convert_element_type3A, %cond3A : i32
      scf.if %cond3A_239 {
        %add3A_288 = arith.constant 2 : i32
        %add3A_289 = arith.addi %add3A_208, %add3A_288 : i32
        %mul3A_290 = arith.constant 64 : i32
        %mul3A_291 = arith.muli %add3A_289, %mul3A_290 : i32
        %add3A_292 = arith.addi %mul3A_45, %mul3A_291 : i32
        %dma_start3A_293 = arith.constant 0 : i32
        %dma_start3A_294 = arith.constant 0 : i32
        %dma_start3A_295 = arith.constant 0 : i32
        %dma_start3A_296 = tpu.memref_slice %arg7[%dma_start3A_293, %dma_start3A_294, %dma_start3A_295] : memref<2x64x128xf32, #tpu.memory_space<vmem>> -> memref<1x64x128xf32, #tpu.memory_space<vmem>>
        %dma_start3A_297 = tpu.memref_squeeze %dma_start3A_296 : memref<1x64x128xf32, #tpu.memory_space<vmem>> -> memref<64x128xf32, #tpu.memory_space<vmem>>
        %dma_start3A_298 = arith.constant 0 : i32
        %dma_start3A_299 = tpu.memref_slice %arg2[%add3A_292, %dma_start3A_298] : memref<262144x128xf32, #tpu.memory_space<hbm>> -> memref<64x128xf32, #tpu.memory_space<hbm>>
        %dma_start3A_300 = arith.constant 0 : i32
        %dma_start3A_301 = arith.constant 0 : i32
        %dma_start3A_302 = tpu.memref_slice %arg7[%dma_start3A_293, %dma_start3A_300, %dma_start3A_301] : memref<2x64x128xf32, #tpu.memory_space<vmem>> -> memref<1x64x128xf32, #tpu.memory_space<vmem>>
        %dma_start3A_303 = tpu.memref_squeeze %dma_start3A_302 : memref<1x64x128xf32, #tpu.memory_space<vmem>> -> memref<64x128xf32, #tpu.memory_space<vmem>>
        %dma_start3A_304 = arith.constant 0 : i32
        %dma_start3A_305 = tpu.memref_slice %arg2[%add3A_292, %dma_start3A_304] : memref<262144x128xf32, #tpu.memory_space<hbm>> -> memref<64x128xf32, #tpu.memory_space<hbm>>
        tpu.enqueue_dma source(%dma_start3A_305 : memref<64x128xf32, #tpu.memory_space<hbm>>) target(%dma_start3A_303 : memref<64x128xf32, #tpu.memory_space<vmem>>) target_semaphore(%arg10 : memref<!tpu.dma_semaphore, #tpu.memory_space<semaphore_mem>>)
      } else {
      }
      %add3A_240 = arith.constant 1 : i32
      %add3A_241 = arith.addi %add3A_208, %add3A_240 : i32
      %mul3A_242 = arith.constant 64 : i32
      %mul3A_243 = arith.muli %add3A_241, %mul3A_242 : i32
      %add3A_244 = arith.addi %mul3A_45, %mul3A_243 : i32
      %dma_wait3A_245 = arith.constant 1 : i32
      %dma_wait3A_246 = arith.constant 0 : i32
      %dma_wait3A_247 = arith.constant 0 : i32
      %dma_wait3A_248 = tpu.memref_slice %arg7[%dma_wait3A_245, %dma_wait3A_246, %dma_wait3A_247] : memref<2x64x128xf32, #tpu.memory_space<vmem>> -> memref<1x64x128xf32, #tpu.memory_space<vmem>>
      %dma_wait3A_249 = tpu.memref_squeeze %dma_wait3A_248 : memref<1x64x128xf32, #tpu.memory_space<vmem>> -> memref<64x128xf32, #tpu.memory_space<vmem>>
      %dma_wait3A_250 = arith.constant 0 : i32
      %dma_wait3A_251 = tpu.memref_slice %arg2[%add3A_244, %dma_wait3A_250] : memref<262144x128xf32, #tpu.memory_space<hbm>> -> memref<64x128xf32, #tpu.memory_space<hbm>>
      %dma_wait3A_252 = arith.constant 0 : i32
      %dma_wait3A_253 = arith.constant 0 : i32
      %dma_wait3A_254 = tpu.memref_slice %arg7[%dma_wait3A_245, %dma_wait3A_252, %dma_wait3A_253] : memref<2x64x128xf32, #tpu.memory_space<vmem>> -> memref<1x64x128xf32, #tpu.memory_space<vmem>>
      %dma_wait3A_255 = tpu.memref_squeeze %dma_wait3A_254 : memref<1x64x128xf32, #tpu.memory_space<vmem>> -> memref<64x128xf32, #tpu.memory_space<vmem>>
      %dma_wait3A_256 = arith.constant 0 : i32
      %dma_wait3A_257 = tpu.memref_slice %arg2[%add3A_244, %dma_wait3A_256] : memref<262144x128xf32, #tpu.memory_space<hbm>> -> memref<64x128xf32, #tpu.memory_space<hbm>>
      tpu.wait_dma2 semaphore(%arg11 : memref<!tpu.dma_semaphore, #tpu.memory_space<semaphore_mem>>) src(%dma_wait3A_257 : memref<64x128xf32, #tpu.memory_space<hbm>>) dst(%dma_wait3A_255 : memref<64x128xf32, #tpu.memory_space<vmem>>)
      %add3A_258 = arith.constant 1 : i32
      %add3A_259 = arith.addi %add3A_206, %add3A_258 : i32
      %run_scoped3A_260 = arith.constant 1 : i32
      "tpu.region"() ({
        %run_scoped3A_288 = tpu.sem_alloc : memref<!tpu.dma_semaphore, #tpu.memory_space<semaphore_mem>>
        %dma_start3A_289 = arith.constant 0 : i32
        %dma_start3A_290 = arith.constant 0 : i32
        %dma_start3A_291 = tpu.memref_slice %arg7[%run_scoped3A_260, %dma_start3A_289, %dma_start3A_290] : memref<2x64x128xf32, #tpu.memory_space<vmem>> -> memref<1x64x128xf32, #tpu.memory_space<vmem>>
        %dma_start3A_292 = tpu.memref_squeeze %dma_start3A_291 : memref<1x64x128xf32, #tpu.memory_space<vmem>> -> memref<64x128xf32, #tpu.memory_space<vmem>>
        %dma_start3A_293 = arith.constant 0 : i32
        %dma_start3A_294 = tpu.memref_slice %arg6[%add3A_259, %dma_start3A_293] : memref<32x64xi32, #tpu.memory_space<vmem>> -> memref<1x64xi32, #tpu.memory_space<vmem>>
        %dma_start3A_295 = tpu.memref_squeeze %dma_start3A_294 : memref<1x64xi32, #tpu.memory_space<vmem>> -> memref<64xi32, #tpu.memory_space<vmem>>
        %dma_start3A_296 = arith.constant 0 : i32
        %dma_start3A_297 = arith.constant 0 : i32
        %dma_start3A_298 = tpu.memref_slice %arg9[%dma_start3A_296, %dma_start3A_297] : memref<10240x128xf32, #tpu.memory_space<vmem_shared>> -> memref<10240x128xf32, #tpu.memory_space<vmem_shared>>
        tpu.enqueue_indirect_dma source(%dma_start3A_292 : memref<64x128xf32, #tpu.memory_space<vmem>>) target(%dma_start3A_298 : memref<10240x128xf32, #tpu.memory_space<vmem_shared>>) offsets(%dma_start3A_295 : memref<64xi32, #tpu.memory_space<vmem>>) semaphore(%run_scoped3A_288 : memref<!tpu.dma_semaphore, #tpu.memory_space<semaphore_mem>>) {add = true}
        %dma_wait3A_299 = arith.constant 0 : i32
        %dma_wait3A_300 = arith.constant 0 : i32
        %dma_wait3A_301 = tpu.memref_slice %arg7[%run_scoped3A_260, %dma_wait3A_299, %dma_wait3A_300] : memref<2x64x128xf32, #tpu.memory_space<vmem>> -> memref<1x64x128xf32, #tpu.memory_space<vmem>>
        %dma_wait3A_302 = tpu.memref_squeeze %dma_wait3A_301 : memref<1x64x128xf32, #tpu.memory_space<vmem>> -> memref<64x128xf32, #tpu.memory_space<vmem>>
        %dma_wait3A_303 = arith.constant 0 : i32
        %dma_wait3A_304 = tpu.memref_slice %arg6[%add3A_259, %dma_wait3A_303] : memref<32x64xi32, #tpu.memory_space<vmem>> -> memref<1x64xi32, #tpu.memory_space<vmem>>
        %dma_wait3A_305 = tpu.memref_squeeze %dma_wait3A_304 : memref<1x64xi32, #tpu.memory_space<vmem>> -> memref<64xi32, #tpu.memory_space<vmem>>
        %dma_wait3A_306 = arith.constant 0 : i32
        %dma_wait3A_307 = arith.constant 0 : i32
        %dma_wait3A_308 = tpu.memref_slice %arg9[%dma_wait3A_306, %dma_wait3A_307] : memref<10240x128xf32, #tpu.memory_space<vmem_shared>> -> memref<10240x128xf32, #tpu.memory_space<vmem_shared>>
        tpu.wait_indirect_dma semaphore(%run_scoped3A_288 : memref<!tpu.dma_semaphore, #tpu.memory_space<semaphore_mem>>) src(%dma_wait3A_302 : memref<64x128xf32, #tpu.memory_space<vmem>>) dst(%dma_wait3A_308 : memref<10240x128xf32, #tpu.memory_space<vmem_shared>>)
        tpu.yield
      }) : () -> ()
      %add3A_261 = arith.constant 1 : i32
      %add3A_262 = arith.addi %add3A_206, %add3A_261 : i32
      %get3A_263 = arith.index_cast %add3A_262 : i32 to index
      %get3A_264 = arith.constant 0 : index
      %get3A_265 = tpu.vector_load %arg6[%get3A_263, %get3A_264] {strides = array<i32>} : memref<32x64xi32, #tpu.memory_space<vmem>>, vector<16xi32>,
      tpu.vector_store_idx %arg8[%get3A_265], %broadcast_in_dim3A_3 {add = true} : memref<10240xf32, #tpu.memory_space<vmem>>[vector<16xi32>], vector<16xf32>,
      %add3A_266 = arith.constant 1 : i32
      %add3A_267 = arith.addi %add3A_206, %add3A_266 : i32
      %get3A_268 = arith.index_cast %add3A_267 : i32 to index
      %get3A_269 = arith.constant 16 : index
      %get3A_270 = tpu.vector_load %arg6[%get3A_268, %get3A_269] {strides = array<i32>} : memref<32x64xi32, #tpu.memory_space<vmem>>, vector<16xi32>,
      tpu.vector_store_idx %arg8[%get3A_270], %broadcast_in_dim3A_3 {add = true} : memref<10240xf32, #tpu.memory_space<vmem>>[vector<16xi32>], vector<16xf32>,
      %add3A_271 = arith.constant 1 : i32
      %add3A_272 = arith.addi %add3A_206, %add3A_271 : i32
      %get3A_273 = arith.index_cast %add3A_272 : i32 to index
      %get3A_274 = arith.constant 32 : index
      %get3A_275 = tpu.vector_load %arg6[%get3A_273, %get3A_274] {strides = array<i32>} : memref<32x64xi32, #tpu.memory_space<vmem>>, vector<16xi32>,
      tpu.vector_store_idx %arg8[%get3A_275], %broadcast_in_dim3A_3 {add = true} : memref<10240xf32, #tpu.memory_space<vmem>>[vector<16xi32>], vector<16xf32>,
      %add3A_276 = arith.constant 1 : i32
      %add3A_277 = arith.addi %add3A_206, %add3A_276 : i32
      %get3A_278 = arith.index_cast %add3A_277 : i32 to index
      %get3A_279 = arith.constant 48 : index
      %get3A_280 = tpu.vector_load %arg6[%get3A_278, %get3A_279] {strides = array<i32>} : memref<32x64xi32, #tpu.memory_space<vmem>>, vector<16xi32>,
      tpu.vector_store_idx %arg8[%get3A_280], %broadcast_in_dim3A_3 {add = true} : memref<10240xf32, #tpu.memory_space<vmem>>[vector<16xi32>], vector<16xf32>,
      %add3A_281 = arith.constant 3 : i32
      %add3A_282 = arith.addi %add3A_206, %add3A_281 : i32
      %lt3A_283 = arith.constant 32 : i32
      %lt3A_284 = arith.cmpi slt, %add3A_282, %lt3A_283 : i32
      %convert_element_type3A_285 = arith.extui %lt3A_284 : i1 to i32
      %cond3A_286 = arith.constant 0 : i32
      %cond3A_287 = arith.cmpi ne, %convert_element_type3A_285, %cond3A_286 : i32
      scf.if %cond3A_287 {
        %add3A_288 = arith.constant 3 : i32
        %add3A_289 = arith.addi %add3A_208, %add3A_288 : i32
        %mul3A_290 = arith.constant 64 : i32
        %mul3A_291 = arith.muli %add3A_289, %mul3A_290 : i32
        %add3A_292 = arith.addi %mul3A_45, %mul3A_291 : i32
        %dma_start3A_293 = arith.constant 1 : i32
        %dma_start3A_294 = arith.constant 0 : i32
        %dma_start3A_295 = arith.constant 0 : i32
        %dma_start3A_296 = tpu.memref_slice %arg7[%dma_start3A_293, %dma_start3A_294, %dma_start3A_295] : memref<2x64x128xf32, #tpu.memory_space<vmem>> -> memref<1x64x128xf32, #tpu.memory_space<vmem>>
        %dma_start3A_297 = tpu.memref_squeeze %dma_start3A_296 : memref<1x64x128xf32, #tpu.memory_space<vmem>> -> memref<64x128xf32, #tpu.memory_space<vmem>>
        %dma_start3A_298 = arith.constant 0 : i32
        %dma_start3A_299 = tpu.memref_slice %arg2[%add3A_292, %dma_start3A_298] : memref<262144x128xf32, #tpu.memory_space<hbm>> -> memref<64x128xf32, #tpu.memory_space<hbm>>
        %dma_start3A_300 = arith.constant 0 : i32
        %dma_start3A_301 = arith.constant 0 : i32
        %dma_start3A_302 = tpu.memref_slice %arg7[%dma_start3A_293, %dma_start3A_300, %dma_start3A_301] : memref<2x64x128xf32, #tpu.memory_space<vmem>> -> memref<1x64x128xf32, #tpu.memory_space<vmem>>
        %dma_start3A_303 = tpu.memref_squeeze %dma_start3A_302 : memref<1x64x128xf32, #tpu.memory_space<vmem>> -> memref<64x128xf32, #tpu.memory_space<vmem>>
        %dma_start3A_304 = arith.constant 0 : i32
        %dma_start3A_305 = tpu.memref_slice %arg2[%add3A_292, %dma_start3A_304] : memref<262144x128xf32, #tpu.memory_space<hbm>> -> memref<64x128xf32, #tpu.memory_space<hbm>>
        tpu.enqueue_dma source(%dma_start3A_305 : memref<64x128xf32, #tpu.memory_space<hbm>>) target(%dma_start3A_303 : memref<64x128xf32, #tpu.memory_space<vmem>>) target_semaphore(%arg11 : memref<!tpu.dma_semaphore, #tpu.memory_space<semaphore_mem>>)
      } else {
      }
    }
    %scan3A_83 = arith.constant 16 : i32
    %mul3A_84 = arith.constant 128 : i32
    %mul3A_85 = arith.muli %add3A, %mul3A_84 : i32
    %add3A_86 = arith.constant 32 : i32
    %add3A_87 = arith.addi %mul3A_85, %add3A_86 : i32
    "tpu.region"() ({
      %run_scoped3A_202 = tpu.sem_alloc : memref<!tpu.dma_semaphore, #tpu.memory_space<semaphore_mem>>
      %dma_start3A_203 = arith.constant 0 : i32
      %dma_start3A_204 = tpu.memref_slice %arg3[%add3A_87, %dma_start3A_203] : memref<4096x64xi32, #tpu.memory_space<hbm>> -> memref<32x64xi32, #tpu.memory_space<hbm>>
      %dma_start3A_205 = arith.constant 0 : i32
      %dma_start3A_206 = tpu.memref_slice %arg3[%add3A_87, %dma_start3A_205] : memref<4096x64xi32, #tpu.memory_space<hbm>> -> memref<32x64xi32, #tpu.memory_space<hbm>>
      tpu.enqueue_dma source(%dma_start3A_206 : memref<32x64xi32, #tpu.memory_space<hbm>>) target(%arg6 : memref<32x64xi32, #tpu.memory_space<vmem>>) target_semaphore(%run_scoped3A_202 : memref<!tpu.dma_semaphore, #tpu.memory_space<semaphore_mem>>)
      %dma_wait3A = arith.constant 0 : i32
      %dma_wait3A_207 = tpu.memref_slice %arg3[%add3A_87, %dma_wait3A] : memref<4096x64xi32, #tpu.memory_space<hbm>> -> memref<32x64xi32, #tpu.memory_space<hbm>>
      %dma_wait3A_208 = arith.constant 0 : i32
      %dma_wait3A_209 = tpu.memref_slice %arg3[%add3A_87, %dma_wait3A_208] : memref<4096x64xi32, #tpu.memory_space<hbm>> -> memref<32x64xi32, #tpu.memory_space<hbm>>
      tpu.wait_dma2 semaphore(%run_scoped3A_202 : memref<!tpu.dma_semaphore, #tpu.memory_space<semaphore_mem>>) src(%dma_wait3A_209 : memref<32x64xi32, #tpu.memory_space<hbm>>) dst(%arg6 : memref<32x64xi32, #tpu.memory_space<vmem>>)
      tpu.yield
    }) : () -> ()
    %add3A_88 = arith.constant 2048 : i32
    %add3A_89 = arith.addi %mul3A_45, %add3A_88 : i32
    %dma_start3A_90 = arith.constant 0 : i32
    %dma_start3A_91 = arith.constant 0 : i32
    %dma_start3A_92 = arith.constant 0 : i32
    %dma_start3A_93 = tpu.memref_slice %arg7[%dma_start3A_90, %dma_start3A_91, %dma_start3A_92] : memref<2x64x128xf32, #tpu.memory_space<vmem>> -> memref<1x64x128xf32, #tpu.memory_space<vmem>>
    %dma_start3A_94 = tpu.memref_squeeze %dma_start3A_93 : memref<1x64x128xf32, #tpu.memory_space<vmem>> -> memref<64x128xf32, #tpu.memory_space<vmem>>
    %dma_start3A_95 = arith.constant 0 : i32
    %dma_start3A_96 = tpu.memref_slice %arg2[%add3A_89, %dma_start3A_95] : memref<262144x128xf32, #tpu.memory_space<hbm>> -> memref<64x128xf32, #tpu.memory_space<hbm>>
    %dma_start3A_97 = arith.constant 0 : i32
    %dma_start3A_98 = arith.constant 0 : i32
    %dma_start3A_99 = tpu.memref_slice %arg7[%dma_start3A_90, %dma_start3A_97, %dma_start3A_98] : memref<2x64x128xf32, #tpu.memory_space<vmem>> -> memref<1x64x128xf32, #tpu.memory_space<vmem>>
    %dma_start3A_100 = tpu.memref_squeeze %dma_start3A_99 : memref<1x64x128xf32, #tpu.memory_space<vmem>> -> memref<64x128xf32, #tpu.memory_space<vmem>>
    %dma_start3A_101 = arith.constant 0 : i32
    %dma_start3A_102 = tpu.memref_slice %arg2[%add3A_89, %dma_start3A_101] : memref<262144x128xf32, #tpu.memory_space<hbm>> -> memref<64x128xf32, #tpu.memory_space<hbm>>
    tpu.enqueue_dma source(%dma_start3A_102 : memref<64x128xf32, #tpu.memory_space<hbm>>) target(%dma_start3A_100 : memref<64x128xf32, #tpu.memory_space<vmem>>) target_semaphore(%arg10 : memref<!tpu.dma_semaphore, #tpu.memory_space<semaphore_mem>>)
    %add3A_103 = arith.constant 2112 : i32
    %add3A_104 = arith.addi %mul3A_45, %add3A_103 : i32
    %dma_start3A_105 = arith.constant 1 : i32
    %dma_start3A_106 = arith.constant 0 : i32
    %dma_start3A_107 = arith.constant 0 : i32
    %dma_start3A_108 = tpu.memref_slice %arg7[%dma_start3A_105, %dma_start3A_106, %dma_start3A_107] : memref<2x64x128xf32, #tpu.memory_space<vmem>> -> memref<1x64x128xf32, #tpu.memory_space<vmem>>
    %dma_start3A_109 = tpu.memref_squeeze %dma_start3A_108 : memref<1x64x128xf32, #tpu.memory_space<vmem>> -> memref<64x128xf32, #tpu.memory_space<vmem>>
    %dma_start3A_110 = arith.constant 0 : i32
    %dma_start3A_111 = tpu.memref_slice %arg2[%add3A_104, %dma_start3A_110] : memref<262144x128xf32, #tpu.memory_space<hbm>> -> memref<64x128xf32, #tpu.memory_space<hbm>>
    %dma_start3A_112 = arith.constant 0 : i32
    %dma_start3A_113 = arith.constant 0 : i32
    %dma_start3A_114 = tpu.memref_slice %arg7[%dma_start3A_105, %dma_start3A_112, %dma_start3A_113] : memref<2x64x128xf32, #tpu.memory_space<vmem>> -> memref<1x64x128xf32, #tpu.memory_space<vmem>>
    %dma_start3A_115 = tpu.memref_squeeze %dma_start3A_114 : memref<1x64x128xf32, #tpu.memory_space<vmem>> -> memref<64x128xf32, #tpu.memory_space<vmem>>
    %dma_start3A_116 = arith.constant 0 : i32
    %dma_start3A_117 = tpu.memref_slice %arg2[%add3A_104, %dma_start3A_116] : memref<262144x128xf32, #tpu.memory_space<hbm>> -> memref<64x128xf32, #tpu.memory_space<hbm>>
    tpu.enqueue_dma source(%dma_start3A_117 : memref<64x128xf32, #tpu.memory_space<hbm>>) target(%dma_start3A_115 : memref<64x128xf32, #tpu.memory_space<vmem>>) target_semaphore(%arg11 : memref<!tpu.dma_semaphore, #tpu.memory_space<semaphore_mem>>)
    %scan3A_118 = arith.constant 0 : i32
    %scan3A_119 = arith.constant 16 : i32
    %scan3A_120 = arith.addi %scan3A_118, %scan3A_119 : i32
    %scan3A_121 = arith.constant 1 : i32
    scf.for %scan3A_202 = %scan3A_118 to %scan3A_120 step %scan3A_121  : i32 {
      %mul3A_203 = arith.constant 2 : i32
      %mul3A_204 = arith.muli %scan3A_202, %mul3A_203 : i32
      %add3A_205 = arith.constant 0 : i32
      %add3A_206 = arith.addi %add3A_205, %mul3A_204 : i32
      %add3A_207 = arith.constant 32 : i32
      %add3A_208 = arith.addi %add3A_207, %add3A_206 : i32
      %mul3A_209 = arith.constant 64 : i32
      %mul3A_210 = arith.muli %add3A_208, %mul3A_209 : i32
      %add3A_211 = arith.addi %mul3A_45, %mul3A_210 : i32
      %dma_wait3A = arith.constant 0 : i32
      %dma_wait3A_212 = arith.constant 0 : i32
      %dma_wait3A_213 = arith.constant 0 : i32
      %dma_wait3A_214 = tpu.memref_slice %arg7[%dma_wait3A, %dma_wait3A_212, %dma_wait3A_213] : memref<2x64x128xf32, #tpu.memory_space<vmem>> -> memref<1x64x128xf32, #tpu.memory_space<vmem>>
      %dma_wait3A_215 = tpu.memref_squeeze %dma_wait3A_214 : memref<1x64x128xf32, #tpu.memory_space<vmem>> -> memref<64x128xf32, #tpu.memory_space<vmem>>
      %dma_wait3A_216 = arith.constant 0 : i32
      %dma_wait3A_217 = tpu.memref_slice %arg2[%add3A_211, %dma_wait3A_216] : memref<262144x128xf32, #tpu.memory_space<hbm>> -> memref<64x128xf32, #tpu.memory_space<hbm>>
      %dma_wait3A_218 = arith.constant 0 : i32
      %dma_wait3A_219 = arith.constant 0 : i32
      %dma_wait3A_220 = tpu.memref_slice %arg7[%dma_wait3A, %dma_wait3A_218, %dma_wait3A_219] : memref<2x64x128xf32, #tpu.memory_space<vmem>> -> memref<1x64x128xf32, #tpu.memory_space<vmem>>
      %dma_wait3A_221 = tpu.memref_squeeze %dma_wait3A_220 : memref<1x64x128xf32, #tpu.memory_space<vmem>> -> memref<64x128xf32, #tpu.memory_space<vmem>>
      %dma_wait3A_222 = arith.constant 0 : i32
      %dma_wait3A_223 = tpu.memref_slice %arg2[%add3A_211, %dma_wait3A_222] : memref<262144x128xf32, #tpu.memory_space<hbm>> -> memref<64x128xf32, #tpu.memory_space<hbm>>
      tpu.wait_dma2 semaphore(%arg10 : memref<!tpu.dma_semaphore, #tpu.memory_space<semaphore_mem>>) src(%dma_wait3A_223 : memref<64x128xf32, #tpu.memory_space<hbm>>) dst(%dma_wait3A_221 : memref<64x128xf32, #tpu.memory_space<vmem>>)
      %run_scoped3A_224 = arith.constant 0 : i32
      "tpu.region"() ({
        %run_scoped3A_288 = tpu.sem_alloc : memref<!tpu.dma_semaphore, #tpu.memory_space<semaphore_mem>>
        %dma_start3A_289 = arith.constant 0 : i32
        %dma_start3A_290 = arith.constant 0 : i32
        %dma_start3A_291 = tpu.memref_slice %arg7[%run_scoped3A_224, %dma_start3A_289, %dma_start3A_290] : memref<2x64x128xf32, #tpu.memory_space<vmem>> -> memref<1x64x128xf32, #tpu.memory_space<vmem>>
        %dma_start3A_292 = tpu.memref_squeeze %dma_start3A_291 : memref<1x64x128xf32, #tpu.memory_space<vmem>> -> memref<64x128xf32, #tpu.memory_space<vmem>>
        %dma_start3A_293 = arith.constant 0 : i32
        %dma_start3A_294 = tpu.memref_slice %arg6[%add3A_206, %dma_start3A_293] : memref<32x64xi32, #tpu.memory_space<vmem>> -> memref<1x64xi32, #tpu.memory_space<vmem>>
        %dma_start3A_295 = tpu.memref_squeeze %dma_start3A_294 : memref<1x64xi32, #tpu.memory_space<vmem>> -> memref<64xi32, #tpu.memory_space<vmem>>
        %dma_start3A_296 = arith.constant 0 : i32
        %dma_start3A_297 = arith.constant 0 : i32
        %dma_start3A_298 = tpu.memref_slice %arg9[%dma_start3A_296, %dma_start3A_297] : memref<10240x128xf32, #tpu.memory_space<vmem_shared>> -> memref<10240x128xf32, #tpu.memory_space<vmem_shared>>
        tpu.enqueue_indirect_dma source(%dma_start3A_292 : memref<64x128xf32, #tpu.memory_space<vmem>>) target(%dma_start3A_298 : memref<10240x128xf32, #tpu.memory_space<vmem_shared>>) offsets(%dma_start3A_295 : memref<64xi32, #tpu.memory_space<vmem>>) semaphore(%run_scoped3A_288 : memref<!tpu.dma_semaphore, #tpu.memory_space<semaphore_mem>>) {add = true}
        %dma_wait3A_299 = arith.constant 0 : i32
        %dma_wait3A_300 = arith.constant 0 : i32
        %dma_wait3A_301 = tpu.memref_slice %arg7[%run_scoped3A_224, %dma_wait3A_299, %dma_wait3A_300] : memref<2x64x128xf32, #tpu.memory_space<vmem>> -> memref<1x64x128xf32, #tpu.memory_space<vmem>>
        %dma_wait3A_302 = tpu.memref_squeeze %dma_wait3A_301 : memref<1x64x128xf32, #tpu.memory_space<vmem>> -> memref<64x128xf32, #tpu.memory_space<vmem>>
        %dma_wait3A_303 = arith.constant 0 : i32
        %dma_wait3A_304 = tpu.memref_slice %arg6[%add3A_206, %dma_wait3A_303] : memref<32x64xi32, #tpu.memory_space<vmem>> -> memref<1x64xi32, #tpu.memory_space<vmem>>
        %dma_wait3A_305 = tpu.memref_squeeze %dma_wait3A_304 : memref<1x64xi32, #tpu.memory_space<vmem>> -> memref<64xi32, #tpu.memory_space<vmem>>
        %dma_wait3A_306 = arith.constant 0 : i32
        %dma_wait3A_307 = arith.constant 0 : i32
        %dma_wait3A_308 = tpu.memref_slice %arg9[%dma_wait3A_306, %dma_wait3A_307] : memref<10240x128xf32, #tpu.memory_space<vmem_shared>> -> memref<10240x128xf32, #tpu.memory_space<vmem_shared>>
        tpu.wait_indirect_dma semaphore(%run_scoped3A_288 : memref<!tpu.dma_semaphore, #tpu.memory_space<semaphore_mem>>) src(%dma_wait3A_302 : memref<64x128xf32, #tpu.memory_space<vmem>>) dst(%dma_wait3A_308 : memref<10240x128xf32, #tpu.memory_space<vmem_shared>>)
        tpu.yield
      }) : () -> ()
      %get3A = arith.index_cast %add3A_206 : i32 to index
      %get3A_225 = arith.constant 0 : index
      %get3A_226 = tpu.vector_load %arg6[%get3A, %get3A_225] {strides = array<i32>} : memref<32x64xi32, #tpu.memory_space<vmem>>, vector<16xi32>,
      tpu.vector_store_idx %arg8[%get3A_226], %broadcast_in_dim3A_3 {add = true} : memref<10240xf32, #tpu.memory_space<vmem>>[vector<16xi32>], vector<16xf32>,
      %get3A_227 = arith.index_cast %add3A_206 : i32 to index
      %get3A_228 = arith.constant 16 : index
      %get3A_229 = tpu.vector_load %arg6[%get3A_227, %get3A_228] {strides = array<i32>} : memref<32x64xi32, #tpu.memory_space<vmem>>, vector<16xi32>,
      tpu.vector_store_idx %arg8[%get3A_229], %broadcast_in_dim3A_3 {add = true} : memref<10240xf32, #tpu.memory_space<vmem>>[vector<16xi32>], vector<16xf32>,
      %get3A_230 = arith.index_cast %add3A_206 : i32 to index
      %get3A_231 = arith.constant 32 : index
      %get3A_232 = tpu.vector_load %arg6[%get3A_230, %get3A_231] {strides = array<i32>} : memref<32x64xi32, #tpu.memory_space<vmem>>, vector<16xi32>,
      tpu.vector_store_idx %arg8[%get3A_232], %broadcast_in_dim3A_3 {add = true} : memref<10240xf32, #tpu.memory_space<vmem>>[vector<16xi32>], vector<16xf32>,
      %get3A_233 = arith.index_cast %add3A_206 : i32 to index
      %get3A_234 = arith.constant 48 : index
      %get3A_235 = tpu.vector_load %arg6[%get3A_233, %get3A_234] {strides = array<i32>} : memref<32x64xi32, #tpu.memory_space<vmem>>, vector<16xi32>,
      tpu.vector_store_idx %arg8[%get3A_235], %broadcast_in_dim3A_3 {add = true} : memref<10240xf32, #tpu.memory_space<vmem>>[vector<16xi32>], vector<16xf32>,
      %add3A_236 = arith.constant 2 : i32
      %add3A_237 = arith.addi %add3A_206, %add3A_236 : i32
      %lt3A = arith.constant 32 : i32
      %lt3A_238 = arith.cmpi slt, %add3A_237, %lt3A : i32
      %convert_element_type3A = arith.extui %lt3A_238 : i1 to i32
      %cond3A = arith.constant 0 : i32
      %cond3A_239 = arith.cmpi ne, %convert_element_type3A, %cond3A : i32
      scf.if %cond3A_239 {
        %add3A_288 = arith.constant 2 : i32
        %add3A_289 = arith.addi %add3A_208, %add3A_288 : i32
        %mul3A_290 = arith.constant 64 : i32
        %mul3A_291 = arith.muli %add3A_289, %mul3A_290 : i32
        %add3A_292 = arith.addi %mul3A_45, %mul3A_291 : i32
        %dma_start3A_293 = arith.constant 0 : i32
        %dma_start3A_294 = arith.constant 0 : i32
        %dma_start3A_295 = arith.constant 0 : i32
        %dma_start3A_296 = tpu.memref_slice %arg7[%dma_start3A_293, %dma_start3A_294, %dma_start3A_295] : memref<2x64x128xf32, #tpu.memory_space<vmem>> -> memref<1x64x128xf32, #tpu.memory_space<vmem>>
        %dma_start3A_297 = tpu.memref_squeeze %dma_start3A_296 : memref<1x64x128xf32, #tpu.memory_space<vmem>> -> memref<64x128xf32, #tpu.memory_space<vmem>>
        %dma_start3A_298 = arith.constant 0 : i32
        %dma_start3A_299 = tpu.memref_slice %arg2[%add3A_292, %dma_start3A_298] : memref<262144x128xf32, #tpu.memory_space<hbm>> -> memref<64x128xf32, #tpu.memory_space<hbm>>
        %dma_start3A_300 = arith.constant 0 : i32
        %dma_start3A_301 = arith.constant 0 : i32
        %dma_start3A_302 = tpu.memref_slice %arg7[%dma_start3A_293, %dma_start3A_300, %dma_start3A_301] : memref<2x64x128xf32, #tpu.memory_space<vmem>> -> memref<1x64x128xf32, #tpu.memory_space<vmem>>
        %dma_start3A_303 = tpu.memref_squeeze %dma_start3A_302 : memref<1x64x128xf32, #tpu.memory_space<vmem>> -> memref<64x128xf32, #tpu.memory_space<vmem>>
        %dma_start3A_304 = arith.constant 0 : i32
        %dma_start3A_305 = tpu.memref_slice %arg2[%add3A_292, %dma_start3A_304] : memref<262144x128xf32, #tpu.memory_space<hbm>> -> memref<64x128xf32, #tpu.memory_space<hbm>>
        tpu.enqueue_dma source(%dma_start3A_305 : memref<64x128xf32, #tpu.memory_space<hbm>>) target(%dma_start3A_303 : memref<64x128xf32, #tpu.memory_space<vmem>>) target_semaphore(%arg10 : memref<!tpu.dma_semaphore, #tpu.memory_space<semaphore_mem>>)
      } else {
      }
      %add3A_240 = arith.constant 1 : i32
      %add3A_241 = arith.addi %add3A_208, %add3A_240 : i32
      %mul3A_242 = arith.constant 64 : i32
      %mul3A_243 = arith.muli %add3A_241, %mul3A_242 : i32
      %add3A_244 = arith.addi %mul3A_45, %mul3A_243 : i32
      %dma_wait3A_245 = arith.constant 1 : i32
      %dma_wait3A_246 = arith.constant 0 : i32
      %dma_wait3A_247 = arith.constant 0 : i32
      %dma_wait3A_248 = tpu.memref_slice %arg7[%dma_wait3A_245, %dma_wait3A_246, %dma_wait3A_247] : memref<2x64x128xf32, #tpu.memory_space<vmem>> -> memref<1x64x128xf32, #tpu.memory_space<vmem>>
      %dma_wait3A_249 = tpu.memref_squeeze %dma_wait3A_248 : memref<1x64x128xf32, #tpu.memory_space<vmem>> -> memref<64x128xf32, #tpu.memory_space<vmem>>
      %dma_wait3A_250 = arith.constant 0 : i32
      %dma_wait3A_251 = tpu.memref_slice %arg2[%add3A_244, %dma_wait3A_250] : memref<262144x128xf32, #tpu.memory_space<hbm>> -> memref<64x128xf32, #tpu.memory_space<hbm>>
      %dma_wait3A_252 = arith.constant 0 : i32
      %dma_wait3A_253 = arith.constant 0 : i32
      %dma_wait3A_254 = tpu.memref_slice %arg7[%dma_wait3A_245, %dma_wait3A_252, %dma_wait3A_253] : memref<2x64x128xf32, #tpu.memory_space<vmem>> -> memref<1x64x128xf32, #tpu.memory_space<vmem>>
      %dma_wait3A_255 = tpu.memref_squeeze %dma_wait3A_254 : memref<1x64x128xf32, #tpu.memory_space<vmem>> -> memref<64x128xf32, #tpu.memory_space<vmem>>
      %dma_wait3A_256 = arith.constant 0 : i32
      %dma_wait3A_257 = tpu.memref_slice %arg2[%add3A_244, %dma_wait3A_256] : memref<262144x128xf32, #tpu.memory_space<hbm>> -> memref<64x128xf32, #tpu.memory_space<hbm>>
      tpu.wait_dma2 semaphore(%arg11 : memref<!tpu.dma_semaphore, #tpu.memory_space<semaphore_mem>>) src(%dma_wait3A_257 : memref<64x128xf32, #tpu.memory_space<hbm>>) dst(%dma_wait3A_255 : memref<64x128xf32, #tpu.memory_space<vmem>>)
      %add3A_258 = arith.constant 1 : i32
      %add3A_259 = arith.addi %add3A_206, %add3A_258 : i32
      %run_scoped3A_260 = arith.constant 1 : i32
      "tpu.region"() ({
        %run_scoped3A_288 = tpu.sem_alloc : memref<!tpu.dma_semaphore, #tpu.memory_space<semaphore_mem>>
        %dma_start3A_289 = arith.constant 0 : i32
        %dma_start3A_290 = arith.constant 0 : i32
        %dma_start3A_291 = tpu.memref_slice %arg7[%run_scoped3A_260, %dma_start3A_289, %dma_start3A_290] : memref<2x64x128xf32, #tpu.memory_space<vmem>> -> memref<1x64x128xf32, #tpu.memory_space<vmem>>
        %dma_start3A_292 = tpu.memref_squeeze %dma_start3A_291 : memref<1x64x128xf32, #tpu.memory_space<vmem>> -> memref<64x128xf32, #tpu.memory_space<vmem>>
        %dma_start3A_293 = arith.constant 0 : i32
        %dma_start3A_294 = tpu.memref_slice %arg6[%add3A_259, %dma_start3A_293] : memref<32x64xi32, #tpu.memory_space<vmem>> -> memref<1x64xi32, #tpu.memory_space<vmem>>
        %dma_start3A_295 = tpu.memref_squeeze %dma_start3A_294 : memref<1x64xi32, #tpu.memory_space<vmem>> -> memref<64xi32, #tpu.memory_space<vmem>>
        %dma_start3A_296 = arith.constant 0 : i32
        %dma_start3A_297 = arith.constant 0 : i32
        %dma_start3A_298 = tpu.memref_slice %arg9[%dma_start3A_296, %dma_start3A_297] : memref<10240x128xf32, #tpu.memory_space<vmem_shared>> -> memref<10240x128xf32, #tpu.memory_space<vmem_shared>>
        tpu.enqueue_indirect_dma source(%dma_start3A_292 : memref<64x128xf32, #tpu.memory_space<vmem>>) target(%dma_start3A_298 : memref<10240x128xf32, #tpu.memory_space<vmem_shared>>) offsets(%dma_start3A_295 : memref<64xi32, #tpu.memory_space<vmem>>) semaphore(%run_scoped3A_288 : memref<!tpu.dma_semaphore, #tpu.memory_space<semaphore_mem>>) {add = true}
        %dma_wait3A_299 = arith.constant 0 : i32
        %dma_wait3A_300 = arith.constant 0 : i32
        %dma_wait3A_301 = tpu.memref_slice %arg7[%run_scoped3A_260, %dma_wait3A_299, %dma_wait3A_300] : memref<2x64x128xf32, #tpu.memory_space<vmem>> -> memref<1x64x128xf32, #tpu.memory_space<vmem>>
        %dma_wait3A_302 = tpu.memref_squeeze %dma_wait3A_301 : memref<1x64x128xf32, #tpu.memory_space<vmem>> -> memref<64x128xf32, #tpu.memory_space<vmem>>
        %dma_wait3A_303 = arith.constant 0 : i32
        %dma_wait3A_304 = tpu.memref_slice %arg6[%add3A_259, %dma_wait3A_303] : memref<32x64xi32, #tpu.memory_space<vmem>> -> memref<1x64xi32, #tpu.memory_space<vmem>>
        %dma_wait3A_305 = tpu.memref_squeeze %dma_wait3A_304 : memref<1x64xi32, #tpu.memory_space<vmem>> -> memref<64xi32, #tpu.memory_space<vmem>>
        %dma_wait3A_306 = arith.constant 0 : i32
        %dma_wait3A_307 = arith.constant 0 : i32
        %dma_wait3A_308 = tpu.memref_slice %arg9[%dma_wait3A_306, %dma_wait3A_307] : memref<10240x128xf32, #tpu.memory_space<vmem_shared>> -> memref<10240x128xf32, #tpu.memory_space<vmem_shared>>
        tpu.wait_indirect_dma semaphore(%run_scoped3A_288 : memref<!tpu.dma_semaphore, #tpu.memory_space<semaphore_mem>>) src(%dma_wait3A_302 : memref<64x128xf32, #tpu.memory_space<vmem>>) dst(%dma_wait3A_308 : memref<10240x128xf32, #tpu.memory_space<vmem_shared>>)
        tpu.yield
      }) : () -> ()
      %add3A_261 = arith.constant 1 : i32
      %add3A_262 = arith.addi %add3A_206, %add3A_261 : i32
      %get3A_263 = arith.index_cast %add3A_262 : i32 to index
      %get3A_264 = arith.constant 0 : index
      %get3A_265 = tpu.vector_load %arg6[%get3A_263, %get3A_264] {strides = array<i32>} : memref<32x64xi32, #tpu.memory_space<vmem>>, vector<16xi32>,
      tpu.vector_store_idx %arg8[%get3A_265], %broadcast_in_dim3A_3 {add = true} : memref<10240xf32, #tpu.memory_space<vmem>>[vector<16xi32>], vector<16xf32>,
      %add3A_266 = arith.constant 1 : i32
      %add3A_267 = arith.addi %add3A_206, %add3A_266 : i32
      %get3A_268 = arith.index_cast %add3A_267 : i32 to index
      %get3A_269 = arith.constant 16 : index
      %get3A_270 = tpu.vector_load %arg6[%get3A_268, %get3A_269] {strides = array<i32>} : memref<32x64xi32, #tpu.memory_space<vmem>>, vector<16xi32>,
      tpu.vector_store_idx %arg8[%get3A_270], %broadcast_in_dim3A_3 {add = true} : memref<10240xf32, #tpu.memory_space<vmem>>[vector<16xi32>], vector<16xf32>,
      %add3A_271 = arith.constant 1 : i32
      %add3A_272 = arith.addi %add3A_206, %add3A_271 : i32
      %get3A_273 = arith.index_cast %add3A_272 : i32 to index
      %get3A_274 = arith.constant 32 : index
      %get3A_275 = tpu.vector_load %arg6[%get3A_273, %get3A_274] {strides = array<i32>} : memref<32x64xi32, #tpu.memory_space<vmem>>, vector<16xi32>,
      tpu.vector_store_idx %arg8[%get3A_275], %broadcast_in_dim3A_3 {add = true} : memref<10240xf32, #tpu.memory_space<vmem>>[vector<16xi32>], vector<16xf32>,
      %add3A_276 = arith.constant 1 : i32
      %add3A_277 = arith.addi %add3A_206, %add3A_276 : i32
      %get3A_278 = arith.index_cast %add3A_277 : i32 to index
      %get3A_279 = arith.constant 48 : index
      %get3A_280 = tpu.vector_load %arg6[%get3A_278, %get3A_279] {strides = array<i32>} : memref<32x64xi32, #tpu.memory_space<vmem>>, vector<16xi32>,
      tpu.vector_store_idx %arg8[%get3A_280], %broadcast_in_dim3A_3 {add = true} : memref<10240xf32, #tpu.memory_space<vmem>>[vector<16xi32>], vector<16xf32>,
      %add3A_281 = arith.constant 3 : i32
      %add3A_282 = arith.addi %add3A_206, %add3A_281 : i32
      %lt3A_283 = arith.constant 32 : i32
      %lt3A_284 = arith.cmpi slt, %add3A_282, %lt3A_283 : i32
      %convert_element_type3A_285 = arith.extui %lt3A_284 : i1 to i32
      %cond3A_286 = arith.constant 0 : i32
      %cond3A_287 = arith.cmpi ne, %convert_element_type3A_285, %cond3A_286 : i32
      scf.if %cond3A_287 {
        %add3A_288 = arith.constant 3 : i32
        %add3A_289 = arith.addi %add3A_208, %add3A_288 : i32
        %mul3A_290 = arith.constant 64 : i32
        %mul3A_291 = arith.muli %add3A_289, %mul3A_290 : i32
        %add3A_292 = arith.addi %mul3A_45, %mul3A_291 : i32
        %dma_start3A_293 = arith.constant 1 : i32
        %dma_start3A_294 = arith.constant 0 : i32
        %dma_start3A_295 = arith.constant 0 : i32
        %dma_start3A_296 = tpu.memref_slice %arg7[%dma_start3A_293, %dma_start3A_294, %dma_start3A_295] : memref<2x64x128xf32, #tpu.memory_space<vmem>> -> memref<1x64x128xf32, #tpu.memory_space<vmem>>
        %dma_start3A_297 = tpu.memref_squeeze %dma_start3A_296 : memref<1x64x128xf32, #tpu.memory_space<vmem>> -> memref<64x128xf32, #tpu.memory_space<vmem>>
        %dma_start3A_298 = arith.constant 0 : i32
        %dma_start3A_299 = tpu.memref_slice %arg2[%add3A_292, %dma_start3A_298] : memref<262144x128xf32, #tpu.memory_space<hbm>> -> memref<64x128xf32, #tpu.memory_space<hbm>>
        %dma_start3A_300 = arith.constant 0 : i32
        %dma_start3A_301 = arith.constant 0 : i32
        %dma_start3A_302 = tpu.memref_slice %arg7[%dma_start3A_293, %dma_start3A_300, %dma_start3A_301] : memref<2x64x128xf32, #tpu.memory_space<vmem>> -> memref<1x64x128xf32, #tpu.memory_space<vmem>>
        %dma_start3A_303 = tpu.memref_squeeze %dma_start3A_302 : memref<1x64x128xf32, #tpu.memory_space<vmem>> -> memref<64x128xf32, #tpu.memory_space<vmem>>
        %dma_start3A_304 = arith.constant 0 : i32
        %dma_start3A_305 = tpu.memref_slice %arg2[%add3A_292, %dma_start3A_304] : memref<262144x128xf32, #tpu.memory_space<hbm>> -> memref<64x128xf32, #tpu.memory_space<hbm>>
        tpu.enqueue_dma source(%dma_start3A_305 : memref<64x128xf32, #tpu.memory_space<hbm>>) target(%dma_start3A_303 : memref<64x128xf32, #tpu.memory_space<vmem>>) target_semaphore(%arg11 : memref<!tpu.dma_semaphore, #tpu.memory_space<semaphore_mem>>)
      } else {
      }
    }
    %scan3A_122 = arith.constant 16 : i32
    %mul3A_123 = arith.constant 128 : i32
    %mul3A_124 = arith.muli %add3A, %mul3A_123 : i32
    %add3A_125 = arith.constant 64 : i32
    %add3A_126 = arith.addi %mul3A_124, %add3A_125 : i32
    "tpu.region"() ({
      %run_scoped3A_202 = tpu.sem_alloc : memref<!tpu.dma_semaphore, #tpu.memory_space<semaphore_mem>>
      %dma_start3A_203 = arith.constant 0 : i32
      %dma_start3A_204 = tpu.memref_slice %arg3[%add3A_126, %dma_start3A_203] : memref<4096x64xi32, #tpu.memory_space<hbm>> -> memref<32x64xi32, #tpu.memory_space<hbm>>
      %dma_start3A_205 = arith.constant 0 : i32
      %dma_start3A_206 = tpu.memref_slice %arg3[%add3A_126, %dma_start3A_205] : memref<4096x64xi32, #tpu.memory_space<hbm>> -> memref<32x64xi32, #tpu.memory_space<hbm>>
      tpu.enqueue_dma source(%dma_start3A_206 : memref<32x64xi32, #tpu.memory_space<hbm>>) target(%arg6 : memref<32x64xi32, #tpu.memory_space<vmem>>) target_semaphore(%run_scoped3A_202 : memref<!tpu.dma_semaphore, #tpu.memory_space<semaphore_mem>>)
      %dma_wait3A = arith.constant 0 : i32
      %dma_wait3A_207 = tpu.memref_slice %arg3[%add3A_126, %dma_wait3A] : memref<4096x64xi32, #tpu.memory_space<hbm>> -> memref<32x64xi32, #tpu.memory_space<hbm>>
      %dma_wait3A_208 = arith.constant 0 : i32
      %dma_wait3A_209 = tpu.memref_slice %arg3[%add3A_126, %dma_wait3A_208] : memref<4096x64xi32, #tpu.memory_space<hbm>> -> memref<32x64xi32, #tpu.memory_space<hbm>>
      tpu.wait_dma2 semaphore(%run_scoped3A_202 : memref<!tpu.dma_semaphore, #tpu.memory_space<semaphore_mem>>) src(%dma_wait3A_209 : memref<32x64xi32, #tpu.memory_space<hbm>>) dst(%arg6 : memref<32x64xi32, #tpu.memory_space<vmem>>)
      tpu.yield
    }) : () -> ()
    %add3A_127 = arith.constant 4096 : i32
    %add3A_128 = arith.addi %mul3A_45, %add3A_127 : i32
    %dma_start3A_129 = arith.constant 0 : i32
    %dma_start3A_130 = arith.constant 0 : i32
    %dma_start3A_131 = arith.constant 0 : i32
    %dma_start3A_132 = tpu.memref_slice %arg7[%dma_start3A_129, %dma_start3A_130, %dma_start3A_131] : memref<2x64x128xf32, #tpu.memory_space<vmem>> -> memref<1x64x128xf32, #tpu.memory_space<vmem>>
    %dma_start3A_133 = tpu.memref_squeeze %dma_start3A_132 : memref<1x64x128xf32, #tpu.memory_space<vmem>> -> memref<64x128xf32, #tpu.memory_space<vmem>>
    %dma_start3A_134 = arith.constant 0 : i32
    %dma_start3A_135 = tpu.memref_slice %arg2[%add3A_128, %dma_start3A_134] : memref<262144x128xf32, #tpu.memory_space<hbm>> -> memref<64x128xf32, #tpu.memory_space<hbm>>
    %dma_start3A_136 = arith.constant 0 : i32
    %dma_start3A_137 = arith.constant 0 : i32
    %dma_start3A_138 = tpu.memref_slice %arg7[%dma_start3A_129, %dma_start3A_136, %dma_start3A_137] : memref<2x64x128xf32, #tpu.memory_space<vmem>> -> memref<1x64x128xf32, #tpu.memory_space<vmem>>
    %dma_start3A_139 = tpu.memref_squeeze %dma_start3A_138 : memref<1x64x128xf32, #tpu.memory_space<vmem>> -> memref<64x128xf32, #tpu.memory_space<vmem>>
    %dma_start3A_140 = arith.constant 0 : i32
    %dma_start3A_141 = tpu.memref_slice %arg2[%add3A_128, %dma_start3A_140] : memref<262144x128xf32, #tpu.memory_space<hbm>> -> memref<64x128xf32, #tpu.memory_space<hbm>>
    tpu.enqueue_dma source(%dma_start3A_141 : memref<64x128xf32, #tpu.memory_space<hbm>>) target(%dma_start3A_139 : memref<64x128xf32, #tpu.memory_space<vmem>>) target_semaphore(%arg10 : memref<!tpu.dma_semaphore, #tpu.memory_space<semaphore_mem>>)
    %add3A_142 = arith.constant 4160 : i32
    %add3A_143 = arith.addi %mul3A_45, %add3A_142 : i32
    %dma_start3A_144 = arith.constant 1 : i32
    %dma_start3A_145 = arith.constant 0 : i32
    %dma_start3A_146 = arith.constant 0 : i32
    %dma_start3A_147 = tpu.memref_slice %arg7[%dma_start3A_144, %dma_start3A_145, %dma_start3A_146] : memref<2x64x128xf32, #tpu.memory_space<vmem>> -> memref<1x64x128xf32, #tpu.memory_space<vmem>>
    %dma_start3A_148 = tpu.memref_squeeze %dma_start3A_147 : memref<1x64x128xf32, #tpu.memory_space<vmem>> -> memref<64x128xf32, #tpu.memory_space<vmem>>
    %dma_start3A_149 = arith.constant 0 : i32
    %dma_start3A_150 = tpu.memref_slice %arg2[%add3A_143, %dma_start3A_149] : memref<262144x128xf32, #tpu.memory_space<hbm>> -> memref<64x128xf32, #tpu.memory_space<hbm>>
    %dma_start3A_151 = arith.constant 0 : i32
    %dma_start3A_152 = arith.constant 0 : i32
    %dma_start3A_153 = tpu.memref_slice %arg7[%dma_start3A_144, %dma_start3A_151, %dma_start3A_152] : memref<2x64x128xf32, #tpu.memory_space<vmem>> -> memref<1x64x128xf32, #tpu.memory_space<vmem>>
    %dma_start3A_154 = tpu.memref_squeeze %dma_start3A_153 : memref<1x64x128xf32, #tpu.memory_space<vmem>> -> memref<64x128xf32, #tpu.memory_space<vmem>>
    %dma_start3A_155 = arith.constant 0 : i32
    %dma_start3A_156 = tpu.memref_slice %arg2[%add3A_143, %dma_start3A_155] : memref<262144x128xf32, #tpu.memory_space<hbm>> -> memref<64x128xf32, #tpu.memory_space<hbm>>
    tpu.enqueue_dma source(%dma_start3A_156 : memref<64x128xf32, #tpu.memory_space<hbm>>) target(%dma_start3A_154 : memref<64x128xf32, #tpu.memory_space<vmem>>) target_semaphore(%arg11 : memref<!tpu.dma_semaphore, #tpu.memory_space<semaphore_mem>>)
    %scan3A_157 = arith.constant 0 : i32
    %scan3A_158 = arith.constant 16 : i32
    %scan3A_159 = arith.addi %scan3A_157, %scan3A_158 : i32
    %scan3A_160 = arith.constant 1 : i32
    scf.for %scan3A_202 = %scan3A_157 to %scan3A_159 step %scan3A_160  : i32 {
      %mul3A_203 = arith.constant 2 : i32
      %mul3A_204 = arith.muli %scan3A_202, %mul3A_203 : i32
      %add3A_205 = arith.constant 0 : i32
      %add3A_206 = arith.addi %add3A_205, %mul3A_204 : i32
      %add3A_207 = arith.constant 64 : i32
      %add3A_208 = arith.addi %add3A_207, %add3A_206 : i32
      %mul3A_209 = arith.constant 64 : i32
      %mul3A_210 = arith.muli %add3A_208, %mul3A_209 : i32
      %add3A_211 = arith.addi %mul3A_45, %mul3A_210 : i32
      %dma_wait3A = arith.constant 0 : i32
      %dma_wait3A_212 = arith.constant 0 : i32
      %dma_wait3A_213 = arith.constant 0 : i32
      %dma_wait3A_214 = tpu.memref_slice %arg7[%dma_wait3A, %dma_wait3A_212, %dma_wait3A_213] : memref<2x64x128xf32, #tpu.memory_space<vmem>> -> memref<1x64x128xf32, #tpu.memory_space<vmem>>
      %dma_wait3A_215 = tpu.memref_squeeze %dma_wait3A_214 : memref<1x64x128xf32, #tpu.memory_space<vmem>> -> memref<64x128xf32, #tpu.memory_space<vmem>>
      %dma_wait3A_216 = arith.constant 0 : i32
      %dma_wait3A_217 = tpu.memref_slice %arg2[%add3A_211, %dma_wait3A_216] : memref<262144x128xf32, #tpu.memory_space<hbm>> -> memref<64x128xf32, #tpu.memory_space<hbm>>
      %dma_wait3A_218 = arith.constant 0 : i32
      %dma_wait3A_219 = arith.constant 0 : i32
      %dma_wait3A_220 = tpu.memref_slice %arg7[%dma_wait3A, %dma_wait3A_218, %dma_wait3A_219] : memref<2x64x128xf32, #tpu.memory_space<vmem>> -> memref<1x64x128xf32, #tpu.memory_space<vmem>>
      %dma_wait3A_221 = tpu.memref_squeeze %dma_wait3A_220 : memref<1x64x128xf32, #tpu.memory_space<vmem>> -> memref<64x128xf32, #tpu.memory_space<vmem>>
      %dma_wait3A_222 = arith.constant 0 : i32
      %dma_wait3A_223 = tpu.memref_slice %arg2[%add3A_211, %dma_wait3A_222] : memref<262144x128xf32, #tpu.memory_space<hbm>> -> memref<64x128xf32, #tpu.memory_space<hbm>>
      tpu.wait_dma2 semaphore(%arg10 : memref<!tpu.dma_semaphore, #tpu.memory_space<semaphore_mem>>) src(%dma_wait3A_223 : memref<64x128xf32, #tpu.memory_space<hbm>>) dst(%dma_wait3A_221 : memref<64x128xf32, #tpu.memory_space<vmem>>)
      %run_scoped3A_224 = arith.constant 0 : i32
      "tpu.region"() ({
        %run_scoped3A_288 = tpu.sem_alloc : memref<!tpu.dma_semaphore, #tpu.memory_space<semaphore_mem>>
        %dma_start3A_289 = arith.constant 0 : i32
        %dma_start3A_290 = arith.constant 0 : i32
        %dma_start3A_291 = tpu.memref_slice %arg7[%run_scoped3A_224, %dma_start3A_289, %dma_start3A_290] : memref<2x64x128xf32, #tpu.memory_space<vmem>> -> memref<1x64x128xf32, #tpu.memory_space<vmem>>
        %dma_start3A_292 = tpu.memref_squeeze %dma_start3A_291 : memref<1x64x128xf32, #tpu.memory_space<vmem>> -> memref<64x128xf32, #tpu.memory_space<vmem>>
        %dma_start3A_293 = arith.constant 0 : i32
        %dma_start3A_294 = tpu.memref_slice %arg6[%add3A_206, %dma_start3A_293] : memref<32x64xi32, #tpu.memory_space<vmem>> -> memref<1x64xi32, #tpu.memory_space<vmem>>
        %dma_start3A_295 = tpu.memref_squeeze %dma_start3A_294 : memref<1x64xi32, #tpu.memory_space<vmem>> -> memref<64xi32, #tpu.memory_space<vmem>>
        %dma_start3A_296 = arith.constant 0 : i32
        %dma_start3A_297 = arith.constant 0 : i32
        %dma_start3A_298 = tpu.memref_slice %arg9[%dma_start3A_296, %dma_start3A_297] : memref<10240x128xf32, #tpu.memory_space<vmem_shared>> -> memref<10240x128xf32, #tpu.memory_space<vmem_shared>>
        tpu.enqueue_indirect_dma source(%dma_start3A_292 : memref<64x128xf32, #tpu.memory_space<vmem>>) target(%dma_start3A_298 : memref<10240x128xf32, #tpu.memory_space<vmem_shared>>) offsets(%dma_start3A_295 : memref<64xi32, #tpu.memory_space<vmem>>) semaphore(%run_scoped3A_288 : memref<!tpu.dma_semaphore, #tpu.memory_space<semaphore_mem>>) {add = true}
        %dma_wait3A_299 = arith.constant 0 : i32
        %dma_wait3A_300 = arith.constant 0 : i32
        %dma_wait3A_301 = tpu.memref_slice %arg7[%run_scoped3A_224, %dma_wait3A_299, %dma_wait3A_300] : memref<2x64x128xf32, #tpu.memory_space<vmem>> -> memref<1x64x128xf32, #tpu.memory_space<vmem>>
        %dma_wait3A_302 = tpu.memref_squeeze %dma_wait3A_301 : memref<1x64x128xf32, #tpu.memory_space<vmem>> -> memref<64x128xf32, #tpu.memory_space<vmem>>
        %dma_wait3A_303 = arith.constant 0 : i32
        %dma_wait3A_304 = tpu.memref_slice %arg6[%add3A_206, %dma_wait3A_303] : memref<32x64xi32, #tpu.memory_space<vmem>> -> memref<1x64xi32, #tpu.memory_space<vmem>>
        %dma_wait3A_305 = tpu.memref_squeeze %dma_wait3A_304 : memref<1x64xi32, #tpu.memory_space<vmem>> -> memref<64xi32, #tpu.memory_space<vmem>>
        %dma_wait3A_306 = arith.constant 0 : i32
        %dma_wait3A_307 = arith.constant 0 : i32
        %dma_wait3A_308 = tpu.memref_slice %arg9[%dma_wait3A_306, %dma_wait3A_307] : memref<10240x128xf32, #tpu.memory_space<vmem_shared>> -> memref<10240x128xf32, #tpu.memory_space<vmem_shared>>
        tpu.wait_indirect_dma semaphore(%run_scoped3A_288 : memref<!tpu.dma_semaphore, #tpu.memory_space<semaphore_mem>>) src(%dma_wait3A_302 : memref<64x128xf32, #tpu.memory_space<vmem>>) dst(%dma_wait3A_308 : memref<10240x128xf32, #tpu.memory_space<vmem_shared>>)
        tpu.yield
      }) : () -> ()
      %get3A = arith.index_cast %add3A_206 : i32 to index
      %get3A_225 = arith.constant 0 : index
      %get3A_226 = tpu.vector_load %arg6[%get3A, %get3A_225] {strides = array<i32>} : memref<32x64xi32, #tpu.memory_space<vmem>>, vector<16xi32>,
      tpu.vector_store_idx %arg8[%get3A_226], %broadcast_in_dim3A_3 {add = true} : memref<10240xf32, #tpu.memory_space<vmem>>[vector<16xi32>], vector<16xf32>,
      %get3A_227 = arith.index_cast %add3A_206 : i32 to index
      %get3A_228 = arith.constant 16 : index
      %get3A_229 = tpu.vector_load %arg6[%get3A_227, %get3A_228] {strides = array<i32>} : memref<32x64xi32, #tpu.memory_space<vmem>>, vector<16xi32>,
      tpu.vector_store_idx %arg8[%get3A_229], %broadcast_in_dim3A_3 {add = true} : memref<10240xf32, #tpu.memory_space<vmem>>[vector<16xi32>], vector<16xf32>,
      %get3A_230 = arith.index_cast %add3A_206 : i32 to index
      %get3A_231 = arith.constant 32 : index
      %get3A_232 = tpu.vector_load %arg6[%get3A_230, %get3A_231] {strides = array<i32>} : memref<32x64xi32, #tpu.memory_space<vmem>>, vector<16xi32>,
      tpu.vector_store_idx %arg8[%get3A_232], %broadcast_in_dim3A_3 {add = true} : memref<10240xf32, #tpu.memory_space<vmem>>[vector<16xi32>], vector<16xf32>,
      %get3A_233 = arith.index_cast %add3A_206 : i32 to index
      %get3A_234 = arith.constant 48 : index
      %get3A_235 = tpu.vector_load %arg6[%get3A_233, %get3A_234] {strides = array<i32>} : memref<32x64xi32, #tpu.memory_space<vmem>>, vector<16xi32>,
      tpu.vector_store_idx %arg8[%get3A_235], %broadcast_in_dim3A_3 {add = true} : memref<10240xf32, #tpu.memory_space<vmem>>[vector<16xi32>], vector<16xf32>,
      %add3A_236 = arith.constant 2 : i32
      %add3A_237 = arith.addi %add3A_206, %add3A_236 : i32
      %lt3A = arith.constant 32 : i32
      %lt3A_238 = arith.cmpi slt, %add3A_237, %lt3A : i32
      %convert_element_type3A = arith.extui %lt3A_238 : i1 to i32
      %cond3A = arith.constant 0 : i32
      %cond3A_239 = arith.cmpi ne, %convert_element_type3A, %cond3A : i32
      scf.if %cond3A_239 {
        %add3A_288 = arith.constant 2 : i32
        %add3A_289 = arith.addi %add3A_208, %add3A_288 : i32
        %mul3A_290 = arith.constant 64 : i32
        %mul3A_291 = arith.muli %add3A_289, %mul3A_290 : i32
        %add3A_292 = arith.addi %mul3A_45, %mul3A_291 : i32
        %dma_start3A_293 = arith.constant 0 : i32
        %dma_start3A_294 = arith.constant 0 : i32
        %dma_start3A_295 = arith.constant 0 : i32
        %dma_start3A_296 = tpu.memref_slice %arg7[%dma_start3A_293, %dma_start3A_294, %dma_start3A_295] : memref<2x64x128xf32, #tpu.memory_space<vmem>> -> memref<1x64x128xf32, #tpu.memory_space<vmem>>
        %dma_start3A_297 = tpu.memref_squeeze %dma_start3A_296 : memref<1x64x128xf32, #tpu.memory_space<vmem>> -> memref<64x128xf32, #tpu.memory_space<vmem>>
        %dma_start3A_298 = arith.constant 0 : i32
        %dma_start3A_299 = tpu.memref_slice %arg2[%add3A_292, %dma_start3A_298] : memref<262144x128xf32, #tpu.memory_space<hbm>> -> memref<64x128xf32, #tpu.memory_space<hbm>>
        %dma_start3A_300 = arith.constant 0 : i32
        %dma_start3A_301 = arith.constant 0 : i32
        %dma_start3A_302 = tpu.memref_slice %arg7[%dma_start3A_293, %dma_start3A_300, %dma_start3A_301] : memref<2x64x128xf32, #tpu.memory_space<vmem>> -> memref<1x64x128xf32, #tpu.memory_space<vmem>>
        %dma_start3A_303 = tpu.memref_squeeze %dma_start3A_302 : memref<1x64x128xf32, #tpu.memory_space<vmem>> -> memref<64x128xf32, #tpu.memory_space<vmem>>
        %dma_start3A_304 = arith.constant 0 : i32
        %dma_start3A_305 = tpu.memref_slice %arg2[%add3A_292, %dma_start3A_304] : memref<262144x128xf32, #tpu.memory_space<hbm>> -> memref<64x128xf32, #tpu.memory_space<hbm>>
        tpu.enqueue_dma source(%dma_start3A_305 : memref<64x128xf32, #tpu.memory_space<hbm>>) target(%dma_start3A_303 : memref<64x128xf32, #tpu.memory_space<vmem>>) target_semaphore(%arg10 : memref<!tpu.dma_semaphore, #tpu.memory_space<semaphore_mem>>)
      } else {
      }
      %add3A_240 = arith.constant 1 : i32
      %add3A_241 = arith.addi %add3A_208, %add3A_240 : i32
      %mul3A_242 = arith.constant 64 : i32
      %mul3A_243 = arith.muli %add3A_241, %mul3A_242 : i32
      %add3A_244 = arith.addi %mul3A_45, %mul3A_243 : i32
      %dma_wait3A_245 = arith.constant 1 : i32
      %dma_wait3A_246 = arith.constant 0 : i32
      %dma_wait3A_247 = arith.constant 0 : i32
      %dma_wait3A_248 = tpu.memref_slice %arg7[%dma_wait3A_245, %dma_wait3A_246, %dma_wait3A_247] : memref<2x64x128xf32, #tpu.memory_space<vmem>> -> memref<1x64x128xf32, #tpu.memory_space<vmem>>
      %dma_wait3A_249 = tpu.memref_squeeze %dma_wait3A_248 : memref<1x64x128xf32, #tpu.memory_space<vmem>> -> memref<64x128xf32, #tpu.memory_space<vmem>>
      %dma_wait3A_250 = arith.constant 0 : i32
      %dma_wait3A_251 = tpu.memref_slice %arg2[%add3A_244, %dma_wait3A_250] : memref<262144x128xf32, #tpu.memory_space<hbm>> -> memref<64x128xf32, #tpu.memory_space<hbm>>
      %dma_wait3A_252 = arith.constant 0 : i32
      %dma_wait3A_253 = arith.constant 0 : i32
      %dma_wait3A_254 = tpu.memref_slice %arg7[%dma_wait3A_245, %dma_wait3A_252, %dma_wait3A_253] : memref<2x64x128xf32, #tpu.memory_space<vmem>> -> memref<1x64x128xf32, #tpu.memory_space<vmem>>
      %dma_wait3A_255 = tpu.memref_squeeze %dma_wait3A_254 : memref<1x64x128xf32, #tpu.memory_space<vmem>> -> memref<64x128xf32, #tpu.memory_space<vmem>>
      %dma_wait3A_256 = arith.constant 0 : i32
      %dma_wait3A_257 = tpu.memref_slice %arg2[%add3A_244, %dma_wait3A_256] : memref<262144x128xf32, #tpu.memory_space<hbm>> -> memref<64x128xf32, #tpu.memory_space<hbm>>
      tpu.wait_dma2 semaphore(%arg11 : memref<!tpu.dma_semaphore, #tpu.memory_space<semaphore_mem>>) src(%dma_wait3A_257 : memref<64x128xf32, #tpu.memory_space<hbm>>) dst(%dma_wait3A_255 : memref<64x128xf32, #tpu.memory_space<vmem>>)
      %add3A_258 = arith.constant 1 : i32
      %add3A_259 = arith.addi %add3A_206, %add3A_258 : i32
      %run_scoped3A_260 = arith.constant 1 : i32
      "tpu.region"() ({
        %run_scoped3A_288 = tpu.sem_alloc : memref<!tpu.dma_semaphore, #tpu.memory_space<semaphore_mem>>
        %dma_start3A_289 = arith.constant 0 : i32
        %dma_start3A_290 = arith.constant 0 : i32
        %dma_start3A_291 = tpu.memref_slice %arg7[%run_scoped3A_260, %dma_start3A_289, %dma_start3A_290] : memref<2x64x128xf32, #tpu.memory_space<vmem>> -> memref<1x64x128xf32, #tpu.memory_space<vmem>>
        %dma_start3A_292 = tpu.memref_squeeze %dma_start3A_291 : memref<1x64x128xf32, #tpu.memory_space<vmem>> -> memref<64x128xf32, #tpu.memory_space<vmem>>
        %dma_start3A_293 = arith.constant 0 : i32
        %dma_start3A_294 = tpu.memref_slice %arg6[%add3A_259, %dma_start3A_293] : memref<32x64xi32, #tpu.memory_space<vmem>> -> memref<1x64xi32, #tpu.memory_space<vmem>>
        %dma_start3A_295 = tpu.memref_squeeze %dma_start3A_294 : memref<1x64xi32, #tpu.memory_space<vmem>> -> memref<64xi32, #tpu.memory_space<vmem>>
        %dma_start3A_296 = arith.constant 0 : i32
        %dma_start3A_297 = arith.constant 0 : i32
        %dma_start3A_298 = tpu.memref_slice %arg9[%dma_start3A_296, %dma_start3A_297] : memref<10240x128xf32, #tpu.memory_space<vmem_shared>> -> memref<10240x128xf32, #tpu.memory_space<vmem_shared>>
        tpu.enqueue_indirect_dma source(%dma_start3A_292 : memref<64x128xf32, #tpu.memory_space<vmem>>) target(%dma_start3A_298 : memref<10240x128xf32, #tpu.memory_space<vmem_shared>>) offsets(%dma_start3A_295 : memref<64xi32, #tpu.memory_space<vmem>>) semaphore(%run_scoped3A_288 : memref<!tpu.dma_semaphore, #tpu.memory_space<semaphore_mem>>) {add = true}
        %dma_wait3A_299 = arith.constant 0 : i32
        %dma_wait3A_300 = arith.constant 0 : i32
        %dma_wait3A_301 = tpu.memref_slice %arg7[%run_scoped3A_260, %dma_wait3A_299, %dma_wait3A_300] : memref<2x64x128xf32, #tpu.memory_space<vmem>> -> memref<1x64x128xf32, #tpu.memory_space<vmem>>
        %dma_wait3A_302 = tpu.memref_squeeze %dma_wait3A_301 : memref<1x64x128xf32, #tpu.memory_space<vmem>> -> memref<64x128xf32, #tpu.memory_space<vmem>>
        %dma_wait3A_303 = arith.constant 0 : i32
        %dma_wait3A_304 = tpu.memref_slice %arg6[%add3A_259, %dma_wait3A_303] : memref<32x64xi32, #tpu.memory_space<vmem>> -> memref<1x64xi32, #tpu.memory_space<vmem>>
        %dma_wait3A_305 = tpu.memref_squeeze %dma_wait3A_304 : memref<1x64xi32, #tpu.memory_space<vmem>> -> memref<64xi32, #tpu.memory_space<vmem>>
        %dma_wait3A_306 = arith.constant 0 : i32
        %dma_wait3A_307 = arith.constant 0 : i32
        %dma_wait3A_308 = tpu.memref_slice %arg9[%dma_wait3A_306, %dma_wait3A_307] : memref<10240x128xf32, #tpu.memory_space<vmem_shared>> -> memref<10240x128xf32, #tpu.memory_space<vmem_shared>>
        tpu.wait_indirect_dma semaphore(%run_scoped3A_288 : memref<!tpu.dma_semaphore, #tpu.memory_space<semaphore_mem>>) src(%dma_wait3A_302 : memref<64x128xf32, #tpu.memory_space<vmem>>) dst(%dma_wait3A_308 : memref<10240x128xf32, #tpu.memory_space<vmem_shared>>)
        tpu.yield
      }) : () -> ()
      %add3A_261 = arith.constant 1 : i32
      %add3A_262 = arith.addi %add3A_206, %add3A_261 : i32
      %get3A_263 = arith.index_cast %add3A_262 : i32 to index
      %get3A_264 = arith.constant 0 : index
      %get3A_265 = tpu.vector_load %arg6[%get3A_263, %get3A_264] {strides = array<i32>} : memref<32x64xi32, #tpu.memory_space<vmem>>, vector<16xi32>,
      tpu.vector_store_idx %arg8[%get3A_265], %broadcast_in_dim3A_3 {add = true} : memref<10240xf32, #tpu.memory_space<vmem>>[vector<16xi32>], vector<16xf32>,
      %add3A_266 = arith.constant 1 : i32
      %add3A_267 = arith.addi %add3A_206, %add3A_266 : i32
      %get3A_268 = arith.index_cast %add3A_267 : i32 to index
      %get3A_269 = arith.constant 16 : index
      %get3A_270 = tpu.vector_load %arg6[%get3A_268, %get3A_269] {strides = array<i32>} : memref<32x64xi32, #tpu.memory_space<vmem>>, vector<16xi32>,
      tpu.vector_store_idx %arg8[%get3A_270], %broadcast_in_dim3A_3 {add = true} : memref<10240xf32, #tpu.memory_space<vmem>>[vector<16xi32>], vector<16xf32>,
      %add3A_271 = arith.constant 1 : i32
      %add3A_272 = arith.addi %add3A_206, %add3A_271 : i32
      %get3A_273 = arith.index_cast %add3A_272 : i32 to index
      %get3A_274 = arith.constant 32 : index
      %get3A_275 = tpu.vector_load %arg6[%get3A_273, %get3A_274] {strides = array<i32>} : memref<32x64xi32, #tpu.memory_space<vmem>>, vector<16xi32>,
      tpu.vector_store_idx %arg8[%get3A_275], %broadcast_in_dim3A_3 {add = true} : memref<10240xf32, #tpu.memory_space<vmem>>[vector<16xi32>], vector<16xf32>,
      %add3A_276 = arith.constant 1 : i32
      %add3A_277 = arith.addi %add3A_206, %add3A_276 : i32
      %get3A_278 = arith.index_cast %add3A_277 : i32 to index
      %get3A_279 = arith.constant 48 : index
      %get3A_280 = tpu.vector_load %arg6[%get3A_278, %get3A_279] {strides = array<i32>} : memref<32x64xi32, #tpu.memory_space<vmem>>, vector<16xi32>,
      tpu.vector_store_idx %arg8[%get3A_280], %broadcast_in_dim3A_3 {add = true} : memref<10240xf32, #tpu.memory_space<vmem>>[vector<16xi32>], vector<16xf32>,
      %add3A_281 = arith.constant 3 : i32
      %add3A_282 = arith.addi %add3A_206, %add3A_281 : i32
      %lt3A_283 = arith.constant 32 : i32
      %lt3A_284 = arith.cmpi slt, %add3A_282, %lt3A_283 : i32
      %convert_element_type3A_285 = arith.extui %lt3A_284 : i1 to i32
      %cond3A_286 = arith.constant 0 : i32
      %cond3A_287 = arith.cmpi ne, %convert_element_type3A_285, %cond3A_286 : i32
      scf.if %cond3A_287 {
        %add3A_288 = arith.constant 3 : i32
        %add3A_289 = arith.addi %add3A_208, %add3A_288 : i32
        %mul3A_290 = arith.constant 64 : i32
        %mul3A_291 = arith.muli %add3A_289, %mul3A_290 : i32
        %add3A_292 = arith.addi %mul3A_45, %mul3A_291 : i32
        %dma_start3A_293 = arith.constant 1 : i32
        %dma_start3A_294 = arith.constant 0 : i32
        %dma_start3A_295 = arith.constant 0 : i32
        %dma_start3A_296 = tpu.memref_slice %arg7[%dma_start3A_293, %dma_start3A_294, %dma_start3A_295] : memref<2x64x128xf32, #tpu.memory_space<vmem>> -> memref<1x64x128xf32, #tpu.memory_space<vmem>>
        %dma_start3A_297 = tpu.memref_squeeze %dma_start3A_296 : memref<1x64x128xf32, #tpu.memory_space<vmem>> -> memref<64x128xf32, #tpu.memory_space<vmem>>
        %dma_start3A_298 = arith.constant 0 : i32
        %dma_start3A_299 = tpu.memref_slice %arg2[%add3A_292, %dma_start3A_298] : memref<262144x128xf32, #tpu.memory_space<hbm>> -> memref<64x128xf32, #tpu.memory_space<hbm>>
        %dma_start3A_300 = arith.constant 0 : i32
        %dma_start3A_301 = arith.constant 0 : i32
        %dma_start3A_302 = tpu.memref_slice %arg7[%dma_start3A_293, %dma_start3A_300, %dma_start3A_301] : memref<2x64x128xf32, #tpu.memory_space<vmem>> -> memref<1x64x128xf32, #tpu.memory_space<vmem>>
        %dma_start3A_303 = tpu.memref_squeeze %dma_start3A_302 : memref<1x64x128xf32, #tpu.memory_space<vmem>> -> memref<64x128xf32, #tpu.memory_space<vmem>>
        %dma_start3A_304 = arith.constant 0 : i32
        %dma_start3A_305 = tpu.memref_slice %arg2[%add3A_292, %dma_start3A_304] : memref<262144x128xf32, #tpu.memory_space<hbm>> -> memref<64x128xf32, #tpu.memory_space<hbm>>
        tpu.enqueue_dma source(%dma_start3A_305 : memref<64x128xf32, #tpu.memory_space<hbm>>) target(%dma_start3A_303 : memref<64x128xf32, #tpu.memory_space<vmem>>) target_semaphore(%arg11 : memref<!tpu.dma_semaphore, #tpu.memory_space<semaphore_mem>>)
      } else {
      }
    }
    %scan3A_161 = arith.constant 16 : i32
    %mul3A_162 = arith.constant 128 : i32
    %mul3A_163 = arith.muli %add3A, %mul3A_162 : i32
    %add3A_164 = arith.constant 96 : i32
    %add3A_165 = arith.addi %mul3A_163, %add3A_164 : i32
    "tpu.region"() ({
      %run_scoped3A_202 = tpu.sem_alloc : memref<!tpu.dma_semaphore, #tpu.memory_space<semaphore_mem>>
      %dma_start3A_203 = arith.constant 0 : i32
      %dma_start3A_204 = tpu.memref_slice %arg3[%add3A_165, %dma_start3A_203] : memref<4096x64xi32, #tpu.memory_space<hbm>> -> memref<32x64xi32, #tpu.memory_space<hbm>>
      %dma_start3A_205 = arith.constant 0 : i32
      %dma_start3A_206 = tpu.memref_slice %arg3[%add3A_165, %dma_start3A_205] : memref<4096x64xi32, #tpu.memory_space<hbm>> -> memref<32x64xi32, #tpu.memory_space<hbm>>
      tpu.enqueue_dma source(%dma_start3A_206 : memref<32x64xi32, #tpu.memory_space<hbm>>) target(%arg6 : memref<32x64xi32, #tpu.memory_space<vmem>>) target_semaphore(%run_scoped3A_202 : memref<!tpu.dma_semaphore, #tpu.memory_space<semaphore_mem>>)
      %dma_wait3A = arith.constant 0 : i32
      %dma_wait3A_207 = tpu.memref_slice %arg3[%add3A_165, %dma_wait3A] : memref<4096x64xi32, #tpu.memory_space<hbm>> -> memref<32x64xi32, #tpu.memory_space<hbm>>
      %dma_wait3A_208 = arith.constant 0 : i32
      %dma_wait3A_209 = tpu.memref_slice %arg3[%add3A_165, %dma_wait3A_208] : memref<4096x64xi32, #tpu.memory_space<hbm>> -> memref<32x64xi32, #tpu.memory_space<hbm>>
      tpu.wait_dma2 semaphore(%run_scoped3A_202 : memref<!tpu.dma_semaphore, #tpu.memory_space<semaphore_mem>>) src(%dma_wait3A_209 : memref<32x64xi32, #tpu.memory_space<hbm>>) dst(%arg6 : memref<32x64xi32, #tpu.memory_space<vmem>>)
      tpu.yield
    }) : () -> ()
    %add3A_166 = arith.constant 6144 : i32
    %add3A_167 = arith.addi %mul3A_45, %add3A_166 : i32
    %dma_start3A_168 = arith.constant 0 : i32
    %dma_start3A_169 = arith.constant 0 : i32
    %dma_start3A_170 = arith.constant 0 : i32
    %dma_start3A_171 = tpu.memref_slice %arg7[%dma_start3A_168, %dma_start3A_169, %dma_start3A_170] : memref<2x64x128xf32, #tpu.memory_space<vmem>> -> memref<1x64x128xf32, #tpu.memory_space<vmem>>
    %dma_start3A_172 = tpu.memref_squeeze %dma_start3A_171 : memref<1x64x128xf32, #tpu.memory_space<vmem>> -> memref<64x128xf32, #tpu.memory_space<vmem>>
    %dma_start3A_173 = arith.constant 0 : i32
    %dma_start3A_174 = tpu.memref_slice %arg2[%add3A_167, %dma_start3A_173] : memref<262144x128xf32, #tpu.memory_space<hbm>> -> memref<64x128xf32, #tpu.memory_space<hbm>>
    %dma_start3A_175 = arith.constant 0 : i32
    %dma_start3A_176 = arith.constant 0 : i32
    %dma_start3A_177 = tpu.memref_slice %arg7[%dma_start3A_168, %dma_start3A_175, %dma_start3A_176] : memref<2x64x128xf32, #tpu.memory_space<vmem>> -> memref<1x64x128xf32, #tpu.memory_space<vmem>>
    %dma_start3A_178 = tpu.memref_squeeze %dma_start3A_177 : memref<1x64x128xf32, #tpu.memory_space<vmem>> -> memref<64x128xf32, #tpu.memory_space<vmem>>
    %dma_start3A_179 = arith.constant 0 : i32
    %dma_start3A_180 = tpu.memref_slice %arg2[%add3A_167, %dma_start3A_179] : memref<262144x128xf32, #tpu.memory_space<hbm>> -> memref<64x128xf32, #tpu.memory_space<hbm>>
    tpu.enqueue_dma source(%dma_start3A_180 : memref<64x128xf32, #tpu.memory_space<hbm>>) target(%dma_start3A_178 : memref<64x128xf32, #tpu.memory_space<vmem>>) target_semaphore(%arg10 : memref<!tpu.dma_semaphore, #tpu.memory_space<semaphore_mem>>)
    %add3A_181 = arith.constant 6208 : i32
    %add3A_182 = arith.addi %mul3A_45, %add3A_181 : i32
    %dma_start3A_183 = arith.constant 1 : i32
    %dma_start3A_184 = arith.constant 0 : i32
    %dma_start3A_185 = arith.constant 0 : i32
    %dma_start3A_186 = tpu.memref_slice %arg7[%dma_start3A_183, %dma_start3A_184, %dma_start3A_185] : memref<2x64x128xf32, #tpu.memory_space<vmem>> -> memref<1x64x128xf32, #tpu.memory_space<vmem>>
    %dma_start3A_187 = tpu.memref_squeeze %dma_start3A_186 : memref<1x64x128xf32, #tpu.memory_space<vmem>> -> memref<64x128xf32, #tpu.memory_space<vmem>>
    %dma_start3A_188 = arith.constant 0 : i32
    %dma_start3A_189 = tpu.memref_slice %arg2[%add3A_182, %dma_start3A_188] : memref<262144x128xf32, #tpu.memory_space<hbm>> -> memref<64x128xf32, #tpu.memory_space<hbm>>
    %dma_start3A_190 = arith.constant 0 : i32
    %dma_start3A_191 = arith.constant 0 : i32
    %dma_start3A_192 = tpu.memref_slice %arg7[%dma_start3A_183, %dma_start3A_190, %dma_start3A_191] : memref<2x64x128xf32, #tpu.memory_space<vmem>> -> memref<1x64x128xf32, #tpu.memory_space<vmem>>
    %dma_start3A_193 = tpu.memref_squeeze %dma_start3A_192 : memref<1x64x128xf32, #tpu.memory_space<vmem>> -> memref<64x128xf32, #tpu.memory_space<vmem>>
    %dma_start3A_194 = arith.constant 0 : i32
    %dma_start3A_195 = tpu.memref_slice %arg2[%add3A_182, %dma_start3A_194] : memref<262144x128xf32, #tpu.memory_space<hbm>> -> memref<64x128xf32, #tpu.memory_space<hbm>>
    tpu.enqueue_dma source(%dma_start3A_195 : memref<64x128xf32, #tpu.memory_space<hbm>>) target(%dma_start3A_193 : memref<64x128xf32, #tpu.memory_space<vmem>>) target_semaphore(%arg11 : memref<!tpu.dma_semaphore, #tpu.memory_space<semaphore_mem>>)
    %scan3A_196 = arith.constant 0 : i32
    %scan3A_197 = arith.constant 16 : i32
    %scan3A_198 = arith.addi %scan3A_196, %scan3A_197 : i32
    %scan3A_199 = arith.constant 1 : i32
    scf.for %scan3A_202 = %scan3A_196 to %scan3A_198 step %scan3A_199  : i32 {
      %mul3A_203 = arith.constant 2 : i32
      %mul3A_204 = arith.muli %scan3A_202, %mul3A_203 : i32
      %add3A_205 = arith.constant 0 : i32
      %add3A_206 = arith.addi %add3A_205, %mul3A_204 : i32
      %add3A_207 = arith.constant 96 : i32
      %add3A_208 = arith.addi %add3A_207, %add3A_206 : i32
      %mul3A_209 = arith.constant 64 : i32
      %mul3A_210 = arith.muli %add3A_208, %mul3A_209 : i32
      %add3A_211 = arith.addi %mul3A_45, %mul3A_210 : i32
      %dma_wait3A = arith.constant 0 : i32
      %dma_wait3A_212 = arith.constant 0 : i32
      %dma_wait3A_213 = arith.constant 0 : i32
      %dma_wait3A_214 = tpu.memref_slice %arg7[%dma_wait3A, %dma_wait3A_212, %dma_wait3A_213] : memref<2x64x128xf32, #tpu.memory_space<vmem>> -> memref<1x64x128xf32, #tpu.memory_space<vmem>>
      %dma_wait3A_215 = tpu.memref_squeeze %dma_wait3A_214 : memref<1x64x128xf32, #tpu.memory_space<vmem>> -> memref<64x128xf32, #tpu.memory_space<vmem>>
      %dma_wait3A_216 = arith.constant 0 : i32
      %dma_wait3A_217 = tpu.memref_slice %arg2[%add3A_211, %dma_wait3A_216] : memref<262144x128xf32, #tpu.memory_space<hbm>> -> memref<64x128xf32, #tpu.memory_space<hbm>>
      %dma_wait3A_218 = arith.constant 0 : i32
      %dma_wait3A_219 = arith.constant 0 : i32
      %dma_wait3A_220 = tpu.memref_slice %arg7[%dma_wait3A, %dma_wait3A_218, %dma_wait3A_219] : memref<2x64x128xf32, #tpu.memory_space<vmem>> -> memref<1x64x128xf32, #tpu.memory_space<vmem>>
      %dma_wait3A_221 = tpu.memref_squeeze %dma_wait3A_220 : memref<1x64x128xf32, #tpu.memory_space<vmem>> -> memref<64x128xf32, #tpu.memory_space<vmem>>
      %dma_wait3A_222 = arith.constant 0 : i32
      %dma_wait3A_223 = tpu.memref_slice %arg2[%add3A_211, %dma_wait3A_222] : memref<262144x128xf32, #tpu.memory_space<hbm>> -> memref<64x128xf32, #tpu.memory_space<hbm>>
      tpu.wait_dma2 semaphore(%arg10 : memref<!tpu.dma_semaphore, #tpu.memory_space<semaphore_mem>>) src(%dma_wait3A_223 : memref<64x128xf32, #tpu.memory_space<hbm>>) dst(%dma_wait3A_221 : memref<64x128xf32, #tpu.memory_space<vmem>>)
      %run_scoped3A_224 = arith.constant 0 : i32
      "tpu.region"() ({
        %run_scoped3A_288 = tpu.sem_alloc : memref<!tpu.dma_semaphore, #tpu.memory_space<semaphore_mem>>
        %dma_start3A_289 = arith.constant 0 : i32
        %dma_start3A_290 = arith.constant 0 : i32
        %dma_start3A_291 = tpu.memref_slice %arg7[%run_scoped3A_224, %dma_start3A_289, %dma_start3A_290] : memref<2x64x128xf32, #tpu.memory_space<vmem>> -> memref<1x64x128xf32, #tpu.memory_space<vmem>>
        %dma_start3A_292 = tpu.memref_squeeze %dma_start3A_291 : memref<1x64x128xf32, #tpu.memory_space<vmem>> -> memref<64x128xf32, #tpu.memory_space<vmem>>
        %dma_start3A_293 = arith.constant 0 : i32
        %dma_start3A_294 = tpu.memref_slice %arg6[%add3A_206, %dma_start3A_293] : memref<32x64xi32, #tpu.memory_space<vmem>> -> memref<1x64xi32, #tpu.memory_space<vmem>>
        %dma_start3A_295 = tpu.memref_squeeze %dma_start3A_294 : memref<1x64xi32, #tpu.memory_space<vmem>> -> memref<64xi32, #tpu.memory_space<vmem>>
        %dma_start3A_296 = arith.constant 0 : i32
        %dma_start3A_297 = arith.constant 0 : i32
        %dma_start3A_298 = tpu.memref_slice %arg9[%dma_start3A_296, %dma_start3A_297] : memref<10240x128xf32, #tpu.memory_space<vmem_shared>> -> memref<10240x128xf32, #tpu.memory_space<vmem_shared>>
        tpu.enqueue_indirect_dma source(%dma_start3A_292 : memref<64x128xf32, #tpu.memory_space<vmem>>) target(%dma_start3A_298 : memref<10240x128xf32, #tpu.memory_space<vmem_shared>>) offsets(%dma_start3A_295 : memref<64xi32, #tpu.memory_space<vmem>>) semaphore(%run_scoped3A_288 : memref<!tpu.dma_semaphore, #tpu.memory_space<semaphore_mem>>) {add = true}
        %dma_wait3A_299 = arith.constant 0 : i32
        %dma_wait3A_300 = arith.constant 0 : i32
        %dma_wait3A_301 = tpu.memref_slice %arg7[%run_scoped3A_224, %dma_wait3A_299, %dma_wait3A_300] : memref<2x64x128xf32, #tpu.memory_space<vmem>> -> memref<1x64x128xf32, #tpu.memory_space<vmem>>
        %dma_wait3A_302 = tpu.memref_squeeze %dma_wait3A_301 : memref<1x64x128xf32, #tpu.memory_space<vmem>> -> memref<64x128xf32, #tpu.memory_space<vmem>>
        %dma_wait3A_303 = arith.constant 0 : i32
        %dma_wait3A_304 = tpu.memref_slice %arg6[%add3A_206, %dma_wait3A_303] : memref<32x64xi32, #tpu.memory_space<vmem>> -> memref<1x64xi32, #tpu.memory_space<vmem>>
        %dma_wait3A_305 = tpu.memref_squeeze %dma_wait3A_304 : memref<1x64xi32, #tpu.memory_space<vmem>> -> memref<64xi32, #tpu.memory_space<vmem>>
        %dma_wait3A_306 = arith.constant 0 : i32
        %dma_wait3A_307 = arith.constant 0 : i32
        %dma_wait3A_308 = tpu.memref_slice %arg9[%dma_wait3A_306, %dma_wait3A_307] : memref<10240x128xf32, #tpu.memory_space<vmem_shared>> -> memref<10240x128xf32, #tpu.memory_space<vmem_shared>>
        tpu.wait_indirect_dma semaphore(%run_scoped3A_288 : memref<!tpu.dma_semaphore, #tpu.memory_space<semaphore_mem>>) src(%dma_wait3A_302 : memref<64x128xf32, #tpu.memory_space<vmem>>) dst(%dma_wait3A_308 : memref<10240x128xf32, #tpu.memory_space<vmem_shared>>)
        tpu.yield
      }) : () -> ()
      %get3A = arith.index_cast %add3A_206 : i32 to index
      %get3A_225 = arith.constant 0 : index
      %get3A_226 = tpu.vector_load %arg6[%get3A, %get3A_225] {strides = array<i32>} : memref<32x64xi32, #tpu.memory_space<vmem>>, vector<16xi32>,
      tpu.vector_store_idx %arg8[%get3A_226], %broadcast_in_dim3A_3 {add = true} : memref<10240xf32, #tpu.memory_space<vmem>>[vector<16xi32>], vector<16xf32>,
      %get3A_227 = arith.index_cast %add3A_206 : i32 to index
      %get3A_228 = arith.constant 16 : index
      %get3A_229 = tpu.vector_load %arg6[%get3A_227, %get3A_228] {strides = array<i32>} : memref<32x64xi32, #tpu.memory_space<vmem>>, vector<16xi32>,
      tpu.vector_store_idx %arg8[%get3A_229], %broadcast_in_dim3A_3 {add = true} : memref<10240xf32, #tpu.memory_space<vmem>>[vector<16xi32>], vector<16xf32>,
      %get3A_230 = arith.index_cast %add3A_206 : i32 to index
      %get3A_231 = arith.constant 32 : index
      %get3A_232 = tpu.vector_load %arg6[%get3A_230, %get3A_231] {strides = array<i32>} : memref<32x64xi32, #tpu.memory_space<vmem>>, vector<16xi32>,
      tpu.vector_store_idx %arg8[%get3A_232], %broadcast_in_dim3A_3 {add = true} : memref<10240xf32, #tpu.memory_space<vmem>>[vector<16xi32>], vector<16xf32>,
      %get3A_233 = arith.index_cast %add3A_206 : i32 to index
      %get3A_234 = arith.constant 48 : index
      %get3A_235 = tpu.vector_load %arg6[%get3A_233, %get3A_234] {strides = array<i32>} : memref<32x64xi32, #tpu.memory_space<vmem>>, vector<16xi32>,
      tpu.vector_store_idx %arg8[%get3A_235], %broadcast_in_dim3A_3 {add = true} : memref<10240xf32, #tpu.memory_space<vmem>>[vector<16xi32>], vector<16xf32>,
      %add3A_236 = arith.constant 2 : i32
      %add3A_237 = arith.addi %add3A_206, %add3A_236 : i32
      %lt3A = arith.constant 32 : i32
      %lt3A_238 = arith.cmpi slt, %add3A_237, %lt3A : i32
      %convert_element_type3A = arith.extui %lt3A_238 : i1 to i32
      %cond3A = arith.constant 0 : i32
      %cond3A_239 = arith.cmpi ne, %convert_element_type3A, %cond3A : i32
      scf.if %cond3A_239 {
        %add3A_288 = arith.constant 2 : i32
        %add3A_289 = arith.addi %add3A_208, %add3A_288 : i32
        %mul3A_290 = arith.constant 64 : i32
        %mul3A_291 = arith.muli %add3A_289, %mul3A_290 : i32
        %add3A_292 = arith.addi %mul3A_45, %mul3A_291 : i32
        %dma_start3A_293 = arith.constant 0 : i32
        %dma_start3A_294 = arith.constant 0 : i32
        %dma_start3A_295 = arith.constant 0 : i32
        %dma_start3A_296 = tpu.memref_slice %arg7[%dma_start3A_293, %dma_start3A_294, %dma_start3A_295] : memref<2x64x128xf32, #tpu.memory_space<vmem>> -> memref<1x64x128xf32, #tpu.memory_space<vmem>>
        %dma_start3A_297 = tpu.memref_squeeze %dma_start3A_296 : memref<1x64x128xf32, #tpu.memory_space<vmem>> -> memref<64x128xf32, #tpu.memory_space<vmem>>
        %dma_start3A_298 = arith.constant 0 : i32
        %dma_start3A_299 = tpu.memref_slice %arg2[%add3A_292, %dma_start3A_298] : memref<262144x128xf32, #tpu.memory_space<hbm>> -> memref<64x128xf32, #tpu.memory_space<hbm>>
        %dma_start3A_300 = arith.constant 0 : i32
        %dma_start3A_301 = arith.constant 0 : i32
        %dma_start3A_302 = tpu.memref_slice %arg7[%dma_start3A_293, %dma_start3A_300, %dma_start3A_301] : memref<2x64x128xf32, #tpu.memory_space<vmem>> -> memref<1x64x128xf32, #tpu.memory_space<vmem>>
        %dma_start3A_303 = tpu.memref_squeeze %dma_start3A_302 : memref<1x64x128xf32, #tpu.memory_space<vmem>> -> memref<64x128xf32, #tpu.memory_space<vmem>>
        %dma_start3A_304 = arith.constant 0 : i32
        %dma_start3A_305 = tpu.memref_slice %arg2[%add3A_292, %dma_start3A_304] : memref<262144x128xf32, #tpu.memory_space<hbm>> -> memref<64x128xf32, #tpu.memory_space<hbm>>
        tpu.enqueue_dma source(%dma_start3A_305 : memref<64x128xf32, #tpu.memory_space<hbm>>) target(%dma_start3A_303 : memref<64x128xf32, #tpu.memory_space<vmem>>) target_semaphore(%arg10 : memref<!tpu.dma_semaphore, #tpu.memory_space<semaphore_mem>>)
      } else {
      }
      %add3A_240 = arith.constant 1 : i32
      %add3A_241 = arith.addi %add3A_208, %add3A_240 : i32
      %mul3A_242 = arith.constant 64 : i32
      %mul3A_243 = arith.muli %add3A_241, %mul3A_242 : i32
      %add3A_244 = arith.addi %mul3A_45, %mul3A_243 : i32
      %dma_wait3A_245 = arith.constant 1 : i32
      %dma_wait3A_246 = arith.constant 0 : i32
      %dma_wait3A_247 = arith.constant 0 : i32
      %dma_wait3A_248 = tpu.memref_slice %arg7[%dma_wait3A_245, %dma_wait3A_246, %dma_wait3A_247] : memref<2x64x128xf32, #tpu.memory_space<vmem>> -> memref<1x64x128xf32, #tpu.memory_space<vmem>>
      %dma_wait3A_249 = tpu.memref_squeeze %dma_wait3A_248 : memref<1x64x128xf32, #tpu.memory_space<vmem>> -> memref<64x128xf32, #tpu.memory_space<vmem>>
      %dma_wait3A_250 = arith.constant 0 : i32
      %dma_wait3A_251 = tpu.memref_slice %arg2[%add3A_244, %dma_wait3A_250] : memref<262144x128xf32, #tpu.memory_space<hbm>> -> memref<64x128xf32, #tpu.memory_space<hbm>>
      %dma_wait3A_252 = arith.constant 0 : i32
      %dma_wait3A_253 = arith.constant 0 : i32
      %dma_wait3A_254 = tpu.memref_slice %arg7[%dma_wait3A_245, %dma_wait3A_252, %dma_wait3A_253] : memref<2x64x128xf32, #tpu.memory_space<vmem>> -> memref<1x64x128xf32, #tpu.memory_space<vmem>>
      %dma_wait3A_255 = tpu.memref_squeeze %dma_wait3A_254 : memref<1x64x128xf32, #tpu.memory_space<vmem>> -> memref<64x128xf32, #tpu.memory_space<vmem>>
      %dma_wait3A_256 = arith.constant 0 : i32
      %dma_wait3A_257 = tpu.memref_slice %arg2[%add3A_244, %dma_wait3A_256] : memref<262144x128xf32, #tpu.memory_space<hbm>> -> memref<64x128xf32, #tpu.memory_space<hbm>>
      tpu.wait_dma2 semaphore(%arg11 : memref<!tpu.dma_semaphore, #tpu.memory_space<semaphore_mem>>) src(%dma_wait3A_257 : memref<64x128xf32, #tpu.memory_space<hbm>>) dst(%dma_wait3A_255 : memref<64x128xf32, #tpu.memory_space<vmem>>)
      %add3A_258 = arith.constant 1 : i32
      %add3A_259 = arith.addi %add3A_206, %add3A_258 : i32
      %run_scoped3A_260 = arith.constant 1 : i32
      "tpu.region"() ({
        %run_scoped3A_288 = tpu.sem_alloc : memref<!tpu.dma_semaphore, #tpu.memory_space<semaphore_mem>>
        %dma_start3A_289 = arith.constant 0 : i32
        %dma_start3A_290 = arith.constant 0 : i32
        %dma_start3A_291 = tpu.memref_slice %arg7[%run_scoped3A_260, %dma_start3A_289, %dma_start3A_290] : memref<2x64x128xf32, #tpu.memory_space<vmem>> -> memref<1x64x128xf32, #tpu.memory_space<vmem>>
        %dma_start3A_292 = tpu.memref_squeeze %dma_start3A_291 : memref<1x64x128xf32, #tpu.memory_space<vmem>> -> memref<64x128xf32, #tpu.memory_space<vmem>>
        %dma_start3A_293 = arith.constant 0 : i32
        %dma_start3A_294 = tpu.memref_slice %arg6[%add3A_259, %dma_start3A_293] : memref<32x64xi32, #tpu.memory_space<vmem>> -> memref<1x64xi32, #tpu.memory_space<vmem>>
        %dma_start3A_295 = tpu.memref_squeeze %dma_start3A_294 : memref<1x64xi32, #tpu.memory_space<vmem>> -> memref<64xi32, #tpu.memory_space<vmem>>
        %dma_start3A_296 = arith.constant 0 : i32
        %dma_start3A_297 = arith.constant 0 : i32
        %dma_start3A_298 = tpu.memref_slice %arg9[%dma_start3A_296, %dma_start3A_297] : memref<10240x128xf32, #tpu.memory_space<vmem_shared>> -> memref<10240x128xf32, #tpu.memory_space<vmem_shared>>
        tpu.enqueue_indirect_dma source(%dma_start3A_292 : memref<64x128xf32, #tpu.memory_space<vmem>>) target(%dma_start3A_298 : memref<10240x128xf32, #tpu.memory_space<vmem_shared>>) offsets(%dma_start3A_295 : memref<64xi32, #tpu.memory_space<vmem>>) semaphore(%run_scoped3A_288 : memref<!tpu.dma_semaphore, #tpu.memory_space<semaphore_mem>>) {add = true}
        %dma_wait3A_299 = arith.constant 0 : i32
        %dma_wait3A_300 = arith.constant 0 : i32
        %dma_wait3A_301 = tpu.memref_slice %arg7[%run_scoped3A_260, %dma_wait3A_299, %dma_wait3A_300] : memref<2x64x128xf32, #tpu.memory_space<vmem>> -> memref<1x64x128xf32, #tpu.memory_space<vmem>>
        %dma_wait3A_302 = tpu.memref_squeeze %dma_wait3A_301 : memref<1x64x128xf32, #tpu.memory_space<vmem>> -> memref<64x128xf32, #tpu.memory_space<vmem>>
        %dma_wait3A_303 = arith.constant 0 : i32
        %dma_wait3A_304 = tpu.memref_slice %arg6[%add3A_259, %dma_wait3A_303] : memref<32x64xi32, #tpu.memory_space<vmem>> -> memref<1x64xi32, #tpu.memory_space<vmem>>
        %dma_wait3A_305 = tpu.memref_squeeze %dma_wait3A_304 : memref<1x64xi32, #tpu.memory_space<vmem>> -> memref<64xi32, #tpu.memory_space<vmem>>
        %dma_wait3A_306 = arith.constant 0 : i32
        %dma_wait3A_307 = arith.constant 0 : i32
        %dma_wait3A_308 = tpu.memref_slice %arg9[%dma_wait3A_306, %dma_wait3A_307] : memref<10240x128xf32, #tpu.memory_space<vmem_shared>> -> memref<10240x128xf32, #tpu.memory_space<vmem_shared>>
        tpu.wait_indirect_dma semaphore(%run_scoped3A_288 : memref<!tpu.dma_semaphore, #tpu.memory_space<semaphore_mem>>) src(%dma_wait3A_302 : memref<64x128xf32, #tpu.memory_space<vmem>>) dst(%dma_wait3A_308 : memref<10240x128xf32, #tpu.memory_space<vmem_shared>>)
        tpu.yield
      }) : () -> ()
      %add3A_261 = arith.constant 1 : i32
      %add3A_262 = arith.addi %add3A_206, %add3A_261 : i32
      %get3A_263 = arith.index_cast %add3A_262 : i32 to index
      %get3A_264 = arith.constant 0 : index
      %get3A_265 = tpu.vector_load %arg6[%get3A_263, %get3A_264] {strides = array<i32>} : memref<32x64xi32, #tpu.memory_space<vmem>>, vector<16xi32>,
      tpu.vector_store_idx %arg8[%get3A_265], %broadcast_in_dim3A_3 {add = true} : memref<10240xf32, #tpu.memory_space<vmem>>[vector<16xi32>], vector<16xf32>,
      %add3A_266 = arith.constant 1 : i32
      %add3A_267 = arith.addi %add3A_206, %add3A_266 : i32
      %get3A_268 = arith.index_cast %add3A_267 : i32 to index
      %get3A_269 = arith.constant 16 : index
      %get3A_270 = tpu.vector_load %arg6[%get3A_268, %get3A_269] {strides = array<i32>} : memref<32x64xi32, #tpu.memory_space<vmem>>, vector<16xi32>,
      tpu.vector_store_idx %arg8[%get3A_270], %broadcast_in_dim3A_3 {add = true} : memref<10240xf32, #tpu.memory_space<vmem>>[vector<16xi32>], vector<16xf32>,
      %add3A_271 = arith.constant 1 : i32
      %add3A_272 = arith.addi %add3A_206, %add3A_271 : i32
      %get3A_273 = arith.index_cast %add3A_272 : i32 to index
      %get3A_274 = arith.constant 32 : index
      %get3A_275 = tpu.vector_load %arg6[%get3A_273, %get3A_274] {strides = array<i32>} : memref<32x64xi32, #tpu.memory_space<vmem>>, vector<16xi32>,
      tpu.vector_store_idx %arg8[%get3A_275], %broadcast_in_dim3A_3 {add = true} : memref<10240xf32, #tpu.memory_space<vmem>>[vector<16xi32>], vector<16xf32>,
      %add3A_276 = arith.constant 1 : i32
      %add3A_277 = arith.addi %add3A_206, %add3A_276 : i32
      %get3A_278 = arith.index_cast %add3A_277 : i32 to index
      %get3A_279 = arith.constant 48 : index
      %get3A_280 = tpu.vector_load %arg6[%get3A_278, %get3A_279] {strides = array<i32>} : memref<32x64xi32, #tpu.memory_space<vmem>>, vector<16xi32>,
      tpu.vector_store_idx %arg8[%get3A_280], %broadcast_in_dim3A_3 {add = true} : memref<10240xf32, #tpu.memory_space<vmem>>[vector<16xi32>], vector<16xf32>,
      %add3A_281 = arith.constant 3 : i32
      %add3A_282 = arith.addi %add3A_206, %add3A_281 : i32
      %lt3A_283 = arith.constant 32 : i32
      %lt3A_284 = arith.cmpi slt, %add3A_282, %lt3A_283 : i32
      %convert_element_type3A_285 = arith.extui %lt3A_284 : i1 to i32
      %cond3A_286 = arith.constant 0 : i32
      %cond3A_287 = arith.cmpi ne, %convert_element_type3A_285, %cond3A_286 : i32
      scf.if %cond3A_287 {
        %add3A_288 = arith.constant 3 : i32
        %add3A_289 = arith.addi %add3A_208, %add3A_288 : i32
        %mul3A_290 = arith.constant 64 : i32
        %mul3A_291 = arith.muli %add3A_289, %mul3A_290 : i32
        %add3A_292 = arith.addi %mul3A_45, %mul3A_291 : i32
        %dma_start3A_293 = arith.constant 1 : i32
        %dma_start3A_294 = arith.constant 0 : i32
        %dma_start3A_295 = arith.constant 0 : i32
        %dma_start3A_296 = tpu.memref_slice %arg7[%dma_start3A_293, %dma_start3A_294, %dma_start3A_295] : memref<2x64x128xf32, #tpu.memory_space<vmem>> -> memref<1x64x128xf32, #tpu.memory_space<vmem>>
        %dma_start3A_297 = tpu.memref_squeeze %dma_start3A_296 : memref<1x64x128xf32, #tpu.memory_space<vmem>> -> memref<64x128xf32, #tpu.memory_space<vmem>>
        %dma_start3A_298 = arith.constant 0 : i32
        %dma_start3A_299 = tpu.memref_slice %arg2[%add3A_292, %dma_start3A_298] : memref<262144x128xf32, #tpu.memory_space<hbm>> -> memref<64x128xf32, #tpu.memory_space<hbm>>
        %dma_start3A_300 = arith.constant 0 : i32
        %dma_start3A_301 = arith.constant 0 : i32
        %dma_start3A_302 = tpu.memref_slice %arg7[%dma_start3A_293, %dma_start3A_300, %dma_start3A_301] : memref<2x64x128xf32, #tpu.memory_space<vmem>> -> memref<1x64x128xf32, #tpu.memory_space<vmem>>
        %dma_start3A_303 = tpu.memref_squeeze %dma_start3A_302 : memref<1x64x128xf32, #tpu.memory_space<vmem>> -> memref<64x128xf32, #tpu.memory_space<vmem>>
        %dma_start3A_304 = arith.constant 0 : i32
        %dma_start3A_305 = tpu.memref_slice %arg2[%add3A_292, %dma_start3A_304] : memref<262144x128xf32, #tpu.memory_space<hbm>> -> memref<64x128xf32, #tpu.memory_space<hbm>>
        tpu.enqueue_dma source(%dma_start3A_305 : memref<64x128xf32, #tpu.memory_space<hbm>>) target(%dma_start3A_303 : memref<64x128xf32, #tpu.memory_space<vmem>>) target_semaphore(%arg11 : memref<!tpu.dma_semaphore, #tpu.memory_space<semaphore_mem>>)
      } else {
      }
    }
    %scan3A_200 = arith.constant 16 : i32
    %barrier3A_201 = arith.constant 0 : index
    tpu.barrier barrier_id(%barrier3A_201)
    "tpu.region"() ({
      %run_scoped3A_202 = tpu.sem_alloc : memref<!tpu.dma_semaphore, #tpu.memory_space<semaphore_mem>>
      %dma_start3A_203 = arith.constant 0 : i32
      %dma_start3A_204 = arith.constant 0 : i32
      %dma_start3A_205 = tpu.memref_slice %arg4[%arg0, %dma_start3A_203, %dma_start3A_204] : memref<2x10240x128xf32, #tpu.memory_space<hbm>> -> memref<1x10240x128xf32, #tpu.memory_space<hbm>>
      %dma_start3A_206 = tpu.memref_squeeze %dma_start3A_205 : memref<1x10240x128xf32, #tpu.memory_space<hbm>> -> memref<10240x128xf32, #tpu.memory_space<hbm>>
      %dma_start3A_207 = arith.constant 0 : i32
      %dma_start3A_208 = tpu.memref_slice %dma_start3A_206[%mul3A_14, %dma_start3A_207] : memref<10240x128xf32, #tpu.memory_space<hbm>> -> memref<640x128xf32, #tpu.memory_space<hbm>>
      %dma_start3A_209 = arith.constant 0 : i32
      %dma_start3A_210 = tpu.memref_slice %arg9[%mul3A_14, %dma_start3A_209] : memref<10240x128xf32, #tpu.memory_space<vmem_shared>> -> memref<640x128xf32, #tpu.memory_space<vmem_shared>>
      tpu.enqueue_dma source(%dma_start3A_210 : memref<640x128xf32, #tpu.memory_space<vmem_shared>>) target(%dma_start3A_208 : memref<640x128xf32, #tpu.memory_space<hbm>>) target_semaphore(%run_scoped3A_202 : memref<!tpu.dma_semaphore, #tpu.memory_space<semaphore_mem>>)
      %dma_wait3A = arith.constant 0 : i32
      %dma_wait3A_211 = arith.constant 0 : i32
      %dma_wait3A_212 = tpu.memref_slice %arg4[%arg0, %dma_wait3A, %dma_wait3A_211] : memref<2x10240x128xf32, #tpu.memory_space<hbm>> -> memref<1x10240x128xf32, #tpu.memory_space<hbm>>
      %dma_wait3A_213 = tpu.memref_squeeze %dma_wait3A_212 : memref<1x10240x128xf32, #tpu.memory_space<hbm>> -> memref<10240x128xf32, #tpu.memory_space<hbm>>
      %dma_wait3A_214 = arith.constant 0 : i32
      %dma_wait3A_215 = tpu.memref_slice %dma_wait3A_213[%mul3A_14, %dma_wait3A_214] : memref<10240x128xf32, #tpu.memory_space<hbm>> -> memref<640x128xf32, #tpu.memory_space<hbm>>
      %dma_wait3A_216 = arith.constant 0 : i32
      %dma_wait3A_217 = tpu.memref_slice %arg9[%mul3A_14, %dma_wait3A_216] : memref<10240x128xf32, #tpu.memory_space<vmem_shared>> -> memref<640x128xf32, #tpu.memory_space<vmem_shared>>
      tpu.wait_dma2 semaphore(%run_scoped3A_202 : memref<!tpu.dma_semaphore, #tpu.memory_space<semaphore_mem>>) src(%dma_wait3A_217 : memref<640x128xf32, #tpu.memory_space<vmem_shared>>) dst(%dma_wait3A_215 : memref<640x128xf32, #tpu.memory_space<hbm>>)
      tpu.yield
    }) : () -> ()
    "tpu.region"() ({
      %run_scoped3A_202 = tpu.sem_alloc : memref<!tpu.dma_semaphore, #tpu.memory_space<semaphore_mem>>
      %dma_start3A_203 = arith.constant 0 : i32
      %dma_start3A_204 = tpu.memref_slice %arg5[%add3A, %dma_start3A_203] : memref<32x10240xf32, #tpu.memory_space<hbm>> -> memref<1x10240xf32, #tpu.memory_space<hbm>>
      %dma_start3A_205 = tpu.memref_squeeze %dma_start3A_204 : memref<1x10240xf32, #tpu.memory_space<hbm>> -> memref<10240xf32, #tpu.memory_space<hbm>>
      %dma_start3A_206 = arith.constant 0 : i32
      %dma_start3A_207 = tpu.memref_slice %arg5[%add3A, %dma_start3A_206] : memref<32x10240xf32, #tpu.memory_space<hbm>> -> memref<1x10240xf32, #tpu.memory_space<hbm>>
      %dma_start3A_208 = tpu.memref_squeeze %dma_start3A_207 : memref<1x10240xf32, #tpu.memory_space<hbm>> -> memref<10240xf32, #tpu.memory_space<hbm>>
      tpu.enqueue_dma source(%arg8 : memref<10240xf32, #tpu.memory_space<vmem>>) target(%dma_start3A_208 : memref<10240xf32, #tpu.memory_space<hbm>>) target_semaphore(%run_scoped3A_202 : memref<!tpu.dma_semaphore, #tpu.memory_space<semaphore_mem>>)
      %dma_wait3A = arith.constant 0 : i32
      %dma_wait3A_209 = tpu.memref_slice %arg5[%add3A, %dma_wait3A] : memref<32x10240xf32, #tpu.memory_space<hbm>> -> memref<1x10240xf32, #tpu.memory_space<hbm>>
      %dma_wait3A_210 = tpu.memref_squeeze %dma_wait3A_209 : memref<1x10240xf32, #tpu.memory_space<hbm>> -> memref<10240xf32, #tpu.memory_space<hbm>>
      %dma_wait3A_211 = arith.constant 0 : i32
      %dma_wait3A_212 = tpu.memref_slice %arg5[%add3A, %dma_wait3A_211] : memref<32x10240xf32, #tpu.memory_space<hbm>> -> memref<1x10240xf32, #tpu.memory_space<hbm>>
      %dma_wait3A_213 = tpu.memref_squeeze %dma_wait3A_212 : memref<1x10240xf32, #tpu.memory_space<hbm>> -> memref<10240xf32, #tpu.memory_space<hbm>>
      tpu.wait_dma2 semaphore(%run_scoped3A_202 : memref<!tpu.dma_semaphore, #tpu.memory_space<semaphore_mem>>) src(%arg8 : memref<10240xf32, #tpu.memory_space<vmem>>) dst(%dma_wait3A_213 : memref<10240xf32, #tpu.memory_space<hbm>>)
      tpu.yield
    }) : () -> ()
    return
  }
}

module attributes {stable_mosaic.version = 14 : i64} {
  func.func @_proj_body(%arg0: i32, %arg1: memref<2x1280x128xf32, #tpu.memory_space<vmem>>, %arg2: memref<32x1280xf32, #tpu.memory_space<vmem>>, %arg3: memref<21x128xf32, #tpu.memory_space<vmem>>, %arg4: memref<21x256xf32, #tpu.memory_space<vmem>>, %arg5: memref<1280x21xf32, #tpu.memory_space<vmem>>, %arg6: memref<1280x128xf32, #tpu.memory_space<vmem>>) attributes {dimension_semantics = [#tpu.dimension_semantics<arbitrary>], iteration_bounds = array<i64: 8>, scalar_prefetch = 0 : i64, scratch_operands = 0 : i64, tpu.core_type = #tpu.core_type<tc>, window_params = [{transform_indices = @transform_0, window_bounds = array<i64: 2, 1280, 128>}, {transform_indices = @transform_1, window_bounds = array<i64: 32, 1280>}, {pipeline_mode = #tpu.pipeline_mode<synchronous>, transform_indices = @transform_2, window_bounds = array<i64: 21, 128>}, {pipeline_mode = #tpu.pipeline_mode<synchronous>, transform_indices = @transform_3, window_bounds = array<i64: 21, 256>}, {transform_indices = @transform_4, window_bounds = array<i64: 1280, 21>}, {transform_indices = @transform_5, window_bounds = array<i64: 1280, 128>}]} {
    %get3A = arith.constant 0 : index
    %get3A_0 = arith.constant 0 : index
    %get3A_1 = arith.constant 0 : index
    %get3A_2 = vector.load %arg1[%get3A, %get3A_0, %get3A_1] : memref<2x1280x128xf32, #tpu.memory_space<vmem>>, vector<1x1280x128xf32>
    %get3A_3 = vector.shape_cast %get3A_2 : vector<1x1280x128xf32> to vector<1280x128xf32>
    %get3A_4 = arith.constant 1 : index
    %get3A_5 = arith.constant 0 : index
    %get3A_6 = arith.constant 0 : index
    %get3A_7 = vector.load %arg1[%get3A_4, %get3A_5, %get3A_6] : memref<2x1280x128xf32, #tpu.memory_space<vmem>>, vector<1x1280x128xf32>
    %get3A_8 = vector.shape_cast %get3A_7 : vector<1x1280x128xf32> to vector<1280x128xf32>
    %add3A = arith.addf %get3A_3, %get3A_8 : vector<1280x128xf32>
    %get3A_9 = arith.constant 0 : index
    %get3A_10 = arith.constant 0 : index
    %get3A_11 = vector.load %arg2[%get3A_9, %get3A_10] : memref<32x1280xf32, #tpu.memory_space<vmem>>, vector<32x1280xf32>
    %reduce_sum3A = arith.constant dense<0.000000e+00> : vector<1280xf32>
    %reduce_sum3A_12 = vector.multi_reduction <add>, %get3A_11, %reduce_sum3A [0] : vector<32x1280xf32> to vector<1280xf32>
    %jit3A = arith.constant 9.99999996E-13 : f32
    %max3A = vector.broadcast %jit3A : f32 to vector<1280xf32>
    %max3A_13 = arith.maximumf %max3A, %reduce_sum3A_12 : vector<1280xf32>
    %div3A = arith.constant 1.000000e+00 : f32
    %div3A_14 = vector.broadcast %div3A : f32 to vector<1280xf32>
    %div3A_15 = arith.divf %div3A_14, %max3A_13 : vector<1280xf32>
    %broadcast_in_dim3A = vector.shape_cast %div3A_15 : vector<1280xf32> to vector<1280x1xf32>
    %mul3A = vector.broadcast %broadcast_in_dim3A : vector<1280x1xf32> to vector<1280x128xf32>
    %mul3A_16 = arith.mulf %add3A, %mul3A : vector<1280x128xf32>
    %get3A_17 = arith.constant 0 : index
    %get3A_18 = arith.constant 0 : index
    %get3A_19 = vector.load %arg3[%get3A_17, %get3A_18] : memref<21x128xf32, #tpu.memory_space<vmem>>, vector<21x128xf32>
    %dot_general3A = arith.constant dense<0.000000e+00> : vector<1280x21xf32>
    %dot_general3A_20 = tpu.matmul %mul3A_16, %get3A_19, %dot_general3A {dimension_numbers = #tpu.dot_dimension_numbers<[1], [1], [0], [0], [0, 0, 1, 0], [], []>, precision = #tpu.contract_precision<fp32>, transpose_lhs_hint = false} : vector<1280x128xf32>, vector<21x128xf32>, vector<1280x21xf32> -> vector<1280x21xf32>
    %swap3A = arith.constant 0 : index
    %swap3A_21 = arith.constant 0 : index
    %swap3A_22 = vector.load %arg5[%swap3A, %swap3A_21] : memref<1280x21xf32, #tpu.memory_space<vmem>>, vector<1280x21xf32>
    tpu.vector_store %arg5[%swap3A, %swap3A_21], %dot_general3A_20 {strides = array<i32>} : memref<1280x21xf32, #tpu.memory_space<vmem>>, vector<1280x21xf32>,
    %broadcast_in_dim3A_23 = arith.constant 0.000000e+00 : f32
    %broadcast_in_dim3A_24 = vector.broadcast %broadcast_in_dim3A_23 : f32 to vector<43x128xf32>
    %get3A_25 = arith.constant 0 : index
    %get3A_26 = arith.constant 0 : index
    %get3A_27 = vector.load %arg4[%get3A_25, %get3A_26] : memref<21x256xf32, #tpu.memory_space<vmem>>, vector<21x128xf32>
    %get3A_28 = arith.constant 0 : index
    %get3A_29 = arith.constant 128 : index
    %get3A_30 = vector.load %arg4[%get3A_28, %get3A_29] : memref<21x256xf32, #tpu.memory_space<vmem>>, vector<21x128xf32>
    %concatenate3A = tpu.concatenate %get3A_27, %broadcast_in_dim3A_24, %get3A_30, %broadcast_in_dim3A_24 in 0 : vector<21x128xf32>, vector<43x128xf32>, vector<21x128xf32>, vector<43x128xf32> -> vector<128x128xf32>
    %dot_general3A_31 = arith.constant dense<0.000000e+00> : vector<1280x128xf32>
    %dot_general3A_32 = tpu.matmul %mul3A_16, %concatenate3A, %dot_general3A_31 {dimension_numbers = #tpu.dot_dimension_numbers<[1], [1], [0], [0], [0, 0, 1, 0], [], []>, precision = #tpu.contract_precision<fp32>, transpose_lhs_hint = false} : vector<1280x128xf32>, vector<128x128xf32>, vector<1280x128xf32> -> vector<1280x128xf32>
    %swap3A_33 = arith.constant 0 : index
    %swap3A_34 = arith.constant 0 : index
    %swap3A_35 = vector.load %arg6[%swap3A_33, %swap3A_34] : memref<1280x128xf32, #tpu.memory_space<vmem>>, vector<1280x128xf32>
    tpu.vector_store %arg6[%swap3A_33, %swap3A_34], %dot_general3A_32 {strides = array<i32>} : memref<1280x128xf32, #tpu.memory_space<vmem>>, vector<1280x128xf32>,
    return
  }
  func.func @transform_0(%arg0: i32) -> (i32, i32, i32) {
    %c0_i32 = arith.constant 0 : i32
    %c0_i32_0 = arith.constant 0 : i32
    %c0_i32_1 = arith.constant 0 : i32
    return %c0_i32, %arg0, %c0_i32_0 : i32, i32, i32
  }
  func.func @transform_1(%arg0: i32) -> (i32, i32) {
    %c0_i32 = arith.constant 0 : i32
    %c0_i32_0 = arith.constant 0 : i32
    return %c0_i32, %arg0 : i32, i32
  }
  func.func @transform_2(%arg0: i32) -> (i32, i32) {
    %c0_i32 = arith.constant 0 : i32
    %c0_i32_0 = arith.constant 0 : i32
    %c0_i32_1 = arith.constant 0 : i32
    return %c0_i32, %c0_i32_0 : i32, i32
  }
  func.func @transform_3(%arg0: i32) -> (i32, i32) {
    %c0_i32 = arith.constant 0 : i32
    %c0_i32_0 = arith.constant 0 : i32
    %c0_i32_1 = arith.constant 0 : i32
    return %c0_i32, %c0_i32_0 : i32, i32
  }
  func.func @transform_4(%arg0: i32) -> (i32, i32) {
    %c0_i32 = arith.constant 0 : i32
    %c0_i32_0 = arith.constant 0 : i32
    return %arg0, %c0_i32 : i32, i32
  }
  func.func @transform_5(%arg0: i32) -> (i32, i32) {
    %c0_i32 = arith.constant 0 : i32
    %c0_i32_0 = arith.constant 0 : i32
    return %arg0, %c0_i32 : i32, i32
  }
}

</mosaic_0001>

<sc_bundles>
// kernel: kernel.5.cloned.1.call-start
scs
__scs_entry_jumppad:
0x0: {  	(pc) =	sbr.rel $0x88, $3  }
0x1: {  	(tag) =	ssettag $0x0;
	lr =	simm.s32 $0x1  }
0x2: {  	[smem:$0x3F9C] =	sst lr;
	_ =	strace $0xD0000000  }
0x3: {  	_ = 	snop  }
0x4: {  	_ = 	snop  }
0x5: {  	_ = 	snop  }
0x6: {  	_ = 	snop  }
0x7: {  	_ = 	snop  }
__scs_overlays_trampoline_lowered:
0x8: {  	[smem:$0x3FAB] =	sst s0  }
0x9: {  	[smem:$0x3FAC] =	sst s1  }
0xa: {  	[smem:$0x3FAD] =	sst s2  }
0xb: {  	[smem:$0x3FAE] =	sst s3  }
0xc: {  	[smem:$0x3FAF] =	sst s4  }
0xd: {  	[smem:$0x3FB0] =	sst s5  }
0xe: {  	[smem:$0x3FB1] =	sst s6  }
0xf: {  	[smem:$0x3FB2] =	sst s7  }
0x10: {  	[smem:$0x3FB3] =	sst s8  }
0x11: {  	[smem:$0x3FB4] =	sst s9;
	s0 =	simm.s32 @!p0 $0x0  }
0x12: {  	s1 =	sld [smem:$0x3F9A];
	s0 =	simm.s32 @p0 $0x1  }
0x13: {  	[smem:$0x3FB5] =	sst s0;
	s0 =	simm.s32 @!p1 $0x0  }
0x14: {  	s2 =	sld [smem:$0x3F99];
	s0 =	simm.s32 @p1 $0x1  }
0x15: {  	[smem:$0x3FB6] =	sst s0;
	s0 =	simm.s32 @!p2 $0x0  }
0x16: {  	s3 =	sld [smem:$0x3FDB];
	s0 =	simm.s32 @p2 $0x1  }
0x17: {  	s4 =	simm.s32 $0x1BF5;
	[smem:$0x3FB8] =	sst s0  }
0x18: {  	s0 =	sld [smem:$0x3F9B];
	_ =	swait.ge [sflag:s4], $0x0  }
0x19: {  	s7 =	sld [smem:$0x3F9C]  }
0x1a: {  	s8 =	sadd.s32 $0xFFFFE003, lr  }
0x1b: {  	s9 =	sadd.s32 $0xFFFFFEF7, lr;
	s5 =	simm.s32 $0xFFFFFFFF;
	p2 =	slt.u32 s8, $0xFFFFF086  }
0x1c: {  	p1 =	slt.u32 s9, $0xF7A;
	s5 =	simm.s32 @!p2 $0x0  }
0x1d: {  	s5 =	simm.s32 @p1 $0x1;
	p0 =	seq.s32 s7, s2  }
0x1e: {  	s7 =	smul.u32 @!p0 $0xF7A, s2;
	p2 =	seq.s32 @!p0 s5, $0x0  }
0x1f: {  	s9 =	smul.u32 $0xF7A, s1;
	s8 =	simm.s32 @!p0 $0x1BF5;
	p2 =	por !p2, p0  }
0x20: {  	[sflag:s8] =	ssyncset.s32 @!p0 $0xFFFFF086;
	s6 =	sadd.s32 @!p0 s3, s7;
	s7 =	simm.s32 @!p0 $0x108  }
0x21: {  	s3 =	sadd.s32 s3, s9;
	s6 =	sadd.s32 @!p0 $0x88, s6;
	s7 =	simm.s32 @p2 $0x1082  }
0x22: {  	[simem:s7], [sflag:s8] =	dma.local @!p0 [hbm:s6], $0xF7A  }
0x23: {  	s9 =	sor.u32 $0xD0000000, s2;
	s6 =	simm.s32 $0x108;
	_ =	swait.ge @!p0 [sflag:s8], $0x0  }
0x24: {  	s3 =	sadd.s32 $0x88, s3;
	s6 =	simm.s32 @!p1 $0x1082;
	[sflag:s4] =	ssyncset.s32 $0xFFFFF086  }
0x25: {  	[simem:s6], [sflag:s4] =	dma.local [hbm:s3], $0xF7A  }
0x26: {  	[smem:$0x3F9C] =	sst s1;
	(tag) =	ssettag s2;
	_ =	strace s9  }
0x27: {  	s1 =	sld [smem:$0x3FAC]  }
0x28: {  	s2 =	sld [smem:$0x3FAD]  }
0x29: {  	s4 =	sld [smem:$0x3FAF]  }
0x2a: {  	p0 =	seq.s32 s5, $0x0;
	s5 =	sld [smem:$0x3FB0]  }
0x2b: {  	s6 =	sld [smem:$0x3FB1]  }
0x2c: {  	s7 =	sld [smem:$0x3FB2]  }
0x2d: {  	s3 =	simm.s32 $0x108;
	s8 =	sld [smem:$0x3FB3]  }
0x2e: {  	s3 =	simm.s32 @!p0 $0x1082;
	s9 =	sld [smem:$0x3FB4]  }
0x2f: {  	lr =	sadd.s32 s0, s3;
	s0 =	sld [smem:$0x3FAB]  }
0x30: {  	s3 =	sld [smem:$0x3FAE]  }
0x31: {  	[smem:$0x3FB7] =	sst s10  }
0x32: {  	s10 =	sld [smem:$0x3FB5];
	_ =	sdelay $0x3  }
0x33: {  	p0 =	seq.s32 s10, $0x1;
	s10 =	sld [smem:$0x3FB7];
	_ =	sdelay $0x3  }
0x34: {  	[smem:$0x3FB7] =	sst s10  }
0x35: {  	s10 =	sld [smem:$0x3FB6];
	_ =	sdelay $0x3  }
0x36: {  	p1 =	seq.s32 s10, $0x1;
	s10 =	sld [smem:$0x3FB7];
	_ =	sdelay $0x3  }
0x37: {  	[smem:$0x3FB7] =	sst s10  }
0x38: {  	s10 =	sld [smem:$0x3FB8]  }
0x39: {  	_ = 	snop;
	(pc) =	sbr.ind lr, $3  }
0x3a: {  	_ = 	snop  }
0x3b: {  	_ = 	snop  }
0x3c: {  	p2 =	seq.s32 s10, $0x1;
	s10 =	sld [smem:$0x3FB7]  }
0x3d: {  	_ =	shalt  }
0x3e: {  	_ =	shalt  }
0x3f: {  	_ =	shalt  }
0x40: {  	_ =	shalt  }
0x41: {  	_ =	shalt  }
0x42: {  	_ =	shalt  }
0x43: {  	_ =	shalt  }
0x44: {  	_ =	shalt  }
0x45: {  	_ =	shalt  }
0x46: {  	_ =	shalt  }
0x47: {  	_ =	shalt  }
0x48: {  	_ =	shalt  }
0x49: {  	_ =	shalt  }
0x4a: {  	_ =	shalt  }
0x4b: {  	_ =	shalt  }
0x4c: {  	_ =	shalt  }
0x4d: {  	_ =	shalt  }
0x4e: {  	_ =	shalt  }
0x4f: {  	_ =	shalt  }
0x50: {  	_ =	shalt  }
0x51: {  	_ =	shalt  }
0x52: {  	_ =	shalt  }
0x53: {  	_ =	shalt  }
0x54: {  	_ =	shalt  }
0x55: {  	_ =	shalt  }
0x56: {  	_ =	shalt  }
0x57: {  	_ =	shalt  }
0x58: {  	_ =	shalt  }
0x59: {  	_ =	shalt  }
0x5a: {  	_ =	shalt  }
0x5b: {  	_ =	shalt  }
0x5c: {  	_ =	shalt  }
0x5d: {  	_ =	shalt  }
0x5e: {  	_ =	shalt  }
0x5f: {  	_ =	shalt  }
0x60: {  	_ =	shalt  }
0x61: {  	_ =	shalt  }
0x62: {  	_ =	shalt  }
0x63: {  	_ =	shalt  }
0x64: {  	_ =	shalt  }
0x65: {  	_ =	shalt  }
0x66: {  	_ =	shalt  }
0x67: {  	_ =	shalt  }
0x68: {  	_ =	shalt  }
0x69: {  	_ =	shalt  }
0x6a: {  	_ =	shalt  }
0x6b: {  	_ =	shalt  }
0x6c: {  	_ =	shalt  }
0x6d: {  	_ =	shalt  }
0x6e: {  	_ =	shalt  }
0x6f: {  	_ =	shalt  }
0x70: {  	_ =	shalt  }
0x71: {  	_ =	shalt  }
0x72: {  	_ =	shalt  }
0x73: {  	_ =	shalt  }
0x74: {  	_ =	shalt  }
0x75: {  	_ =	shalt  }
0x76: {  	_ =	shalt  }
0x77: {  	_ =	shalt  }
0x78: {  	_ =	shalt  }
0x79: {  	_ =	shalt  }
0x7a: {  	_ =	shalt  }
0x7b: {  	_ =	shalt  }
0x7c: {  	_ =	shalt  }
0x7d: {  	_ =	shalt  }
0x7e: {  	_ =	shalt  }
0x7f: {  	_ =	shalt  }
0x80: {  	_ =	shalt  }
0x81: {  	_ =	shalt  }
0x82: {  	_ =	shalt  }
0x83: {  	_ =	shalt  }
0x84: {  	_ =	shalt  }
0x85: {  	_ =	shalt  }
0x86: {  	_ =	shalt  }
0x87: {  	_ =	shalt  }
.Lfunc_end0:
.L_simem_size_0:
called_computation_lowered:
.L_overlay_start_0:
0x88: {  	s2 =	sld [smem:$0x3FD9]  }
0x89: {  	s3 =	sld [smem:$0x3FFE];
	_ =	sdelay $0x1  }
0x8a: {  	s1 =	srdreg.scid  }
0x8b: {  	s0 =	sand.u32 $0x1, s1  }
0x8c: {  	s14 =	sshll.u32 s0, $0xA;
	s2 =	sadd.s32 s3, s2  }
0x8d: {  	s2 =	sadd.s32 s2, s14  }
0x8e: {  	[smem:$0x3FC3] =	sst s2  }
0x8f: {  	_ = 	snop  }
0x90: {  	s2 =	sld [smem:$0x3FD0];
	_ =	sdelay $0x2  }
0x91: {  	s4 =	simm.s32 $0xA;
	s5 =	simm.s32 $0x10;
	s15 =	sld [smem:$0x3FC9]  }
0x92: {  	[smem:s5], [sflag:s4] =	dma.local [hbm:s2], $0x1  }
0x93: {  	_ =	swait.eq [sflag:s4], $0x1  }
0x94: {  	[sflag:s4] =	ssyncset.done $0x0  }
0x95: {  	[sflag:s4] =	ssyncadd.s32 $0xFFFFFFFF  }
0x96: {  	s16 =	sld [smem:$0x11];
	(tm) =	ssettm $0x1  }
0x97: {  	s17 =	sld [smem:$0x3FFB];
	_ =	sdelay $0x3  }
0x98: {  	_ =	strace s17  }
0x99: {  	s4 =	sld [smem:$0x3FFC];
	_ =	sdelay $0x3  }
0x9a: {  	_ =	strace s4  }
0x9b: {  	s4 =	sld [smem:$0x3FFD];
	_ =	sdelay $0x3  }
0x9c: {  	_ =	strace s4  }
0x9d: {  	_ =	strace $0x8FFFFFFF  }
0x9e: {  	s18 =	sld [smem:$0x3FDB];
	_ =	sdelay $0x1  }
0x9f: {  	s19 =	simm.s32 $_scs_section_size  }
0xa0: {  	s6 =	simm.s32 $_size__tile_overlayer_lowered;
	s7 =	simm.s32 $_tile_overlayer_lowered  }
0xa1: {  	s22 =	simm.s32 $0x1BFF;
	s21 =	sshll.u32 s7, $0x1;
	s4 =	sadd.s32 s19, s18  }
0xa2: {  	s8 =	simm.s32 $0x0;
	s20 =	sshll.u32 s6, $0x1;
	s6 =	sadd.s32 s21, s4  }
0xa3: {  	[timem:s8], [sflag:s22] =	dma.local [hbm:s6], s20  }
0xa4: {  	_ =	swait.ge [sflag:s22], s20  }
0xa5: {  	s5 =	ssub.s32 $0x0, s20;
	[sflag:s22] =	ssyncset.done $0x0  }
0xa6: {  	[sflag:s22] =	ssyncadd.s32 s5;
	_ =	sdelay $0x1  }
0xa7: {  	s23 =	simm.s32 $0x1B8B  }
0xa8: {  	_ =	swait.ge [sflag:s23], $0x1  }
0xa9: {  	[sflag:s23] =	ssyncset.done $0x0  }
0xaa: {  	s25 =	simm.s32 $0x1B8E;
	s24 =	sld [smem:$0x3FFE];
	[sflag:s23] =	ssyncadd.s32 $0xFFFFFFFF  }
0xab: {  	s26 =	simm.s32 $execute0_lowered;
	[smem:$0x3FD2] =	sst s25  }
0xac: {  	s6 =	sshll.u32 s26, $0x1;
	_ =	strace $0x80000046;
	[dreg:$0x1] =	wrdreg $0xFFFFFFFF  }
0xad: {  	s28 =	simm.s32 $_size_execute0_lowered;
	s4 =	sadd.s32 s4, s6;
	[dreg:$0x0] =	wrdreg $0x0  }
0xae: {  	s6 =	sshll.u32 s28, $0x1;
	[dreg:$0x2] =	wrdreg s4  }
0xaf: {  	[dreg:$0x3] =	wrdreg s6  }
0xb0: {  	[dreg:$0x4] =	wrdreg $0xC0  }
0xb1: {  	_ =	task [dreg:s8], $0x5FFFF  }
0xb2: {  	[dreg:$0x1] =	wrdreg $0xFFFFFFFF  }
0xb3: {  	[dreg:$0x0] =	wrdreg $0x60  }
0xb4: {  	[dreg:$0x2] =	wrdreg s15  }
0xb5: {  	[dreg:$0x3] =	wrdreg s16  }
0xb6: {  	[dreg:$0x4] =	wrdreg s24  }
0xb7: {  	[dreg:$0x5] =	wrdreg $0x78000  }
0xb8: {  	[dreg:$0x6] =	wrdreg $0x9  }
0xb9: {  	_ =	task.clear_ibuf [dreg:s8], $0x7FFFF;
	_ =	strace $0x90000046  }
0xba: {  	s29 =	simm.s32 $0x9;
	_ =	strace $0x80000048  }
0xbb: {  	_ =	swait.ge [sflag:s29], $0x1  }
0xbc: {  	[sflag:s29] =	ssyncadd.s32 $0xFFFFFFFF  }
0xbd: {  	_ =	strace $0x90000048  }
0xbe: {  	_ =	sfence  }
0xbf: {  	s30 =	sld [smem:$0x0];
	_ =	sdelay $0x2  }
0xc0: {  	s31 =	sshll.u32 s1, $0xD;
	s1 =	sshrl.u32 s1, $0x2  }
0xc1: {  	s3 =	sand.u32 $0x4000, s31;
	s1 =	sadd.s32 s1, s30  }
0xc2: {  	s0 =	sor.u32 s3, s0;
	s1 =	sshll.u32 s1, $0x11  }
0xc3: {  	s0 =	sor.u32 s1, s0  }
0xc4: {  	s0 =	sadd.s32 $0x8F2B, s0  }
0xc5: {  	[sflag:s0] =	ssyncadd.remote.s32 $0x1  }
0xc6: {  	_ =	sfence.sel $0xFFFF  }
0xc7: {  	[dreg:$0x0] =	wrdreg $0xFFFFFFFF;
	(pc) =	sbr.abs _section_cstart, $3  }
0xc8: {  	[dreg:$0x1] =	wrdreg $0xFFFFFFFF  }
0xc9: {  	_ =	task.clear_ibuf [dreg:s8], $0x2FFFF;
	_ =	strace $0x9FFFFFFF  }
0xca: {  	(tm) =	ssettm $0x7FFFFFFF  }
0xcb: {  	_ =	shalt  }
tec
execute0_lowered:
.L_overlay_start_1:
0x0: {  	(tag) =	ssettag $0x1  }
0x1: {  	s2 =	srdreg.scid  }
0x2: {  	s5 =	sand.u32 $0x1, s2  }
0x3: {  	s12 =	stileid.u32;
	s3 =	sshll.u32 s5, $0x4  }
0x4: {  	s0 =	rddreg [dreg:$0x0];
	s6 =	sor.u32 s12, s3  }
0x5: {  	s1 =	rddreg [dreg:$0x1];
	s10 =	smul.u32 $0x50000, s12;
	s8 =	sshrl.u32 s6, $0x3  }
0x6: {  	s4 =	rddreg [dreg:$0x2];
	s9 =	sshll.u32 s12, $0x7;
	s8 =	smul.u32 $0x14000, s8  }
0x7: {  	s2 =	rddreg [dreg:$0x3];
	s7 =	smul.u32 $0x28000, s5;
	s9 =	sand.u32 $0x380, s9  }
0x8: {  	s23 =	ssub.s32 $0x2, s5;
	s5 =	sshll.u32 s5, $0x15;
	s8 =	sor.u32 s9, s8  }
0x9: {  	s3 =	simm.s32 $0x0;
	s10 =	sshrl.u32 s10, $0x2;
	s8 =	sshrl.u32 s8, $0x3  }
0xa: {  	s7 =	sadd.s32 s7, s4;
	s8 =	sadd.s32 s8, s4;
	s4 =	sadd.s32 s10, s2  }
0xb: {  	s11 =	sshrl.u32 s23, $0x1;
	[smem:$0x7FF] =	sst s3;
	s10 =	sadd.s32 $0x2000, s4  }
0xc: {  	_ =	strace $0x80000047;
	s24 =	sadd.s32 $0x4000, s4;
	[dreg:$0x5] =	wrdreg s10  }
0xd: {  	s15 =	sshll.u32 s6, $0x11;
	s25 =	sadd.s32 $0x6000, s4;
	[dreg:$0x6] =	wrdreg s24  }
0xe: {  	s6 =	sshll.u32 s6, $0xB;
	s26 =	sadd.s32 $0x8000, s4;
	[dreg:$0x7] =	wrdreg s25  }
0xf: {  	s9 =	ssub.s32 s23, s11;
	s11 =	sadd.s32 $0xA000, s4;
	[dreg:$0x8] =	wrdreg s26  }
0x10: {  	s21 =	sadd.s32 $0x1200, s7;
	s13 =	sadd.s32 $0xC000, s4;
	[dreg:$0x9] =	wrdreg s11  }
0x11: {  	s23 =	smul.u32 $0x2800, s12;
	s14 =	sadd.s32 $0xE000, s4;
	[dreg:$0xa] =	wrdreg s13  }
0x12: {  	s7 =	simm.s32 $0x3000;
	s16 =	sadd.s32 $0x10000, s4;
	[dreg:$0xb] =	wrdreg s14  }
0x13: {  	s23 =	sadd.s32 s23, s21;
	s17 =	sadd.s32 $0x12000, s4;
	[dreg:$0xc] =	wrdreg s16  }
0x14: {  	s13 =	sadd.s32 s1, s6;
	s14 =	sadd.s32 s0, s15;
	[dreg:$0xd] =	wrdreg s17  }
0x15: {  	s0 =	sadd.s32 s5, s0;
	s24 =	sshll.u32 s12, $0x11;
	s25 =	sadd.s32 $0x51200, s8  }
0x16: {  	s26 =	smax.u32 s9, $0x1;
	s5 =	simm.s32 $0x1000;
	s6 =	simm.s32 $0x3  }
0x17: {  	s8 =	simm.s32 $0x1;
	s9 =	simm.s32 $0x40;
	s10 =	simm.s32 $0x5000  }
0x18: {  	s11 =	simm.s32 $0x2;
	s12 =	simm.s32 $0xF00;
	s15 =	simm.s32 $0xF80  }
0x19: {  	s16 =	simm.s32 $0x0;
	s18 =	sadd.s32 $0x400, s14;
	[dreg:$0x11] =	wrdreg s25  }
0x1a: {  	s19 =	sadd.s32 $0x200, s13;
	s20 =	sadd.s32 $0x8000, s14;
	[dreg:$0x12] =	wrdreg s26  }
0x1b: {  	s0 =	sadd.s32 s24, s0;
	s26 =	sadd.s32 $0x8400, s14;
	s28 =	sadd.s32 $0x400, s13  }
0x1c: {  	s29 =	sadd.s32 $0x10000, s14;
	s30 =	sadd.s32 $0x10400, s14;
	[dreg:$0xe] =	wrdreg s18  }
0x1d: {  	s31 =	sadd.s32 $0x600, s13;
	s1 =	sadd.s32 $0x18400, s14;
	[dreg:$0xf] =	wrdreg s19  }
0x1e: {  	[dreg:$0x10] =	wrdreg s20;
	s18 =	sadd.s32 $0xC00, s0;
	s22 =	sadd.s32 $0x8C00, s0  }
0x1f: {  	v0 =	vimm.f32 $0.0e+00;
	v1 =	vimm.f32 $1.000000000e+00;
	s24 =	sadd.s32 $0x10C00, s0;
	s25 =	sadd.s32 $0x18C00, s0;
	s0 =	sadd.s32 $0x18000, s14  }
.LBB2_1:
0x20: {  	s17 =	simm.s32 $0x0;
	s21 =	simm.s32 $0x200  }
.LBB2_2:
0x21: {  	p0 =	sne.s32 s21, $0x7E00;
	[tilespmem:s17+$0x1070] =	vst v0  }
0x22: {  	[tilespmem:s17+$0x1000] =	vst v0  }
0x23: {  	[tilespmem:s17+$0x1010] =	vst v0  }
.Ltmp0:
0x24: {  	[tilespmem:s17+$0x1020] =	vst v0;
	(pc) =	sbr.rel @p0 .LBB2_2-.Ltmp0, $4  }
0x25: {  	[tilespmem:s17+$0x1030] =	vst v0  }
0x26: {  	[tilespmem:s17+$0x1040] =	vst v0  }
0x27: {  	[tilespmem:s17+$0x1050] =	vst v0  }
0x28: {  	[tilespmem:s17+$0x1060] =	vst v0;
	s17 =	sshra.s32 s21, $0x2;
	s21 =	sadd.s32 $0x200, s21  }
0x29: {  	[tilespmem:s17+$0x1070] =	vst v0  }
0x2a: {  	[tilespmem:s17+$0x1000] =	vst v0  }
0x2b: {  	[tilespmem:s17+$0x1010] =	vst v0  }
0x2c: {  	[tilespmem:s17+$0x1020] =	vst v0  }
0x2d: {  	[tilespmem:s17+$0x1030] =	vst v0  }
0x2e: {  	[tilespmem:s17+$0x1040] =	vst v0  }
0x2f: {  	[tilespmem:s17+$0x1050] =	vst v0  }
0x30: {  	[tilespmem:s17+$0x1060] =	vst v0;
	s17 =	simm.s32 $0x40;
	s21 =	simm.s32 $0x0  }
.LBB2_4:
0x31: {  	p0 =	sne.s32 s17, $0x9FC0;
	[tilespmem:s21+$0x5000] =	vst v0;
	s21 =	smov.u32 s17;
	s17 =	sadd.s32 $0x40, s17  }
.Ltmp1:
0x32: {  	(pc) =	sbr.rel @p0 .LBB2_4-.Ltmp1, $2  }
0x33: {  	_ =	sdelay $0x2  }
0x34: {  	s21 =	sshra.s32 s21, $0x2  }
0x35: {  	[tilespmem:s21+$0x5000] =	vst v0  }
0x36: {  	[spmem:s4] =	stream.linear.scatter [tilespmem:s5], [sflag:$0x3], $0x2000, $0x38;
	[tilespmem:$0x1B800] =	vst v63  }
0x37: {  	_ =	swait.ge [sflag:s6], $0x2000  }
0x38: {  	[sflag:s6] =	ssyncset.done $0x0  }
0x39: {  	s17 =	rddreg [dreg:$0x5];
	[sflag:s6] =	ssyncadd.s32 $0xFFFFE000  }
0x3a: {  	[spmem:s17] =	stream.linear.scatter [tilespmem:s5], [sflag:$0x3], $0x2000, $0x38;
	[tilespmem:$0x1B800] =	vst v63  }
0x3b: {  	_ =	swait.ge [sflag:s6], $0x2000  }
0x3c: {  	[sflag:s6] =	ssyncset.done $0x0  }
0x3d: {  	s20 =	rddreg [dreg:$0x6];
	[sflag:s6] =	ssyncadd.s32 $0xFFFFE000  }
0x3e: {  	[spmem:s20] =	stream.linear.scatter [tilespmem:s5], [sflag:$0x3], $0x2000, $0x38;
	[tilespmem:$0x1B800] =	vst v63  }
0x3f: {  	_ =	swait.ge [sflag:s6], $0x2000  }
0x40: {  	[sflag:s6] =	ssyncset.done $0x0  }
0x41: {  	s21 =	rddreg [dreg:$0x7];
	[sflag:s6] =	ssyncadd.s32 $0xFFFFE000  }
0x42: {  	[spmem:s21] =	stream.linear.scatter [tilespmem:s5], [sflag:$0x3], $0x2000, $0x38;
	[tilespmem:$0x1B800] =	vst v63  }
0x43: {  	_ =	swait.ge [sflag:s6], $0x2000  }
0x44: {  	[sflag:s6] =	ssyncset.done $0x0  }
0x45: {  	s19 =	rddreg [dreg:$0x8];
	[sflag:s6] =	ssyncadd.s32 $0xFFFFE000  }
0x46: {  	[spmem:s19] =	stream.linear.scatter [tilespmem:s5], [sflag:$0x3], $0x2000, $0x38;
	[tilespmem:$0x1B800] =	vst v63  }
0x47: {  	_ =	swait.ge [sflag:s6], $0x2000  }
0x48: {  	[sflag:s6] =	ssyncset.done $0x0  }
0x49: {  	s20 =	rddreg [dreg:$0x9];
	[sflag:s6] =	ssyncadd.s32 $0xFFFFE000  }
0x4a: {  	[spmem:s20] =	stream.linear.scatter [tilespmem:s5], [sflag:$0x3], $0x2000, $0x38;
	[tilespmem:$0x1B800] =	vst v63  }
0x4b: {  	_ =	swait.ge [sflag:s6], $0x2000  }
0x4c: {  	[sflag:s6] =	ssyncset.done $0x0  }
0x4d: {  	s21 =	rddreg [dreg:$0xa];
	[sflag:s6] =	ssyncadd.s32 $0xFFFFE000  }
0x4e: {  	[spmem:s21] =	stream.linear.scatter [tilespmem:s5], [sflag:$0x3], $0x2000, $0x38;
	[tilespmem:$0x1B800] =	vst v63  }
0x4f: {  	_ =	swait.ge [sflag:s6], $0x2000  }
0x50: {  	[sflag:s6] =	ssyncset.done $0x0  }
0x51: {  	s19 =	rddreg [dreg:$0xb];
	[sflag:s6] =	ssyncadd.s32 $0xFFFFE000  }
0x52: {  	[spmem:s19] =	stream.linear.scatter [tilespmem:s5], [sflag:$0x3], $0x2000, $0x38;
	[tilespmem:$0x1B800] =	vst v63  }
0x53: {  	_ =	swait.ge [sflag:s6], $0x2000  }
0x54: {  	[sflag:s6] =	ssyncset.done $0x0  }
0x55: {  	s20 =	rddreg [dreg:$0xc];
	[sflag:s6] =	ssyncadd.s32 $0xFFFFE000  }
0x56: {  	[spmem:s20] =	stream.linear.scatter [tilespmem:s5], [sflag:$0x3], $0x2000, $0x38;
	[tilespmem:$0x1B800] =	vst v63  }
0x57: {  	_ =	swait.ge [sflag:s6], $0x2000  }
0x58: {  	[sflag:s6] =	ssyncset.done $0x0  }
0x59: {  	s21 =	rddreg [dreg:$0xd];
	[sflag:s6] =	ssyncadd.s32 $0xFFFFE000  }
0x5a: {  	[spmem:s21] =	stream.linear.scatter [tilespmem:s5], [sflag:$0x3], $0x2000, $0x38;
	[tilespmem:$0x1B800] =	vst v63  }
0x5b: {  	_ =	swait.ge [sflag:s6], $0x2000  }
0x5c: {  	[sflag:s6] =	ssyncset.done $0x0  }
0x5d: {  	[sflag:s6] =	ssyncadd.s32 $0xFFFFE000  }
0x5e: {  	s17 =	simm.s32 $0x0;
	[bflag:$0x0] =	sbarrier.arrive $0xFFFF  }
0x5f: {  	[tilespmem:s17], [sflag:$0x3] =	stream.linear.gather [hbm4b:s13+s17], $0x1000, $0x38;
	[tilespmem:$0x1B800] =	vst v63  }
0x60: {  	_ =	swait.ge [sflag:s6], $0x1000  }
0x61: {  	[sflag:s6] =	ssyncset.done $0x0  }
0x62: {  	[sflag:s6] =	ssyncadd.s32 $0xFFFFF000  }
0x63: {  	[tilespmem:s5], [sflag:$0x1] =	stream.linear.gather [hbm4b:s14+s17], $0x2000, $0x38;
	[tilespmem:$0x1B800] =	vst v63  }
0x64: {  	s21 =	smov.u32 s18;
	s19 =	rddreg [dreg:$0xe]  }
0x65: {  	[tilespmem:s7], [sflag:$0x2] =	stream.linear.gather [hbm4b:s19+s17], $0x2000, $0x38;
	[tilespmem:$0x1B800] =	vst v63  }
.LBB2_6:
0x66: {  	_ =	swait.ge [sflag:s8], $0x2000  }
0x67: {  	[sflag:s8] =	ssyncset.done $0x0  }
0x68: {  	s19 =	sshra.s32 s17, $0x2;
	[sflag:s8] =	ssyncadd.s32 $0xFFFFE000  }
0x69: {  	[spmem:s2] =	stream.indirect.scatter.add.f32 [tilespmem:s5], [sflag:$0x3], $0x80, s19, s9, $0xb8;
	[tilespmem:$0x1B800] =	vst v63  }
0x6a: {  	_ =	swait.ge [sflag:s6], $0x2000  }
0x6b: {  	[sflag:s6] =	ssyncset.done $0x0  }
0x6c: {  	[sflag:s6] =	ssyncadd.s32 $0xFFFFE000  }
0x6d: {  	v2 =	vld [tilespmem:s19+$0x0];
	_ =	sdelay $0x7  }
0x6e: {  	[tilespmem:v2+s10+$0x0] =	vst.idx.add.f32.msk $0xffff, v1  }
0x6f: {  	v2 =	vld [tilespmem:s19+$0x10];
	_ =	sdelay $0x7  }
0x70: {  	[tilespmem:v2+s10+$0x0] =	vst.idx.add.f32.msk $0xffff, v1  }
0x71: {  	v2 =	vld [tilespmem:s19+$0x20];
	_ =	sdelay $0x7  }
0x72: {  	[tilespmem:v2+s10+$0x0] =	vst.idx.add.f32.msk $0xffff, v1  }
0x73: {  	v2 =	vld [tilespmem:s19+$0x30];
	_ =	sdelay $0x7  }
0x74: {  	s20 =	sadd.s32 $0xFFFFFC00, s21;
	[tilespmem:v2+s10+$0x0] =	vst.idx.add.f32.msk $0xffff, v1  }
0x75: {  	[tilespmem:s5], [sflag:$0x1] =	stream.linear.gather [hbm4b:s20+s3], $0x2000, $0x38;
	[tilespmem:$0x1B800] =	vst v63  }
0x76: {  	_ =	swait.ge [sflag:s11], $0x2000  }
0x77: {  	[sflag:s11] =	ssyncset.done $0x0  }
0x78: {  	s20 =	sadd.s32 $0x80, s19;
	[sflag:s11] =	ssyncadd.s32 $0xFFFFE000  }
0x79: {  	[spmem:s2] =	stream.indirect.scatter.add.f32 [tilespmem:s7], [sflag:$0x3], $0x80, s20, s9, $0xb8;
	[tilespmem:$0x1B800] =	vst v63  }
0x7a: {  	_ =	swait.ge [sflag:s6], $0x2000  }
0x7b: {  	[sflag:s6] =	ssyncset.done $0x0  }
0x7c: {  	[sflag:s6] =	ssyncadd.s32 $0xFFFFE000  }
0x7d: {  	v2 =	vld [tilespmem:s19+$0x80];
	_ =	sdelay $0x7  }
0x7e: {  	[tilespmem:v2+s10+$0x0] =	vst.idx.add.f32.msk $0xffff, v1  }
0x7f: {  	v2 =	vld [tilespmem:s19+$0x90];
	_ =	sdelay $0x7  }
0x80: {  	[tilespmem:v2+s10+$0x0] =	vst.idx.add.f32.msk $0xffff, v1  }
0x81: {  	v2 =	vld [tilespmem:s19+$0xA0];
	_ =	sdelay $0x7  }
0x82: {  	[tilespmem:v2+s10+$0x0] =	vst.idx.add.f32.msk $0xffff, v1  }
0x83: {  	v2 =	vld [tilespmem:s19+$0xB0];
	_ =	sdelay $0x4  }
0x84: {  	p0 =	sne.s32 s17, $0x3800  }
.Ltmp2:
0x85: {  	_ = 	snop;
	(pc) =	sbr.rel @p0 .LBB2_6-.Ltmp2, $4  }
0x86: {  	_ = 	snop  }
0x87: {  	[tilespmem:v2+s10+$0x0] =	vst.idx.add.f32.msk $0xffff, v1  }
0x88: {  	[tilespmem:s7], [sflag:$0x2] =	stream.linear.gather [hbm4b:s21+s3], $0x2000, $0x38;
	[tilespmem:$0x1B800] =	vst v63  }
0x89: {  	s17 =	sadd.s32 $0x400, s17;
	s21 =	sadd.s32 $0x800, s21  }
0x8a: {  	_ =	swait.ge [sflag:s8], $0x2000  }
0x8b: {  	[sflag:s8] =	ssyncset.done $0x0  }
0x8c: {  	[sflag:s8] =	ssyncadd.s32 $0xFFFFE000  }
0x8d: {  	[spmem:s2] =	stream.indirect.scatter.add.f32 [tilespmem:s5], [sflag:$0x3], $0x80, s12, s9, $0xb8;
	[tilespmem:$0x1B800] =	vst v63  }
0x8e: {  	_ =	swait.ge [sflag:s6], $0x2000  }
0x8f: {  	[sflag:s6] =	ssyncset.done $0x0  }
0x90: {  	[sflag:s6] =	ssyncadd.s32 $0xFFFFE000  }
0x91: {  	v2 =	vld [tilespmem:$0xF00];
	_ =	sdelay $0x7  }
0x92: {  	[tilespmem:v2+s10+$0x0] =	vst.idx.add.f32.msk $0xffff, v1  }
0x93: {  	v2 =	vld [tilespmem:$0xF10];
	_ =	sdelay $0x7  }
0x94: {  	[tilespmem:v2+s10+$0x0] =	vst.idx.add.f32.msk $0xffff, v1  }
0x95: {  	v2 =	vld [tilespmem:$0xF20];
	_ =	sdelay $0x7  }
0x96: {  	[tilespmem:v2+s10+$0x0] =	vst.idx.add.f32.msk $0xffff, v1  }
0x97: {  	v2 =	vld [tilespmem:$0xF30];
	_ =	sdelay $0x7  }
0x98: {  	[tilespmem:v2+s10+$0x0] =	vst.idx.add.f32.msk $0xffff, v1  }
0x99: {  	_ =	swait.ge [sflag:s11], $0x2000  }
0x9a: {  	[sflag:s11] =	ssyncset.done $0x0  }
0x9b: {  	[sflag:s11] =	ssyncadd.s32 $0xFFFFE000  }
0x9c: {  	[spmem:s2] =	stream.indirect.scatter.add.f32 [tilespmem:s7], [sflag:$0x3], $0x80, s15, s9, $0xb8;
	[tilespmem:$0x1B800] =	vst v63  }
0x9d: {  	_ =	swait.ge [sflag:s6], $0x2000  }
0x9e: {  	[sflag:s6] =	ssyncset.done $0x0  }
0x9f: {  	[sflag:s6] =	ssyncadd.s32 $0xFFFFE000  }
0xa0: {  	v2 =	vld [tilespmem:$0xF80];
	_ =	sdelay $0x7  }
0xa1: {  	[tilespmem:v2+s10+$0x0] =	vst.idx.add.f32.msk $0xffff, v1  }
0xa2: {  	v2 =	vld [tilespmem:$0xF90];
	_ =	sdelay $0x7  }
0xa3: {  	[tilespmem:v2+s10+$0x0] =	vst.idx.add.f32.msk $0xffff, v1  }
0xa4: {  	v2 =	vld [tilespmem:$0xFA0];
	_ =	sdelay $0x7  }
0xa5: {  	[tilespmem:v2+s10+$0x0] =	vst.idx.add.f32.msk $0xffff, v1  }
0xa6: {  	v2 =	vld [tilespmem:$0xFB0];
	_ =	sdelay $0x7  }
0xa7: {  	s17 =	simm.s32 $0x0;
	s19 =	rddreg [dreg:$0xf];
	[tilespmem:v2+s10+$0x0] =	vst.idx.add.f32.msk $0xffff, v1  }
0xa8: {  	[tilespmem:s17], [sflag:$0x3] =	stream.linear.gather [hbm4b:s19+s17], $0x1000, $0x38;
	[tilespmem:$0x1B800] =	vst v63  }
0xa9: {  	_ =	swait.ge [sflag:s6], $0x1000  }
0xaa: {  	[sflag:s6] =	ssyncset.done $0x0  }
0xab: {  	s21 =	rddreg [dreg:$0x10];
	[sflag:s6] =	ssyncadd.s32 $0xFFFFF000  }
0xac: {  	[tilespmem:s5], [sflag:$0x1] =	stream.linear.gather [hbm4b:s21+s17], $0x2000, $0x38;
	[tilespmem:$0x1B800] =	vst v63  }
0xad: {  	s21 =	smov.u32 s22  }
0xae: {  	[tilespmem:s7], [sflag:$0x2] =	stream.linear.gather [hbm4b:s26+s17], $0x2000, $0x38;
	[tilespmem:$0x1B800] =	vst v63  }
.LBB2_8:
0xaf: {  	_ =	swait.ge [sflag:s8], $0x2000  }
0xb0: {  	[sflag:s8] =	ssyncset.done $0x0  }
0xb1: {  	s19 =	sshra.s32 s17, $0x2;
	[sflag:s8] =	ssyncadd.s32 $0xFFFFE000  }
0xb2: {  	[spmem:s2] =	stream.indirect.scatter.add.f32 [tilespmem:s5], [sflag:$0x3], $0x80, s19, s9, $0xb8;
	[tilespmem:$0x1B800] =	vst v63  }
0xb3: {  	_ =	swait.ge [sflag:s6], $0x2000  }
0xb4: {  	[sflag:s6] =	ssyncset.done $0x0  }
0xb5: {  	[sflag:s6] =	ssyncadd.s32 $0xFFFFE000  }
0xb6: {  	v2 =	vld [tilespmem:s19+$0x0];
	_ =	sdelay $0x7  }
0xb7: {  	[tilespmem:v2+s10+$0x0] =	vst.idx.add.f32.msk $0xffff, v1  }
0xb8: {  	v2 =	vld [tilespmem:s19+$0x10];
	_ =	sdelay $0x7  }
0xb9: {  	[tilespmem:v2+s10+$0x0] =	vst.idx.add.f32.msk $0xffff, v1  }
0xba: {  	v2 =	vld [tilespmem:s19+$0x20];
	_ =	sdelay $0x7  }
0xbb: {  	[tilespmem:v2+s10+$0x0] =	vst.idx.add.f32.msk $0xffff, v1  }
0xbc: {  	v2 =	vld [tilespmem:s19+$0x30];
	_ =	sdelay $0x7  }
0xbd: {  	s20 =	sadd.s32 $0xFFFFFC00, s21;
	[tilespmem:v2+s10+$0x0] =	vst.idx.add.f32.msk $0xffff, v1  }
0xbe: {  	[tilespmem:s5], [sflag:$0x1] =	stream.linear.gather [hbm4b:s20+s3], $0x2000, $0x38;
	[tilespmem:$0x1B800] =	vst v63  }
0xbf: {  	_ =	swait.ge [sflag:s11], $0x2000  }
0xc0: {  	[sflag:s11] =	ssyncset.done $0x0  }
0xc1: {  	s20 =	sadd.s32 $0x80, s19;
	[sflag:s11] =	ssyncadd.s32 $0xFFFFE000  }
0xc2: {  	[spmem:s2] =	stream.indirect.scatter.add.f32 [tilespmem:s7], [sflag:$0x3], $0x80, s20, s9, $0xb8;
	[tilespmem:$0x1B800] =	vst v63  }
0xc3: {  	_ =	swait.ge [sflag:s6], $0x2000  }
0xc4: {  	[sflag:s6] =	ssyncset.done $0x0  }
0xc5: {  	[sflag:s6] =	ssyncadd.s32 $0xFFFFE000  }
0xc6: {  	v2 =	vld [tilespmem:s19+$0x80];
	_ =	sdelay $0x7  }
0xc7: {  	[tilespmem:v2+s10+$0x0] =	vst.idx.add.f32.msk $0xffff, v1  }
0xc8: {  	v2 =	vld [tilespmem:s19+$0x90];
	_ =	sdelay $0x7  }
0xc9: {  	[tilespmem:v2+s10+$0x0] =	vst.idx.add.f32.msk $0xffff, v1  }
0xca: {  	v2 =	vld [tilespmem:s19+$0xA0];
	_ =	sdelay $0x7  }
0xcb: {  	[tilespmem:v2+s10+$0x0] =	vst.idx.add.f32.msk $0xffff, v1  }
0xcc: {  	v2 =	vld [tilespmem:s19+$0xB0];
	_ =	sdelay $0x4  }
0xcd: {  	p0 =	sne.s32 s17, $0x3800  }
.Ltmp3:
0xce: {  	_ = 	snop;
	(pc) =	sbr.rel @p0 .LBB2_8-.Ltmp3, $4  }
0xcf: {  	_ = 	snop  }
0xd0: {  	[tilespmem:v2+s10+$0x0] =	vst.idx.add.f32.msk $0xffff, v1  }
0xd1: {  	[tilespmem:s7], [sflag:$0x2] =	stream.linear.gather [hbm4b:s21+s3], $0x2000, $0x38;
	[tilespmem:$0x1B800] =	vst v63  }
0xd2: {  	s17 =	sadd.s32 $0x400, s17;
	s21 =	sadd.s32 $0x800, s21  }
0xd3: {  	_ =	swait.ge [sflag:s8], $0x2000  }
0xd4: {  	[sflag:s8] =	ssyncset.done $0x0  }
0xd5: {  	[sflag:s8] =	ssyncadd.s32 $0xFFFFE000  }
0xd6: {  	[spmem:s2] =	stream.indirect.scatter.add.f32 [tilespmem:s5], [sflag:$0x3], $0x80, s12, s9, $0xb8;
	[tilespmem:$0x1B800] =	vst v63  }
0xd7: {  	_ =	swait.ge [sflag:s6], $0x2000  }
0xd8: {  	[sflag:s6] =	ssyncset.done $0x0  }
0xd9: {  	[sflag:s6] =	ssyncadd.s32 $0xFFFFE000  }
0xda: {  	v2 =	vld [tilespmem:$0xF00];
	_ =	sdelay $0x7  }
0xdb: {  	[tilespmem:v2+s10+$0x0] =	vst.idx.add.f32.msk $0xffff, v1  }
0xdc: {  	v2 =	vld [tilespmem:$0xF10];
	_ =	sdelay $0x7  }
0xdd: {  	[tilespmem:v2+s10+$0x0] =	vst.idx.add.f32.msk $0xffff, v1  }
0xde: {  	v2 =	vld [tilespmem:$0xF20];
	_ =	sdelay $0x7  }
0xdf: {  	[tilespmem:v2+s10+$0x0] =	vst.idx.add.f32.msk $0xffff, v1  }
0xe0: {  	v2 =	vld [tilespmem:$0xF30];
	_ =	sdelay $0x7  }
0xe1: {  	[tilespmem:v2+s10+$0x0] =	vst.idx.add.f32.msk $0xffff, v1  }
0xe2: {  	_ =	swait.ge [sflag:s11], $0x2000  }
0xe3: {  	[sflag:s11] =	ssyncset.done $0x0  }
0xe4: {  	[sflag:s11] =	ssyncadd.s32 $0xFFFFE000  }
0xe5: {  	[spmem:s2] =	stream.indirect.scatter.add.f32 [tilespmem:s7], [sflag:$0x3], $0x80, s15, s9, $0xb8;
	[tilespmem:$0x1B800] =	vst v63  }
0xe6: {  	_ =	swait.ge [sflag:s6], $0x2000  }
0xe7: {  	[sflag:s6] =	ssyncset.done $0x0  }
0xe8: {  	[sflag:s6] =	ssyncadd.s32 $0xFFFFE000  }
0xe9: {  	v2 =	vld [tilespmem:$0xF80];
	_ =	sdelay $0x7  }
0xea: {  	[tilespmem:v2+s10+$0x0] =	vst.idx.add.f32.msk $0xffff, v1  }
0xeb: {  	v2 =	vld [tilespmem:$0xF90];
	_ =	sdelay $0x7  }
0xec: {  	[tilespmem:v2+s10+$0x0] =	vst.idx.add.f32.msk $0xffff, v1  }
0xed: {  	v2 =	vld [tilespmem:$0xFA0];
	_ =	sdelay $0x7  }
0xee: {  	[tilespmem:v2+s10+$0x0] =	vst.idx.add.f32.msk $0xffff, v1  }
0xef: {  	v2 =	vld [tilespmem:$0xFB0];
	_ =	sdelay $0x7  }
0xf0: {  	s17 =	simm.s32 $0x0;
	[tilespmem:v2+s10+$0x0] =	vst.idx.add.f32.msk $0xffff, v1  }
0xf1: {  	[tilespmem:s17], [sflag:$0x3] =	stream.linear.gather [hbm4b:s28+s17], $0x1000, $0x38;
	[tilespmem:$0x1B800] =	vst v63  }
0xf2: {  	_ =	swait.ge [sflag:s6], $0x1000  }
0xf3: {  	[sflag:s6] =	ssyncset.done $0x0  }
0xf4: {  	[sflag:s6] =	ssyncadd.s32 $0xFFFFF000  }
0xf5: {  	[tilespmem:s5], [sflag:$0x1] =	stream.linear.gather [hbm4b:s29+s17], $0x2000, $0x38;
	[tilespmem:$0x1B800] =	vst v63  }
0xf6: {  	s21 =	smov.u32 s24  }
0xf7: {  	[tilespmem:s7], [sflag:$0x2] =	stream.linear.gather [hbm4b:s30+s17], $0x2000, $0x38;
	[tilespmem:$0x1B800] =	vst v63  }
.LBB2_10:
0xf8: {  	_ =	swait.ge [sflag:s8], $0x2000  }
0xf9: {  	[sflag:s8] =	ssyncset.done $0x0  }
0xfa: {  	s19 =	sshra.s32 s17, $0x2;
	[sflag:s8] =	ssyncadd.s32 $0xFFFFE000  }
0xfb: {  	[spmem:s2] =	stream.indirect.scatter.add.f32 [tilespmem:s5], [sflag:$0x3], $0x80, s19, s9, $0xb8;
	[tilespmem:$0x1B800] =	vst v63  }
0xfc: {  	_ =	swait.ge [sflag:s6], $0x2000  }
0xfd: {  	[sflag:s6] =	ssyncset.done $0x0  }
0xfe: {  	[sflag:s6] =	ssyncadd.s32 $0xFFFFE000  }
0xff: {  	v2 =	vld [tilespmem:s19+$0x0];
	_ =	sdelay $0x7  }
0x100: {  	[tilespmem:v2+s10+$0x0] =	vst.idx.add.f32.msk $0xffff, v1  }
0x101: {  	v2 =	vld [tilespmem:s19+$0x10];
	_ =	sdelay $0x7  }
0x102: {  	[tilespmem:v2+s10+$0x0] =	vst.idx.add.f32.msk $0xffff, v1  }
0x103: {  	v2 =	vld [tilespmem:s19+$0x20];
	_ =	sdelay $0x7  }
0x104: {  	[tilespmem:v2+s10+$0x0] =	vst.idx.add.f32.msk $0xffff, v1  }
0x105: {  	v2 =	vld [tilespmem:s19+$0x30];
	_ =	sdelay $0x7  }
0x106: {  	s20 =	sadd.s32 $0xFFFFFC00, s21;
	[tilespmem:v2+s10+$0x0] =	vst.idx.add.f32.msk $0xffff, v1  }
0x107: {  	[tilespmem:s5], [sflag:$0x1] =	stream.linear.gather [hbm4b:s20+s3], $0x2000, $0x38;
	[tilespmem:$0x1B800] =	vst v63  }
0x108: {  	_ =	swait.ge [sflag:s11], $0x2000  }
0x109: {  	[sflag:s11] =	ssyncset.done $0x0  }
0x10a: {  	s20 =	sadd.s32 $0x80, s19;
	[sflag:s11] =	ssyncadd.s32 $0xFFFFE000  }
0x10b: {  	[spmem:s2] =	stream.indirect.scatter.add.f32 [tilespmem:s7], [sflag:$0x3], $0x80, s20, s9, $0xb8;
	[tilespmem:$0x1B800] =	vst v63  }
0x10c: {  	_ =	swait.ge [sflag:s6], $0x2000  }
0x10d: {  	[sflag:s6] =	ssyncset.done $0x0  }
0x10e: {  	[sflag:s6] =	ssyncadd.s32 $0xFFFFE000  }
0x10f: {  	v2 =	vld [tilespmem:s19+$0x80];
	_ =	sdelay $0x7  }
0x110: {  	[tilespmem:v2+s10+$0x0] =	vst.idx.add.f32.msk $0xffff, v1  }
0x111: {  	v2 =	vld [tilespmem:s19+$0x90];
	_ =	sdelay $0x7  }
0x112: {  	[tilespmem:v2+s10+$0x0] =	vst.idx.add.f32.msk $0xffff, v1  }
0x113: {  	v2 =	vld [tilespmem:s19+$0xA0];
	_ =	sdelay $0x7  }
0x114: {  	[tilespmem:v2+s10+$0x0] =	vst.idx.add.f32.msk $0xffff, v1  }
0x115: {  	v2 =	vld [tilespmem:s19+$0xB0];
	_ =	sdelay $0x4  }
0x116: {  	p0 =	sne.s32 s17, $0x3800  }
.Ltmp4:
0x117: {  	_ = 	snop;
	(pc) =	sbr.rel @p0 .LBB2_10-.Ltmp4, $4  }
0x118: {  	_ = 	snop  }
0x119: {  	[tilespmem:v2+s10+$0x0] =	vst.idx.add.f32.msk $0xffff, v1  }
0x11a: {  	[tilespmem:s7], [sflag:$0x2] =	stream.linear.gather [hbm4b:s21+s3], $0x2000, $0x38;
	[tilespmem:$0x1B800] =	vst v63  }
0x11b: {  	s17 =	sadd.s32 $0x400, s17;
	s21 =	sadd.s32 $0x800, s21  }
0x11c: {  	_ =	swait.ge [sflag:s8], $0x2000  }
0x11d: {  	[sflag:s8] =	ssyncset.done $0x0  }
0x11e: {  	[sflag:s8] =	ssyncadd.s32 $0xFFFFE000  }
0x11f: {  	[spmem:s2] =	stream.indirect.scatter.add.f32 [tilespmem:s5], [sflag:$0x3], $0x80, s12, s9, $0xb8;
	[tilespmem:$0x1B800] =	vst v63  }
0x120: {  	_ =	swait.ge [sflag:s6], $0x2000  }
0x121: {  	[sflag:s6] =	ssyncset.done $0x0  }
0x122: {  	[sflag:s6] =	ssyncadd.s32 $0xFFFFE000  }
0x123: {  	v2 =	vld [tilespmem:$0xF00];
	_ =	sdelay $0x7  }
0x124: {  	[tilespmem:v2+s10+$0x0] =	vst.idx.add.f32.msk $0xffff, v1  }
0x125: {  	v2 =	vld [tilespmem:$0xF10];
	_ =	sdelay $0x7  }
0x126: {  	[tilespmem:v2+s10+$0x0] =	vst.idx.add.f32.msk $0xffff, v1  }
0x127: {  	v2 =	vld [tilespmem:$0xF20];
	_ =	sdelay $0x7  }
0x128: {  	[tilespmem:v2+s10+$0x0] =	vst.idx.add.f32.msk $0xffff, v1  }
0x129: {  	v2 =	vld [tilespmem:$0xF30];
	_ =	sdelay $0x7  }
0x12a: {  	[tilespmem:v2+s10+$0x0] =	vst.idx.add.f32.msk $0xffff, v1  }
0x12b: {  	_ =	swait.ge [sflag:s11], $0x2000  }
0x12c: {  	[sflag:s11] =	ssyncset.done $0x0  }
0x12d: {  	[sflag:s11] =	ssyncadd.s32 $0xFFFFE000  }
0x12e: {  	[spmem:s2] =	stream.indirect.scatter.add.f32 [tilespmem:s7], [sflag:$0x3], $0x80, s15, s9, $0xb8;
	[tilespmem:$0x1B800] =	vst v63  }
0x12f: {  	_ =	swait.ge [sflag:s6], $0x2000  }
0x130: {  	[sflag:s6] =	ssyncset.done $0x0  }
0x131: {  	[sflag:s6] =	ssyncadd.s32 $0xFFFFE000  }
0x132: {  	v2 =	vld [tilespmem:$0xF80];
	_ =	sdelay $0x7  }
0x133: {  	[tilespmem:v2+s10+$0x0] =	vst.idx.add.f32.msk $0xffff, v1  }
0x134: {  	v2 =	vld [tilespmem:$0xF90];
	_ =	sdelay $0x7  }
0x135: {  	[tilespmem:v2+s10+$0x0] =	vst.idx.add.f32.msk $0xffff, v1  }
0x136: {  	v2 =	vld [tilespmem:$0xFA0];
	_ =	sdelay $0x7  }
0x137: {  	[tilespmem:v2+s10+$0x0] =	vst.idx.add.f32.msk $0xffff, v1  }
0x138: {  	v2 =	vld [tilespmem:$0xFB0];
	_ =	sdelay $0x7  }
0x139: {  	s17 =	simm.s32 $0x0;
	[tilespmem:v2+s10+$0x0] =	vst.idx.add.f32.msk $0xffff, v1  }
0x13a: {  	[tilespmem:s17], [sflag:$0x3] =	stream.linear.gather [hbm4b:s31+s17], $0x1000, $0x38;
	[tilespmem:$0x1B800] =	vst v63  }
0x13b: {  	_ =	swait.ge [sflag:s6], $0x1000  }
0x13c: {  	[sflag:s6] =	ssyncset.done $0x0  }
0x13d: {  	[sflag:s6] =	ssyncadd.s32 $0xFFFFF000  }
0x13e: {  	[tilespmem:s5], [sflag:$0x1] =	stream.linear.gather [hbm4b:s0+s17], $0x2000, $0x38;
	[tilespmem:$0x1B800] =	vst v63  }
0x13f: {  	s21 =	smov.u32 s25  }
0x140: {  	[tilespmem:s7], [sflag:$0x2] =	stream.linear.gather [hbm4b:s1+s17], $0x2000, $0x38;
	[tilespmem:$0x1B800] =	vst v63  }
.LBB2_12:
0x141: {  	_ =	swait.ge [sflag:s8], $0x2000  }
0x142: {  	[sflag:s8] =	ssyncset.done $0x0  }
0x143: {  	s19 =	sshra.s32 s17, $0x2;
	[sflag:s8] =	ssyncadd.s32 $0xFFFFE000  }
0x144: {  	[spmem:s2] =	stream.indirect.scatter.add.f32 [tilespmem:s5], [sflag:$0x3], $0x80, s19, s9, $0xb8;
	[tilespmem:$0x1B800] =	vst v63  }
0x145: {  	_ =	swait.ge [sflag:s6], $0x2000  }
0x146: {  	[sflag:s6] =	ssyncset.done $0x0  }
0x147: {  	[sflag:s6] =	ssyncadd.s32 $0xFFFFE000  }
0x148: {  	v2 =	vld [tilespmem:s19+$0x0];
	_ =	sdelay $0x7  }
0x149: {  	[tilespmem:v2+s10+$0x0] =	vst.idx.add.f32.msk $0xffff, v1  }
0x14a: {  	v2 =	vld [tilespmem:s19+$0x10];
	_ =	sdelay $0x7  }
0x14b: {  	[tilespmem:v2+s10+$0x0] =	vst.idx.add.f32.msk $0xffff, v1  }
0x14c: {  	v2 =	vld [tilespmem:s19+$0x20];
	_ =	sdelay $0x7  }
0x14d: {  	[tilespmem:v2+s10+$0x0] =	vst.idx.add.f32.msk $0xffff, v1  }
0x14e: {  	v2 =	vld [tilespmem:s19+$0x30];
	_ =	sdelay $0x7  }
0x14f: {  	s20 =	sadd.s32 $0xFFFFFC00, s21;
	[tilespmem:v2+s10+$0x0] =	vst.idx.add.f32.msk $0xffff, v1  }
0x150: {  	[tilespmem:s5], [sflag:$0x1] =	stream.linear.gather [hbm4b:s20+s3], $0x2000, $0x38;
	[tilespmem:$0x1B800] =	vst v63  }
0x151: {  	_ =	swait.ge [sflag:s11], $0x2000  }
0x152: {  	[sflag:s11] =	ssyncset.done $0x0  }
0x153: {  	s20 =	sadd.s32 $0x80, s19;
	[sflag:s11] =	ssyncadd.s32 $0xFFFFE000  }
0x154: {  	[spmem:s2] =	stream.indirect.scatter.add.f32 [tilespmem:s7], [sflag:$0x3], $0x80, s20, s9, $0xb8;
	[tilespmem:$0x1B800] =	vst v63  }
0x155: {  	_ =	swait.ge [sflag:s6], $0x2000  }
0x156: {  	[sflag:s6] =	ssyncset.done $0x0  }
0x157: {  	[sflag:s6] =	ssyncadd.s32 $0xFFFFE000  }
0x158: {  	v2 =	vld [tilespmem:s19+$0x80];
	_ =	sdelay $0x7  }
0x159: {  	[tilespmem:v2+s10+$0x0] =	vst.idx.add.f32.msk $0xffff, v1  }
0x15a: {  	v2 =	vld [tilespmem:s19+$0x90];
	_ =	sdelay $0x7  }
0x15b: {  	[tilespmem:v2+s10+$0x0] =	vst.idx.add.f32.msk $0xffff, v1  }
0x15c: {  	v2 =	vld [tilespmem:s19+$0xA0];
	_ =	sdelay $0x7  }
0x15d: {  	[tilespmem:v2+s10+$0x0] =	vst.idx.add.f32.msk $0xffff, v1  }
0x15e: {  	v2 =	vld [tilespmem:s19+$0xB0];
	_ =	sdelay $0x4  }
0x15f: {  	p0 =	sne.s32 s17, $0x3800  }
.Ltmp5:
0x160: {  	_ = 	snop;
	(pc) =	sbr.rel @p0 .LBB2_12-.Ltmp5, $4  }
0x161: {  	_ = 	snop  }
0x162: {  	[tilespmem:v2+s10+$0x0] =	vst.idx.add.f32.msk $0xffff, v1  }
0x163: {  	[tilespmem:s7], [sflag:$0x2] =	stream.linear.gather [hbm4b:s21+s3], $0x2000, $0x38;
	[tilespmem:$0x1B800] =	vst v63  }
0x164: {  	s17 =	sadd.s32 $0x400, s17;
	s21 =	sadd.s32 $0x800, s21  }
0x165: {  	_ =	swait.ge [sflag:s8], $0x2000  }
0x166: {  	[sflag:s8] =	ssyncset.done $0x0  }
0x167: {  	[sflag:s8] =	ssyncadd.s32 $0xFFFFE000  }
0x168: {  	[spmem:s2] =	stream.indirect.scatter.add.f32 [tilespmem:s5], [sflag:$0x3], $0x80, s12, s9, $0xb8;
	[tilespmem:$0x1B800] =	vst v63  }
0x169: {  	_ =	swait.ge [sflag:s6], $0x2000  }
0x16a: {  	[sflag:s6] =	ssyncset.done $0x0  }
0x16b: {  	[sflag:s6] =	ssyncadd.s32 $0xFFFFE000  }
0x16c: {  	v2 =	vld [tilespmem:$0xF00];
	_ =	sdelay $0x7  }
0x16d: {  	[tilespmem:v2+s10+$0x0] =	vst.idx.add.f32.msk $0xffff, v1  }
0x16e: {  	v2 =	vld [tilespmem:$0xF10];
	_ =	sdelay $0x7  }
0x16f: {  	[tilespmem:v2+s10+$0x0] =	vst.idx.add.f32.msk $0xffff, v1  }
0x170: {  	v2 =	vld [tilespmem:$0xF20];
	_ =	sdelay $0x7  }
0x171: {  	[tilespmem:v2+s10+$0x0] =	vst.idx.add.f32.msk $0xffff, v1  }
0x172: {  	v2 =	vld [tilespmem:$0xF30];
	_ =	sdelay $0x7  }
0x173: {  	[tilespmem:v2+s10+$0x0] =	vst.idx.add.f32.msk $0xffff, v1  }
0x174: {  	_ =	swait.ge [sflag:s11], $0x2000  }
0x175: {  	[sflag:s11] =	ssyncset.done $0x0  }
0x176: {  	[sflag:s11] =	ssyncadd.s32 $0xFFFFE000  }
0x177: {  	[spmem:s2] =	stream.indirect.scatter.add.f32 [tilespmem:s7], [sflag:$0x3], $0x80, s15, s9, $0xb8;
	[tilespmem:$0x1B800] =	vst v63  }
0x178: {  	_ =	swait.ge [sflag:s6], $0x2000  }
0x179: {  	[sflag:s6] =	ssyncset.done $0x0  }
0x17a: {  	[sflag:s6] =	ssyncadd.s32 $0xFFFFE000  }
0x17b: {  	v2 =	vld [tilespmem:$0xF80];
	_ =	sdelay $0x7  }
0x17c: {  	[tilespmem:v2+s10+$0x0] =	vst.idx.add.f32.msk $0xffff, v1  }
0x17d: {  	v2 =	vld [tilespmem:$0xF90];
	_ =	sdelay $0x7  }
0x17e: {  	[tilespmem:v2+s10+$0x0] =	vst.idx.add.f32.msk $0xffff, v1  }
0x17f: {  	v2 =	vld [tilespmem:$0xFA0];
	_ =	sdelay $0x7  }
0x180: {  	[tilespmem:v2+s10+$0x0] =	vst.idx.add.f32.msk $0xffff, v1  }
0x181: {  	v2 =	vld [tilespmem:$0xFB0];
	_ =	sdelay $0x6  }
0x182: {  	s17 =	stileid.u32  }
0x183: {  	s17 =	sshll.u32 s17, $0x6;
	[tilespmem:v2+s10+$0x0] =	vst.idx.add.f32.msk $0xffff, v1  }
0x184: {  	s19 =	sshrl.u32 s4, $0x3;
	s17 =	sor.u32 $0x1C03, s17;
	[bflag:$0x0] =	sbarrier.arrive $0xFFFF  }
0x185: {  	[hbm:s23], [sflag:s17] =	dma.local [spmem:s19], $0x2800  }
0x186: {  	_ =	swait.ge [sflag:s6], $0x2800  }
0x187: {  	s21 =	simm.s32 $0x80;
	[sflag:s6] =	ssyncset.done $0x0  }
0x188: {  	s20 =	simm.s32 $0x400;
	s19 =	rddreg [dreg:$0x11];
	[sflag:s6] =	ssyncadd.s32 $0xFFFFD800  }
0x189: {  	[hbm4b:s19+s21] =	stream.strided.scatter [tilespmem:s10], [sflag:$0x3], $0x2800, s20, s21, $0x38;
	[tilespmem:$0x1B800] =	vst v63  }
0x18a: {  	_ =	swait.ge [sflag:s6], $0x2800  }
0x18b: {  	s16 =	sadd.s32 $0x1, s16;
	s21 =	rddreg [dreg:$0x12]  }
0x18c: {  	p0 =	sne.s32 s16, s21  }
.Ltmp6:
0x18d: {  	_ = 	snop;
	(pc) =	sbr.rel @p0 .LBB2_1-.Ltmp6, $3  }
0x18e: {  	_ =	sdelay $0x1  }
0x18f: {  	[sflag:s6] =	ssyncset.done $0x0  }
0x190: {  	[sflag:s6] =	ssyncadd.s32 $0xFFFFD800  }
0x191: {  	_ =	sfence.sel $0x180000  }
0x192: {  	[bflag:$0x0] =	sbarrier.arrive $0xFFFF  }
0x193: {  	_ =	strace $0x90000047  }
0x194: {  	s0 =	stileid.u32;
	[bflag:$0x2] =	sbarrier.arrive $0xFFFF  }
0x195: {  	p0 =	sne.s32 s0, $0x0;
	s0 =	rddreg [dreg:$0x4]  }
0x196: {  	s0 =	sadd.s32 @!p0 $0x100000, s0  }
0x197: {  	[sflag:s0] =	ssyncadd.tile.s32 @!p0 $0x1;
	_ =	shalt  }
.Lfunc_end2:
_tile_overlayer_lowered:
.L_overlay_start_2:
0x198: {  	(tag) =	ssettag $0x2  }
0x199: {  	s0 =	rddreg [dreg:$0x0];
	s2 =	stileid.u32  }
0x19a: {  	s1 =	rddreg [dreg:$0x1];
	p0 =	sne.s32 s2, $0x0  }
0x19b: {  	s3 =	rddreg [dreg:$0x2];
	[bflag:$0x3] =	sbarrier.arrive $0xFFFF;
	s2 =	simm.s32 @!p0 $0x1C03  }
0x19c: {  	[timem:s3], [sflag:s2] =	dma.local @!p0 [hbm:s0], s1  }
0x19d: {  	s0 =	simm.s32 @!p0 $0x3  }
0x19e: {  	_ =	swait.ge @!p0 [sflag:s0], s1  }
0x19f: {  	s1 =	ssub.s32 @!p0 $0x0, s1;
	[sflag:s0] =	ssyncset.done @!p0 $0x0  }
0x1a0: {  	[sflag:s0] =	ssyncadd.s32 @!p0 s1  }
0x1a1: {  	[bflag:$0x3] =	sbarrier.arrive $0xFFFF  }
0x1a2: {  	_ =	shalt  }

// kernel: kernel.8.cloned.1.call-start
scs
__scs_entry_jumppad:
0x0: {  	(pc) =	sbr.rel $0x88, $3  }
0x1: {  	(tag) =	ssettag $0x0;
	lr =	simm.s32 $0x1  }
0x2: {  	[smem:$0x3F9C] =	sst lr;
	_ =	strace $0xD0000000  }
0x3: {  	_ = 	snop  }
0x4: {  	_ = 	snop  }
0x5: {  	_ = 	snop  }
0x6: {  	_ = 	snop  }
0x7: {  	_ = 	snop  }
__scs_overlays_trampoline_lowered:
0x8: {  	[smem:$0x3FAB] =	sst s0  }
0x9: {  	[smem:$0x3FAC] =	sst s1  }
0xa: {  	[smem:$0x3FAD] =	sst s2  }
0xb: {  	[smem:$0x3FAE] =	sst s3  }
0xc: {  	[smem:$0x3FAF] =	sst s4  }
0xd: {  	[smem:$0x3FB0] =	sst s5  }
0xe: {  	[smem:$0x3FB1] =	sst s6  }
0xf: {  	[smem:$0x3FB2] =	sst s7  }
0x10: {  	[smem:$0x3FB3] =	sst s8  }
0x11: {  	[smem:$0x3FB4] =	sst s9;
	s0 =	simm.s32 @!p0 $0x0  }
0x12: {  	s1 =	sld [smem:$0x3F9A];
	s0 =	simm.s32 @p0 $0x1  }
0x13: {  	[smem:$0x3FB5] =	sst s0;
	s0 =	simm.s32 @!p1 $0x0  }
0x14: {  	s2 =	sld [smem:$0x3F99];
	s0 =	simm.s32 @p1 $0x1  }
0x15: {  	[smem:$0x3FB6] =	sst s0;
	s0 =	simm.s32 @!p2 $0x0  }
0x16: {  	s3 =	sld [smem:$0x3FDB];
	s0 =	simm.s32 @p2 $0x1  }
0x17: {  	s4 =	simm.s32 $0x1BF5;
	[smem:$0x3FB8] =	sst s0  }
0x18: {  	s0 =	sld [smem:$0x3F9B];
	_ =	swait.ge [sflag:s4], $0x0  }
0x19: {  	s7 =	sld [smem:$0x3F9C]  }
0x1a: {  	s8 =	sadd.s32 $0xFFFFE003, lr  }
0x1b: {  	s9 =	sadd.s32 $0xFFFFFEF7, lr;
	s5 =	simm.s32 $0xFFFFFFFF;
	p2 =	slt.u32 s8, $0xFFFFF086  }
0x1c: {  	p1 =	slt.u32 s9, $0xF7A;
	s5 =	simm.s32 @!p2 $0x0  }
0x1d: {  	s5 =	simm.s32 @p1 $0x1;
	p0 =	seq.s32 s7, s2  }
0x1e: {  	s7 =	smul.u32 @!p0 $0xF7A, s2;
	p2 =	seq.s32 @!p0 s5, $0x0  }
0x1f: {  	s9 =	smul.u32 $0xF7A, s1;
	s8 =	simm.s32 @!p0 $0x1BF5;
	p2 =	por !p2, p0  }
0x20: {  	[sflag:s8] =	ssyncset.s32 @!p0 $0xFFFFF086;
	s6 =	sadd.s32 @!p0 s3, s7;
	s7 =	simm.s32 @!p0 $0x108  }
0x21: {  	s3 =	sadd.s32 s3, s9;
	s6 =	sadd.s32 @!p0 $0x88, s6;
	s7 =	simm.s32 @p2 $0x1082  }
0x22: {  	[simem:s7], [sflag:s8] =	dma.local @!p0 [hbm:s6], $0xF7A  }
0x23: {  	s9 =	sor.u32 $0xD0000000, s2;
	s6 =	simm.s32 $0x108;
	_ =	swait.ge @!p0 [sflag:s8], $0x0  }
0x24: {  	s3 =	sadd.s32 $0x88, s3;
	s6 =	simm.s32 @!p1 $0x1082;
	[sflag:s4] =	ssyncset.s32 $0xFFFFF086  }
0x25: {  	[simem:s6], [sflag:s4] =	dma.local [hbm:s3], $0xF7A  }
0x26: {  	[smem:$0x3F9C] =	sst s1;
	(tag) =	ssettag s2;
	_ =	strace s9  }
0x27: {  	s1 =	sld [smem:$0x3FAC]  }
0x28: {  	s2 =	sld [smem:$0x3FAD]  }
0x29: {  	s4 =	sld [smem:$0x3FAF]  }
0x2a: {  	p0 =	seq.s32 s5, $0x0;
	s5 =	sld [smem:$0x3FB0]  }
0x2b: {  	s6 =	sld [smem:$0x3FB1]  }
0x2c: {  	s7 =	sld [smem:$0x3FB2]  }
0x2d: {  	s3 =	simm.s32 $0x108;
	s8 =	sld [smem:$0x3FB3]  }
0x2e: {  	s3 =	simm.s32 @!p0 $0x1082;
	s9 =	sld [smem:$0x3FB4]  }
0x2f: {  	lr =	sadd.s32 s0, s3;
	s0 =	sld [smem:$0x3FAB]  }
0x30: {  	s3 =	sld [smem:$0x3FAE]  }
0x31: {  	[smem:$0x3FB7] =	sst s10  }
0x32: {  	s10 =	sld [smem:$0x3FB5];
	_ =	sdelay $0x3  }
0x33: {  	p0 =	seq.s32 s10, $0x1;
	s10 =	sld [smem:$0x3FB7];
	_ =	sdelay $0x3  }
0x34: {  	[smem:$0x3FB7] =	sst s10  }
0x35: {  	s10 =	sld [smem:$0x3FB6];
	_ =	sdelay $0x3  }
0x36: {  	p1 =	seq.s32 s10, $0x1;
	s10 =	sld [smem:$0x3FB7];
	_ =	sdelay $0x3  }
0x37: {  	[smem:$0x3FB7] =	sst s10  }
0x38: {  	s10 =	sld [smem:$0x3FB8]  }
0x39: {  	_ = 	snop;
	(pc) =	sbr.ind lr, $3  }
0x3a: {  	_ = 	snop  }
0x3b: {  	_ = 	snop  }
0x3c: {  	p2 =	seq.s32 s10, $0x1;
	s10 =	sld [smem:$0x3FB7]  }
0x3d: {  	_ =	shalt  }
0x3e: {  	_ =	shalt  }
0x3f: {  	_ =	shalt  }
0x40: {  	_ =	shalt  }
0x41: {  	_ =	shalt  }
0x42: {  	_ =	shalt  }
0x43: {  	_ =	shalt  }
0x44: {  	_ =	shalt  }
0x45: {  	_ =	shalt  }
0x46: {  	_ =	shalt  }
0x47: {  	_ =	shalt  }
0x48: {  	_ =	shalt  }
0x49: {  	_ =	shalt  }
0x4a: {  	_ =	shalt  }
0x4b: {  	_ =	shalt  }
0x4c: {  	_ =	shalt  }
0x4d: {  	_ =	shalt  }
0x4e: {  	_ =	shalt  }
0x4f: {  	_ =	shalt  }
0x50: {  	_ =	shalt  }
0x51: {  	_ =	shalt  }
0x52: {  	_ =	shalt  }
0x53: {  	_ =	shalt  }
0x54: {  	_ =	shalt  }
0x55: {  	_ =	shalt  }
0x56: {  	_ =	shalt  }
0x57: {  	_ =	shalt  }
0x58: {  	_ =	shalt  }
0x59: {  	_ =	shalt  }
0x5a: {  	_ =	shalt  }
0x5b: {  	_ =	shalt  }
0x5c: {  	_ =	shalt  }
0x5d: {  	_ =	shalt  }
0x5e: {  	_ =	shalt  }
0x5f: {  	_ =	shalt  }
0x60: {  	_ =	shalt  }
0x61: {  	_ =	shalt  }
0x62: {  	_ =	shalt  }
0x63: {  	_ =	shalt  }
0x64: {  	_ =	shalt  }
0x65: {  	_ =	shalt  }
0x66: {  	_ =	shalt  }
0x67: {  	_ =	shalt  }
0x68: {  	_ =	shalt  }
0x69: {  	_ =	shalt  }
0x6a: {  	_ =	shalt  }
0x6b: {  	_ =	shalt  }
0x6c: {  	_ =	shalt  }
0x6d: {  	_ =	shalt  }
0x6e: {  	_ =	shalt  }
0x6f: {  	_ =	shalt  }
0x70: {  	_ =	shalt  }
0x71: {  	_ =	shalt  }
0x72: {  	_ =	shalt  }
0x73: {  	_ =	shalt  }
0x74: {  	_ =	shalt  }
0x75: {  	_ =	shalt  }
0x76: {  	_ =	shalt  }
0x77: {  	_ =	shalt  }
0x78: {  	_ =	shalt  }
0x79: {  	_ =	shalt  }
0x7a: {  	_ =	shalt  }
0x7b: {  	_ =	shalt  }
0x7c: {  	_ =	shalt  }
0x7d: {  	_ =	shalt  }
0x7e: {  	_ =	shalt  }
0x7f: {  	_ =	shalt  }
0x80: {  	_ =	shalt  }
0x81: {  	_ =	shalt  }
0x82: {  	_ =	shalt  }
0x83: {  	_ =	shalt  }
0x84: {  	_ =	shalt  }
0x85: {  	_ =	shalt  }
0x86: {  	_ =	shalt  }
0x87: {  	_ =	shalt  }
.Lfunc_end0:
.L_simem_size_0:
called_computation.1_lowered:
.L_overlay_start_0:
0x88: {  	s2 =	sld [smem:$0x3FD9]  }
0x89: {  	s3 =	sld [smem:$0x3FFE];
	_ =	sdelay $0x1  }
0x8a: {  	s1 =	srdreg.scid  }
0x8b: {  	s0 =	sand.u32 $0x1, s1  }
0x8c: {  	s14 =	sshll.u32 s0, $0xA;
	s2 =	sadd.s32 s3, s2  }
0x8d: {  	s2 =	sadd.s32 s2, s14  }
0x8e: {  	[smem:$0x3FC3] =	sst s2  }
0x8f: {  	_ = 	snop  }
0x90: {  	s2 =	sld [smem:$0x3FD0];
	_ =	sdelay $0x2  }
0x91: {  	s15 =	simm.s32 $0xA;
	s4 =	simm.s32 $0x10  }
0x92: {  	[smem:s4], [sflag:s15] =	dma.local [hbm:s2], $0x1  }
0x93: {  	_ =	swait.eq [sflag:s15], $0x1  }
0x94: {  	[sflag:s15] =	ssyncset.done $0x0  }
0x95: {  	[sflag:s15] =	ssyncadd.s32 $0xFFFFFFFF  }
0x96: {  	s16 =	sld [smem:$0x11];
	(tm) =	ssettm $0x1  }
0x97: {  	s17 =	sld [smem:$0x3FFB];
	_ =	sdelay $0x3  }
0x98: {  	_ =	strace s17  }
0x99: {  	s3 =	sld [smem:$0x3FFC];
	_ =	sdelay $0x3  }
0x9a: {  	_ =	strace s3  }
0x9b: {  	s3 =	sld [smem:$0x3FFD];
	_ =	sdelay $0x3  }
0x9c: {  	_ =	strace s3  }
0x9d: {  	_ =	strace $0x8FFFFFFF  }
0x9e: {  	s18 =	sld [smem:$0x3FDB];
	_ =	sdelay $0x1  }
0x9f: {  	s19 =	simm.s32 $_scs_section_size  }
0xa0: {  	s5 =	simm.s32 $_size__tile_overlayer_lowered;
	s6 =	simm.s32 $_tile_overlayer_lowered  }
0xa1: {  	s22 =	simm.s32 $0x1BFF;
	s21 =	sshll.u32 s6, $0x1;
	s3 =	sadd.s32 s19, s18  }
0xa2: {  	s7 =	simm.s32 $0x0;
	s20 =	sshll.u32 s5, $0x1;
	s5 =	sadd.s32 s21, s3  }
0xa3: {  	[timem:s7], [sflag:s22] =	dma.local [hbm:s5], s20  }
0xa4: {  	_ =	swait.ge [sflag:s22], s20  }
0xa5: {  	s4 =	ssub.s32 $0x0, s20;
	[sflag:s22] =	ssyncset.done $0x0  }
0xa6: {  	[sflag:s22] =	ssyncadd.s32 s4;
	_ =	sdelay $0x1  }
0xa7: {  	s23 =	simm.s32 $0x1B8B  }
0xa8: {  	_ =	swait.ge [sflag:s23], $0x1  }
0xa9: {  	[sflag:s23] =	ssyncset.done $0x0  }
0xaa: {  	s25 =	simm.s32 $0x1B8E;
	s24 =	sld [smem:$0x3FFE];
	[sflag:s23] =	ssyncadd.s32 $0xFFFFFFFF  }
0xab: {  	s26 =	simm.s32 $execute0_lowered;
	[smem:$0x3FD2] =	sst s25  }
0xac: {  	s5 =	sshll.u32 s26, $0x1;
	_ =	strace $0x80000049;
	[dreg:$0x1] =	wrdreg $0xFFFFFFFF  }
0xad: {  	s28 =	simm.s32 $_size_execute0_lowered;
	s3 =	sadd.s32 s3, s5;
	[dreg:$0x0] =	wrdreg $0x0  }
0xae: {  	s5 =	sshll.u32 s28, $0x1;
	[dreg:$0x2] =	wrdreg s3  }
0xaf: {  	[dreg:$0x3] =	wrdreg s5  }
0xb0: {  	[dreg:$0x4] =	wrdreg $0xC0  }
0xb1: {  	_ =	task [dreg:s7], $0x5FFFF  }
0xb2: {  	[dreg:$0x1] =	wrdreg $0xFFFFFFFF  }
0xb3: {  	[dreg:$0x0] =	wrdreg $0x60  }
0xb4: {  	[dreg:$0x2] =	wrdreg s16  }
0xb5: {  	[dreg:$0x3] =	wrdreg s24  }
0xb6: {  	[dreg:$0x4] =	wrdreg $0x98000  }
0xb7: {  	[dreg:$0x5] =	wrdreg $0x9  }
0xb8: {  	_ =	task.clear_ibuf [dreg:s7], $0x6FFFF;
	_ =	strace $0x90000049  }
0xb9: {  	s29 =	simm.s32 $0x9;
	_ =	strace $0x8000004B  }
0xba: {  	_ =	swait.ge [sflag:s29], $0x1  }
0xbb: {  	[sflag:s29] =	ssyncadd.s32 $0xFFFFFFFF  }
0xbc: {  	_ =	strace $0x9000004B  }
0xbd: {  	_ =	sfence  }
0xbe: {  	s30 =	sld [smem:$0x0];
	_ =	sdelay $0x2  }
0xbf: {  	s31 =	sshll.u32 s1, $0xD;
	s1 =	sshrl.u32 s1, $0x2  }
0xc0: {  	s3 =	sand.u32 $0x4000, s31;
	s1 =	sadd.s32 s1, s30  }
0xc1: {  	s0 =	sor.u32 s3, s0;
	s1 =	sshll.u32 s1, $0x11  }
0xc2: {  	s0 =	sor.u32 s1, s0  }
0xc3: {  	s0 =	sadd.s32 $0x8F2B, s0  }
0xc4: {  	[sflag:s0] =	ssyncadd.remote.s32 $0x1  }
0xc5: {  	_ =	sfence.sel $0xFFFF  }
0xc6: {  	[dreg:$0x0] =	wrdreg $0xFFFFFFFF;
	(pc) =	sbr.abs _section_cstart, $3  }
0xc7: {  	[dreg:$0x1] =	wrdreg $0xFFFFFFFF  }
0xc8: {  	_ =	task.clear_ibuf [dreg:s7], $0x2FFFF;
	_ =	strace $0x9FFFFFFF  }
0xc9: {  	(tm) =	ssettm $0x7FFFFFFF  }
tec
execute0_lowered:
.L_overlay_start_1:
0x0: {  	(tag) =	ssettag $0x1  }
0x1: {  	s5 =	rddreg [dreg:$0x0]  }
0x2: {  	s4 =	rddreg [dreg:$0x1]  }
0x3: {  	s1 =	rddreg [dreg:$0x2]  }
0x4: {  	s2 =	srdreg.scid;
	s0 =	rddreg [dreg:$0x3]  }
0x5: {  	s3 =	simm.s32 $0x0;
	s14 =	simm.s32 $0x50;
	s15 =	simm.s32 $0x2000  }
0x6: {  	s16 =	simm.s32 $0x4800;
	s17 =	simm.s32 $0x1;
	s18 =	simm.s32 $0x2  }
0x7: {  	s19 =	simm.s32 $0x7000;
	s20 =	simm.s32 $0x0;
	s6 =	sand.u32 $0x1, s2  }
0x8: {  	s2 =	stileid.u32;
	[smem:$0x7FF] =	sst s3;
	s7 =	sshll.u32 s6, $0x4  }
0x9: {  	_ =	strace $0x8000004A;
	s6 =	ssub.s32 $0x2, s6;
	s29 =	smul.u32 $0x50000, s2  }
0xa: {  	s10 =	smul.u32 $0x2800, s2;
	s11 =	sor.u32 s2, s7;
	s8 =	sshrl.u32 s6, $0x1  }
0xb: {  	s31 =	sshll.u32 s2, $0x6;
	s7 =	sshll.u32 s11, $0x9;
	s12 =	ssub.s32 s6, s8  }
.Ltmp0:
0xc: {  	s30 =	sshrl.u32 s29, $0x2;
	s5 =	sadd.s32 s5, s10;
	(pc) =	sbr.rel .LBB2_1-.Ltmp0, $4  }
0xd: {  	s6 =	sor.u32 $0x1C03, s31;
	p0 =	sgt.u32 s11, $0x1D;
	s9 =	sadd.s32 s7, s4  }
0xe: {  	s4 =	sadd.s32 $0x62A00, s4;
	s13 =	sadd.s32 s30, s1;
	s7 =	smul.u32 $0x7D0, s11  }
0xf: {  	s10 =	smax.u32 s12, $0x1;
	s12 =	simm.s32 $0x3;
	s8 =	sadd.s32 $0x5EE00, s9  }
0x10: {  	s9 =	sadd.s32 $0x5B200, s9;
	s11 =	sshrl.u32 s13, $0x3;
	s13 =	simm.s32 $0x1000  }
.LBB2_6:
0x11: {  	s20 =	sadd.s32 $0x1, s20  }
0x12: {  	p1 =	sne.s32 s20, s10  }
.Ltmp1:
0x13: {  	_ = 	snop;
	(pc) =	sbr.rel @!p1 .LBB2_7-.Ltmp1, $1  }
0x14: {  	_ =	sdelay $0x3  }
.LBB2_1:
0x15: {  	[spmem:s11], [sflag:s6] =	dma.local [hbm:s5], $0x2800  }
.Ltmp2:
0x16: {  	_ =	swait.ge [sflag:s12], $0x2800;
	(pc) =	sbr.rel @p0 .LBB2_6-.Ltmp2, $3  }
0x17: {  	[sflag:s12] =	ssyncset.done $0x0  }
0x18: {  	[sflag:s12] =	ssyncadd.s32 $0xFFFFD800  }
0x19: {  	[bflag:$0x0] =	sbarrier.arrive $0xFFFF;
	_ =	sdelay $0x1  }
0x1a: {  	s21 =	simm.s32 $0x0  }
0x1b: {  	[tilespmem:s21], [sflag:$0x3] =	stream.linear.gather [hbm4b:s8+s21], $0xC80, $0x38;
	[tilespmem:$0x1D800] =	vst v63  }
0x1c: {  	_ =	swait.ge [sflag:s12], $0xC80  }
0x1d: {  	[sflag:s12] =	ssyncset.done $0x0  }
0x1e: {  	[sflag:s12] =	ssyncadd.s32 $0xFFFFF380  }
0x1f: {  	[tilespmem:s13], [sflag:$0x3] =	stream.linear.gather [hbm4b:s9+s21], $0xC80, $0x38;
	[tilespmem:$0x1D800] =	vst v63  }
0x20: {  	_ =	swait.ge [sflag:s12], $0xC80  }
0x21: {  	[sflag:s12] =	ssyncset.done $0x0  }
0x22: {  	[sflag:s12] =	ssyncadd.s32 $0xFFFFF380  }
.LBB2_3:
0x23: {  	s22 =	sshll.u32 s21, $0x7  }
0x24: {  	[tilespmem:s15], [sflag:$0x1] =	stream.indirect.gather [spmem:s1], $0x80, s22, s14, $0xb8;
	[tilespmem:$0x1D800] =	vst v63  }
0x25: {  	s22 =	sadd.s32 $0x1000, s22  }
0x26: {  	[tilespmem:s16], [sflag:$0x2] =	stream.indirect.gather [spmem:s1], $0x80, s22, s14, $0xb8;
	[tilespmem:$0x1D800] =	vst v63  }
0x27: {  	_ =	swait.ge [sflag:s17], $0x2800  }
0x28: {  	[sflag:s17] =	ssyncset.done $0x0  }
0x29: {  	[sflag:s17] =	ssyncadd.s32 $0xFFFFD800  }
0x2a: {  	_ =	swait.ge [sflag:s18], $0x2800  }
0x2b: {  	[sflag:s18] =	ssyncset.done $0x0  }
0x2c: {  	s22 =	simm.s32 $0x0;
	[sflag:s18] =	ssyncadd.s32 $0xFFFFD800  }
0x2d: {  	v0 =	vld [tilespmem:s22+$0x2000]  }
0x2e: {  	v1 =	vld [tilespmem:s22+$0x4840]  }
0x2f: {  	v2 =	vld [tilespmem:s22+$0x2005]  }
0x30: {  	v3 =	vld [tilespmem:s22+$0x4845]  }
0x31: {  	s23 =	simm.s32 $0x200  }
.LBB2_4:
0x32: {  	s24 =	sshra.s32 s23, $0x2;
	v4 =	vmov v0;
	p1 =	sne.s32 s23, $0x9E00  }
.Ltmp3:
0x33: {  	v0 =	vld [tilespmem:s24+$0x2000];
	(pc) =	sbr.rel @p1 .LBB2_4-.Ltmp3, $4  }
0x34: {  	v4 =	vadd.f32 v1, v4;
	v1 =	vld [tilespmem:s24+$0x4840]  }
0x35: {  	s23 =	sadd.s32 $0x200, s23;
	v5 =	vadd.f32 v3, v2;
	v2 =	vld [tilespmem:s24+$0x2005]  }
0x36: {  	v3 =	vld [tilespmem:s24+$0x4845];
	[tilespmem:s22+$0x7000] =	vst v4  }
0x37: {  	[tilespmem:s22+$0x7005] =	vst v5;
	s22 =	smov.u32 s24  }
0x38: {  	_ = 	snop  }
0x39: {  	s23 =	smul.u32 $0x50, s21  }
0x3a: {  	v0 =	vadd.f32 v1, v0  }
0x3b: {  	s23 =	sadd.s32 s7, s23;
	v63 =	vadd.f32 v3, v2  }
0x3c: {  	s21 =	sadd.s32 $0x1, s21;
	[tilespmem:s22+$0x7000] =	vst v0;
	s23 =	sshll.u32 s23, $0x4  }
0x3d: {  	p1 =	sne.s32 s21, $0x19;
	s31 =	sadd.s32 s4, s23;
	[tilespmem:s22+$0x7005] =	vst v63  }
0x3e: {  	[hbm4b:s31+s3] =	stream.linear.scatter [tilespmem:s19], [sflag:$0x3], $0x2800, $0x38;
	[tilespmem:$0x1D800] =	vst v63  }
.Ltmp4:
0x3f: {  	_ = 	snop;
	(pc) =	sbr.rel @p1 .LBB2_3-.Ltmp4, $4  }
.Ltmp5:
0x40: {  	_ = 	snop;
	(pc) =	sbr.rel @!p1 .LBB2_6-.Ltmp5, $4  }
0x41: {  	_ =	swait.ge [sflag:s12], $0x2800  }
0x42: {  	[sflag:s12] =	ssyncset.done $0x0  }
0x43: {  	[sflag:s12] =	ssyncadd.s32 $0xFFFFD800  }
0x44: {  	_ = 	snop  }
.LBB2_7:
0x45: {  	_ =	sfence.sel $0x180000  }
0x46: {  	[bflag:$0x0] =	sbarrier.arrive $0xFFFF  }
0x47: {  	p0 =	sne.s32 s2, $0x0;
	_ =	strace $0x9000004A  }
0x48: {  	s0 =	sadd.s32 @!p0 $0x100000, s0;
	[bflag:$0x2] =	sbarrier.arrive $0xFFFF  }
0x49: {  	[sflag:s0] =	ssyncadd.tile.s32 @!p0 $0x1;
	_ =	shalt  }
.Lfunc_end2:
_tile_overlayer_lowered:
.L_overlay_start_2:
0x4a: {  	(tag) =	ssettag $0x2  }
0x4b: {  	s0 =	rddreg [dreg:$0x0];
	s2 =	stileid.u32  }
0x4c: {  	s1 =	rddreg [dreg:$0x1];
	p0 =	sne.s32 s2, $0x0  }
0x4d: {  	s3 =	rddreg [dreg:$0x2];
	[bflag:$0x3] =	sbarrier.arrive $0xFFFF;
	s2 =	simm.s32 @!p0 $0x1C03  }
0x4e: {  	[timem:s3], [sflag:s2] =	dma.local @!p0 [hbm:s0], s1  }
0x4f: {  	s0 =	simm.s32 @!p0 $0x3  }
0x50: {  	_ =	swait.ge @!p0 [sflag:s0], s1  }
0x51: {  	s1 =	ssub.s32 @!p0 $0x0, s1;
	[sflag:s0] =	ssyncset.done @!p0 $0x0  }
0x52: {  	[sflag:s0] =	ssyncadd.s32 @!p0 s1  }
0x53: {  	[bflag:$0x3] =	sbarrier.arrive $0xFFFF  }
0x54: {  	_ =	shalt  }

</sc_bundles>
